<compile_context>
chip_gen: v7x
topology: tpu7x:2x2x1
jax: 0.10.2.dev20260603
libtpu: 0.0.44.dev20260713+nightly
codegen_flags: <defaults>
</compile_context>

<pallas_src>
import functools

import jax
import jax.numpy as jnp
from jax import lax
from jax.experimental import pallas as pl
from jax.experimental.pallas import tpu as pltpu
from jax.experimental.pallas import tpu_sc as plsc

B, L = 1024, 200
VOCAB = 100000
H = 128
TYPES = 2
EPS = 1e-12

NC, NS, LANES = 2, 16, 16
NW = NC * NS
BT = B * L
TPW = BT // NW
C = 64
NCHUNK = TPW // C
NROW = BT // C
NSLICE = H // LANES

_mesh = plsc.VectorSubcoreMesh(core_axis_name="c", subcore_axis_name="s")


@functools.partial(
    pl.kernel,
    out_type=jax.ShapeDtypeStruct((BT, H), jnp.float32),
    mesh=_mesh,
    compiler_params=pltpu.CompilerParams(needs_layout_passes=False),
    scratch_types=[
        pltpu.VMEM((TPW,), jnp.int32),
        pltpu.VMEM((TPW,), jnp.int32),
        pltpu.VMEM((TPW + 16,), jnp.int32),
        pltpu.VMEM((2, C, H), jnp.float32),
        pltpu.VMEM((2, C, H), jnp.float32),
        pltpu.VMEM((2, C, H), jnp.float32),
        pltpu.VMEM((TYPES * L * H,), jnp.float32),
        pltpu.VMEM((H,), jnp.float32),
        pltpu.VMEM((H,), jnp.float32),
        pltpu.SemaphoreType.DMA,
        pltpu.SemaphoreType.DMA,
        pltpu.SemaphoreType.DMA,
        pltpu.SemaphoreType.DMA,
    ],
)
def _sc_embed_ln(wi_hbm, tp_hbm, cb_hbm, word_hbm, tokpos_hbm, comb_hbm,
                 gamma_hbm, beta_hbm, out_hbm,
                 wi_a, tp_a, cb_a, wbufs, pbufs, obufs, comb_v, g_v, b_v,
                 semg0, semg1, semo0, semo1):
    wid = lax.axis_index("s") * NC + lax.axis_index("c")
    base0 = wid * TPW

    pltpu.async_copy(wi_hbm.at[pl.ds(base0, TPW)], wi_a, semg0)
    pltpu.async_copy(tp_hbm.at[pl.ds(base0, TPW)], tp_a, semg0)
    pltpu.async_copy(gamma_hbm, g_v, semg1)
    pltpu.async_copy(beta_hbm, b_v, semg1)
    pltpu.async_copy(cb_hbm.at[pl.ds(base0, TPW)], cb_a.at[pl.ds(0, TPW)], semg1)
    pltpu.async_copy(comb_hbm, comb_v, semg1)
    pltpu.make_async_copy(wi_hbm.at[pl.ds(base0, TPW)], wi_a, semg0).wait()
    pltpu.make_async_copy(tp_hbm.at[pl.ds(base0, TPW)], tp_a, semg0).wait()

    def fire(c, slot, sem):
        pltpu.async_copy(word_hbm.at[wi_a.at[pl.ds(c * C, C)]], wbufs.at[slot], sem)
        pltpu.async_copy(tokpos_hbm.at[tp_a.at[pl.ds(c * C, C)]], pbufs.at[slot], sem)

    def drain_gather(c, slot, sem):
        pltpu.make_async_copy(word_hbm.at[wi_a.at[pl.ds(c * C, C)]], wbufs.at[slot], sem).wait()
        pltpu.make_async_copy(tokpos_hbm.at[tp_a.at[pl.ds(c * C, C)]], pbufs.at[slot], sem).wait()

    def compute(c, slot, gsv, bsv):
        wbuf, pbuf, obuf = wbufs.at[slot], pbufs.at[slot], obufs.at[slot]
        iot = lax.iota(jnp.int32, LANES)

        @plsc.parallel_loop(0, C, unroll=2, carry=(gsv, bsv))
        def token_body(t, tcarry):
            tgs, tbs = tcarry
            xs = []
            s = jnp.zeros((LANES,), jnp.float32)
            ss = jnp.zeros((LANES,), jnp.float32)
            cvec = cb_a[pl.ds(c * C + t, LANES)]
            cbase = cvec[0] + iot
            for k in range(NSLICE):
                sl = pl.ds(k * LANES, LANES)
                xc = plsc.load_gather(comb_v, [cbase + (k * LANES)])
                x = wbuf[t, sl] + pbuf[t, sl] + xc
                xs.append(x)
                s = s + x
                ss = ss + x * x
            tot = jnp.sum(s)
            tot2 = jnp.sum(ss)
            mean = tot * (1.0 / H)
            var = tot2 * (1.0 / H) - mean * mean
            vv = jnp.full((LANES,), var + EPS, jnp.float32)
            iv = lax.bitcast_convert_type(vv, jnp.int32)
            yi = jnp.int32(0x5F3759DF) - lax.shift_right_logical(iv, 1)
            y = lax.bitcast_convert_type(yi, jnp.float32)
            for _ in range(2):
                y = y * (1.5 - 0.5 * vv * y * y)
            for k in range(NSLICE):
                sl = pl.ds(k * LANES, LANES)
                t1 = y * tgs[k]
                obuf[t, sl] = xs[k] * t1 + (tbs[k] - mean * t1)
            return tcarry

    fire(0, 0, semg0)
    pltpu.make_async_copy(gamma_hbm, g_v, semg1).wait()
    pltpu.make_async_copy(beta_hbm, b_v, semg1).wait()
    pltpu.make_async_copy(cb_hbm.at[pl.ds(base0, TPW)], cb_a.at[pl.ds(0, TPW)],
                          semg1).wait()
    pltpu.make_async_copy(comb_hbm, comb_v, semg1).wait()

    gs = [g_v[pl.ds(k * LANES, LANES)] for k in range(NSLICE)]
    bs = [b_v[pl.ds(k * LANES, LANES)] for k in range(NSLICE)]

    def pair_body(i, carry):
        gsv, bsv = carry
        for b in range(2):
            semg = semg0 if b == 0 else semg1
            semg_next = semg1 if b == 0 else semg0
            semo = semo0 if b == 0 else semo1
            c = 2 * i + b

            @pl.when(c + 1 < NCHUNK)
            def _():
                fire(c + 1, 1 - b, semg_next)

            drain_gather(c, b, semg)

            @pl.when(c >= 2)
            def _():
                pltpu.make_async_copy(
                    obufs.at[b], out_hbm.at[pl.ds(base0 + c * C, C)], semo
                ).wait()

            compute(c, b, gsv, bsv)
            pltpu.async_copy(
                obufs.at[b], out_hbm.at[pl.ds(base0 + c * C, C)], semo
            )
        return carry

    lax.fori_loop(0, NCHUNK // 2, pair_body, (tuple(gs), tuple(bs)),
                  unroll=False)
    pltpu.make_async_copy(
        obufs.at[0], out_hbm.at[pl.ds(base0 + (NCHUNK - 2) * C, C)], semo0
    ).wait()
    pltpu.make_async_copy(
        obufs.at[1], out_hbm.at[pl.ds(base0 + (NCHUNK - 1) * C, C)], semo1
    ).wait()


def kernel(input_ids, token_type_ids, position_ids, pos_ids,
           word_table, pos_table, type_table, tokpos_table, gamma, beta):
    wi = input_ids.reshape(-1).astype(jnp.int32)
    tp = pos_ids.reshape(-1).astype(jnp.int32)
    pos_rows = jnp.take(pos_table, position_ids[0].astype(jnp.int32), axis=0)
    comb = (type_table[:, None, :] + pos_rows[None, :, :]).reshape(TYPES * L * H)
    cb = ((token_type_ids.astype(jnp.int32) * L
           + jnp.arange(L, dtype=jnp.int32)[None, :]) * H).reshape(-1)
    out = _sc_embed_ln(wi, tp, cb, word_table.astype(jnp.float32),
                       tokpos_table.astype(jnp.float32), comb,
                       gamma.astype(jnp.float32), beta.astype(jnp.float32))
    return out.reshape(B, L, H)

# --- scband reference (transcript-rebuilt; emitter-appended) ---
"""Pipeline reference for scband-bert-embeddings-pos-24653112279124 (READ-ONLY COPY).

The authoritative reference and input builder live on the scoring server;
editing this copy changes nothing except your own understanding.
"""

import jax, jax.numpy as jnp
import numpy as np

B, L = 1024, 200
VOCAB = 100000
H = 128
MAXPOS = 512
TYPES = 2
EPS = 1e-12


def setup_inputs(seed: int = 0) -> dict:
    key = jax.random.key(seed)
    ks = jax.random.split(key, 8)
    input_ids = jax.random.randint(ks[0], (B, L), 0, VOCAB)
    token_type_ids = jax.random.randint(ks[1], (B, L), 0, TYPES)
    position_ids = jnp.arange(L).reshape(1, L)
    pos_ids = jax.random.randint(ks[2], (B, L), 0, VOCAB)
    word_table = jax.random.normal(ks[3], (VOCAB, H), dtype=jnp.float32) * 0.02
    word_table = word_table.at[0].set(0.0)  # padding_idx=0
    pos_table = jax.random.normal(ks[4], (MAXPOS, H), dtype=jnp.float32) * 0.02
    type_table = jax.random.normal(ks[5], (TYPES, H), dtype=jnp.float32) * 0.02
    tokpos_table = jax.random.normal(ks[6], (VOCAB, H), dtype=jnp.float32) * 0.02
    tokpos_table = tokpos_table.at[0].set(0.0)  # padding_idx=0
    gamma = jnp.ones((H,), dtype=jnp.float32)
    beta = jnp.zeros((H,), dtype=jnp.float32)
    return {
        'input_ids': input_ids,
        'token_type_ids': token_type_ids,
        'position_ids': position_ids,
        'pos_ids': pos_ids,
        'word_table': word_table,
        'pos_table': pos_table,
        'type_table': type_table,
        'tokpos_table': tokpos_table,
        'gamma': gamma,
        'beta': beta,
    }


def reference(input_ids, token_type_ids, position_ids, pos_ids,
              word_table, pos_table, type_table, tokpos_table, gamma, beta):
    inputs_embeds = jnp.take(word_table, input_ids, axis=0)            # [B, L, H]
    position_embeddings = jnp.take(pos_table, position_ids, axis=0)    # [1, L, H]
    token_type_embeddings = jnp.take(type_table, token_type_ids, axis=0)  # [B, L, H]
    token_pos_embeddings = jnp.take(tokpos_table, pos_ids, axis=0)     # [B, L, H]
    embeddings = inputs_embeds + position_embeddings + token_type_embeddings + token_pos_embeddings
    # LayerNorm (torch uses biased variance), eps = 1e-12
    mean = jnp.mean(embeddings, axis=-1, keepdims=True)
    var = jnp.mean((embeddings - mean) ** 2, axis=-1, keepdims=True)
    normed = (embeddings - mean) / jnp.sqrt(var + EPS)
    out = normed * gamma + beta
    # dropout is identity in eval mode
    return out

if __name__ == "__main__":
    import jax
    _d = setup_inputs()
    print(jax.jit(kernel)(*tuple(_d.values())))

</pallas_src>

<mosaic_0001>
#map = affine_map<(d0, d1) -> (0)>
#map1 = affine_map<(d0, d1) -> (0, 0)>
module attributes {stable_mosaic.version = 14 : i64} {
  func.func @_sc_embed_ln(%arg0: i32, %arg1: i32, %arg2: memref<204800xi32, #tpu.memory_space<hbm>>, %arg3: memref<204800xi32, #tpu.memory_space<hbm>>, %arg4: memref<204800xi32, #tpu.memory_space<hbm>>, %arg5: memref<100000x128xf32, #tpu.memory_space<hbm>>, %arg6: memref<100000x128xf32, #tpu.memory_space<hbm>>, %arg7: memref<51200xf32, #tpu.memory_space<hbm>>, %arg8: memref<128xf32, #tpu.memory_space<hbm>>, %arg9: memref<128xf32, #tpu.memory_space<hbm>>, %arg10: memref<204800x128xf32, #tpu.memory_space<hbm>>, %arg11: memref<6400xi32, #tpu.memory_space<vmem>>, %arg12: memref<6400xi32, #tpu.memory_space<vmem>>, %arg13: memref<6416xi32, #tpu.memory_space<vmem>>, %arg14: memref<2x64x128xf32, #tpu.memory_space<vmem>>, %arg15: memref<2x64x128xf32, #tpu.memory_space<vmem>>, %arg16: memref<2x64x128xf32, #tpu.memory_space<vmem>>, %arg17: memref<51200xf32, #tpu.memory_space<vmem>>, %arg18: memref<128xf32, #tpu.memory_space<vmem>>, %arg19: memref<128xf32, #tpu.memory_space<vmem>>, %arg20: memref<!tpu.dma_semaphore, #tpu.memory_space<semaphore_mem>>, %arg21: memref<!tpu.dma_semaphore, #tpu.memory_space<semaphore_mem>>, %arg22: memref<!tpu.dma_semaphore, #tpu.memory_space<semaphore_mem>>, %arg23: memref<!tpu.dma_semaphore, #tpu.memory_space<semaphore_mem>>) attributes {dimension_semantics = [#tpu.dimension_semantics<core_parallel>, #tpu.dimension_semantics<subcore_parallel>], iteration_bounds = array<i64: 2, 16>, scalar_prefetch = 0 : i64, scratch_operands = 13 : i64, tpu.core_type = #tpu.core_type<sc_vector_subcore>, window_params = [{transform_indices = #map}, {transform_indices = #map}, {transform_indices = #map}, {transform_indices = #map1}, {transform_indices = #map1}, {transform_indices = #map}, {transform_indices = #map}, {transform_indices = #map}, {transform_indices = #map1}]} {
    %mul3A = arith.constant 2 : i32
    %mul3A_0 = arith.muli %arg1, %mul3A : i32
    %add3A = arith.addi %mul3A_0, %arg0 : i32
    %mul3A_1 = arith.constant 6400 : i32
    %mul3A_2 = arith.muli %add3A, %mul3A_1 : i32
    %dma_start3A = tpu.memref_slice %arg2[%mul3A_2] : memref<204800xi32, #tpu.memory_space<hbm>> -> memref<6400xi32, #tpu.memory_space<hbm>>
    %dma_start3A_3 = tpu.memref_slice %arg2[%mul3A_2] : memref<204800xi32, #tpu.memory_space<hbm>> -> memref<6400xi32, #tpu.memory_space<hbm>>
    tpu.enqueue_dma source(%dma_start3A_3 : memref<6400xi32, #tpu.memory_space<hbm>>) target(%arg11 : memref<6400xi32, #tpu.memory_space<vmem>>) target_semaphore(%arg20 : memref<!tpu.dma_semaphore, #tpu.memory_space<semaphore_mem>>)
    %dma_start3A_4 = tpu.memref_slice %arg3[%mul3A_2] : memref<204800xi32, #tpu.memory_space<hbm>> -> memref<6400xi32, #tpu.memory_space<hbm>>
    %dma_start3A_5 = tpu.memref_slice %arg3[%mul3A_2] : memref<204800xi32, #tpu.memory_space<hbm>> -> memref<6400xi32, #tpu.memory_space<hbm>>
    tpu.enqueue_dma source(%dma_start3A_5 : memref<6400xi32, #tpu.memory_space<hbm>>) target(%arg12 : memref<6400xi32, #tpu.memory_space<vmem>>) target_semaphore(%arg20 : memref<!tpu.dma_semaphore, #tpu.memory_space<semaphore_mem>>)
    tpu.enqueue_dma source(%arg8 : memref<128xf32, #tpu.memory_space<hbm>>) target(%arg18 : memref<128xf32, #tpu.memory_space<vmem>>) target_semaphore(%arg21 : memref<!tpu.dma_semaphore, #tpu.memory_space<semaphore_mem>>)
    tpu.enqueue_dma source(%arg9 : memref<128xf32, #tpu.memory_space<hbm>>) target(%arg19 : memref<128xf32, #tpu.memory_space<vmem>>) target_semaphore(%arg21 : memref<!tpu.dma_semaphore, #tpu.memory_space<semaphore_mem>>)
    %dma_start3A_6 = arith.constant 0 : i32
    %dma_start3A_7 = tpu.memref_slice %arg13[%dma_start3A_6] : memref<6416xi32, #tpu.memory_space<vmem>> -> memref<6400xi32, #tpu.memory_space<vmem>>
    %dma_start3A_8 = tpu.memref_slice %arg4[%mul3A_2] : memref<204800xi32, #tpu.memory_space<hbm>> -> memref<6400xi32, #tpu.memory_space<hbm>>
    %dma_start3A_9 = arith.constant 0 : i32
    %dma_start3A_10 = tpu.memref_slice %arg13[%dma_start3A_9] : memref<6416xi32, #tpu.memory_space<vmem>> -> memref<6400xi32, #tpu.memory_space<vmem>>
    %dma_start3A_11 = tpu.memref_slice %arg4[%mul3A_2] : memref<204800xi32, #tpu.memory_space<hbm>> -> memref<6400xi32, #tpu.memory_space<hbm>>
    tpu.enqueue_dma source(%dma_start3A_11 : memref<6400xi32, #tpu.memory_space<hbm>>) target(%dma_start3A_10 : memref<6400xi32, #tpu.memory_space<vmem>>) target_semaphore(%arg21 : memref<!tpu.dma_semaphore, #tpu.memory_space<semaphore_mem>>)
    tpu.enqueue_dma source(%arg7 : memref<51200xf32, #tpu.memory_space<hbm>>) target(%arg17 : memref<51200xf32, #tpu.memory_space<vmem>>) target_semaphore(%arg21 : memref<!tpu.dma_semaphore, #tpu.memory_space<semaphore_mem>>)
    %dma_wait3A = tpu.memref_slice %arg2[%mul3A_2] : memref<204800xi32, #tpu.memory_space<hbm>> -> memref<6400xi32, #tpu.memory_space<hbm>>
    %dma_wait3A_12 = tpu.memref_slice %arg2[%mul3A_2] : memref<204800xi32, #tpu.memory_space<hbm>> -> memref<6400xi32, #tpu.memory_space<hbm>>
    tpu.wait_dma2 semaphore(%arg20 : memref<!tpu.dma_semaphore, #tpu.memory_space<semaphore_mem>>) src(%dma_wait3A_12 : memref<6400xi32, #tpu.memory_space<hbm>>) dst(%arg11 : memref<6400xi32, #tpu.memory_space<vmem>>)
    %dma_wait3A_13 = tpu.memref_slice %arg3[%mul3A_2] : memref<204800xi32, #tpu.memory_space<hbm>> -> memref<6400xi32, #tpu.memory_space<hbm>>
    %dma_wait3A_14 = tpu.memref_slice %arg3[%mul3A_2] : memref<204800xi32, #tpu.memory_space<hbm>> -> memref<6400xi32, #tpu.memory_space<hbm>>
    tpu.wait_dma2 semaphore(%arg20 : memref<!tpu.dma_semaphore, #tpu.memory_space<semaphore_mem>>) src(%dma_wait3A_14 : memref<6400xi32, #tpu.memory_space<hbm>>) dst(%arg12 : memref<6400xi32, #tpu.memory_space<vmem>>)
    %dma_start3A_15 = arith.constant 0 : i32
    %dma_start3A_16 = arith.constant 0 : i32
    %dma_start3A_17 = arith.constant 0 : i32
    %dma_start3A_18 = tpu.memref_slice %arg14[%dma_start3A_15, %dma_start3A_16, %dma_start3A_17] : memref<2x64x128xf32, #tpu.memory_space<vmem>> -> memref<1x64x128xf32, #tpu.memory_space<vmem>>
    %dma_start3A_19 = tpu.memref_squeeze %dma_start3A_18 : memref<1x64x128xf32, #tpu.memory_space<vmem>> -> memref<64x128xf32, #tpu.memory_space<vmem>>
    %dma_start3A_20 = arith.constant 0 : i32
    %dma_start3A_21 = tpu.memref_slice %arg11[%dma_start3A_20] : memref<6400xi32, #tpu.memory_space<vmem>> -> memref<64xi32, #tpu.memory_space<vmem>>
    %dma_start3A_22 = arith.constant 0 : i32
    %dma_start3A_23 = arith.constant 0 : i32
    %dma_start3A_24 = tpu.memref_slice %arg5[%dma_start3A_22, %dma_start3A_23] : memref<100000x128xf32, #tpu.memory_space<hbm>> -> memref<100000x128xf32, #tpu.memory_space<hbm>>
    tpu.enqueue_indirect_dma source(%dma_start3A_24 : memref<100000x128xf32, #tpu.memory_space<hbm>>) target(%dma_start3A_19 : memref<64x128xf32, #tpu.memory_space<vmem>>) offsets(%dma_start3A_21 : memref<64xi32, #tpu.memory_space<vmem>>) semaphore(%arg20 : memref<!tpu.dma_semaphore, #tpu.memory_space<semaphore_mem>>)
    %dma_start3A_25 = arith.constant 0 : i32
    %dma_start3A_26 = arith.constant 0 : i32
    %dma_start3A_27 = arith.constant 0 : i32
    %dma_start3A_28 = tpu.memref_slice %arg15[%dma_start3A_25, %dma_start3A_26, %dma_start3A_27] : memref<2x64x128xf32, #tpu.memory_space<vmem>> -> memref<1x64x128xf32, #tpu.memory_space<vmem>>
    %dma_start3A_29 = tpu.memref_squeeze %dma_start3A_28 : memref<1x64x128xf32, #tpu.memory_space<vmem>> -> memref<64x128xf32, #tpu.memory_space<vmem>>
    %dma_start3A_30 = arith.constant 0 : i32
    %dma_start3A_31 = tpu.memref_slice %arg12[%dma_start3A_30] : memref<6400xi32, #tpu.memory_space<vmem>> -> memref<64xi32, #tpu.memory_space<vmem>>
    %dma_start3A_32 = arith.constant 0 : i32
    %dma_start3A_33 = arith.constant 0 : i32
    %dma_start3A_34 = tpu.memref_slice %arg6[%dma_start3A_32, %dma_start3A_33] : memref<100000x128xf32, #tpu.memory_space<hbm>> -> memref<100000x128xf32, #tpu.memory_space<hbm>>
    tpu.enqueue_indirect_dma source(%dma_start3A_34 : memref<100000x128xf32, #tpu.memory_space<hbm>>) target(%dma_start3A_29 : memref<64x128xf32, #tpu.memory_space<vmem>>) offsets(%dma_start3A_31 : memref<64xi32, #tpu.memory_space<vmem>>) semaphore(%arg20 : memref<!tpu.dma_semaphore, #tpu.memory_space<semaphore_mem>>)
    tpu.wait_dma2 semaphore(%arg21 : memref<!tpu.dma_semaphore, #tpu.memory_space<semaphore_mem>>) src(%arg8 : memref<128xf32, #tpu.memory_space<hbm>>) dst(%arg18 : memref<128xf32, #tpu.memory_space<vmem>>)
    tpu.wait_dma2 semaphore(%arg21 : memref<!tpu.dma_semaphore, #tpu.memory_space<semaphore_mem>>) src(%arg9 : memref<128xf32, #tpu.memory_space<hbm>>) dst(%arg19 : memref<128xf32, #tpu.memory_space<vmem>>)
    %dma_wait3A_35 = arith.constant 0 : i32
    %dma_wait3A_36 = tpu.memref_slice %arg13[%dma_wait3A_35] : memref<6416xi32, #tpu.memory_space<vmem>> -> memref<6400xi32, #tpu.memory_space<vmem>>
    %dma_wait3A_37 = tpu.memref_slice %arg4[%mul3A_2] : memref<204800xi32, #tpu.memory_space<hbm>> -> memref<6400xi32, #tpu.memory_space<hbm>>
    %dma_wait3A_38 = arith.constant 0 : i32
    %dma_wait3A_39 = tpu.memref_slice %arg13[%dma_wait3A_38] : memref<6416xi32, #tpu.memory_space<vmem>> -> memref<6400xi32, #tpu.memory_space<vmem>>
    %dma_wait3A_40 = tpu.memref_slice %arg4[%mul3A_2] : memref<204800xi32, #tpu.memory_space<hbm>> -> memref<6400xi32, #tpu.memory_space<hbm>>
    tpu.wait_dma2 semaphore(%arg21 : memref<!tpu.dma_semaphore, #tpu.memory_space<semaphore_mem>>) src(%dma_wait3A_40 : memref<6400xi32, #tpu.memory_space<hbm>>) dst(%dma_wait3A_39 : memref<6400xi32, #tpu.memory_space<vmem>>)
    tpu.wait_dma2 semaphore(%arg21 : memref<!tpu.dma_semaphore, #tpu.memory_space<semaphore_mem>>) src(%arg7 : memref<51200xf32, #tpu.memory_space<hbm>>) dst(%arg17 : memref<51200xf32, #tpu.memory_space<vmem>>)
    %get3A = arith.constant 0 : index
    %get3A_41 = tpu.vector_load %arg18[%get3A] {strides = array<i32>} : memref<128xf32, #tpu.memory_space<vmem>>, vector<16xf32>,
    %get3A_42 = arith.constant 16 : index
    %get3A_43 = tpu.vector_load %arg18[%get3A_42] {strides = array<i32>} : memref<128xf32, #tpu.memory_space<vmem>>, vector<16xf32>,
    %get3A_44 = arith.constant 32 : index
    %get3A_45 = tpu.vector_load %arg18[%get3A_44] {strides = array<i32>} : memref<128xf32, #tpu.memory_space<vmem>>, vector<16xf32>,
    %get3A_46 = arith.constant 48 : index
    %get3A_47 = tpu.vector_load %arg18[%get3A_46] {strides = array<i32>} : memref<128xf32, #tpu.memory_space<vmem>>, vector<16xf32>,
    %get3A_48 = arith.constant 64 : index
    %get3A_49 = tpu.vector_load %arg18[%get3A_48] {strides = array<i32>} : memref<128xf32, #tpu.memory_space<vmem>>, vector<16xf32>,
    %get3A_50 = arith.constant 80 : index
    %get3A_51 = tpu.vector_load %arg18[%get3A_50] {strides = array<i32>} : memref<128xf32, #tpu.memory_space<vmem>>, vector<16xf32>,
    %get3A_52 = arith.constant 96 : index
    %get3A_53 = tpu.vector_load %arg18[%get3A_52] {strides = array<i32>} : memref<128xf32, #tpu.memory_space<vmem>>, vector<16xf32>,
    %get3A_54 = arith.constant 112 : index
    %get3A_55 = tpu.vector_load %arg18[%get3A_54] {strides = array<i32>} : memref<128xf32, #tpu.memory_space<vmem>>, vector<16xf32>,
    %get3A_56 = arith.constant 0 : index
    %get3A_57 = tpu.vector_load %arg19[%get3A_56] {strides = array<i32>} : memref<128xf32, #tpu.memory_space<vmem>>, vector<16xf32>,
    %get3A_58 = arith.constant 16 : index
    %get3A_59 = tpu.vector_load %arg19[%get3A_58] {strides = array<i32>} : memref<128xf32, #tpu.memory_space<vmem>>, vector<16xf32>,
    %get3A_60 = arith.constant 32 : index
    %get3A_61 = tpu.vector_load %arg19[%get3A_60] {strides = array<i32>} : memref<128xf32, #tpu.memory_space<vmem>>, vector<16xf32>,
    %get3A_62 = arith.constant 48 : index
    %get3A_63 = tpu.vector_load %arg19[%get3A_62] {strides = array<i32>} : memref<128xf32, #tpu.memory_space<vmem>>, vector<16xf32>,
    %get3A_64 = arith.constant 64 : index
    %get3A_65 = tpu.vector_load %arg19[%get3A_64] {strides = array<i32>} : memref<128xf32, #tpu.memory_space<vmem>>, vector<16xf32>,
    %get3A_66 = arith.constant 80 : index
    %get3A_67 = tpu.vector_load %arg19[%get3A_66] {strides = array<i32>} : memref<128xf32, #tpu.memory_space<vmem>>, vector<16xf32>,
    %get3A_68 = arith.constant 96 : index
    %get3A_69 = tpu.vector_load %arg19[%get3A_68] {strides = array<i32>} : memref<128xf32, #tpu.memory_space<vmem>>, vector<16xf32>,
    %get3A_70 = arith.constant 112 : index
    %get3A_71 = tpu.vector_load %arg19[%get3A_70] {strides = array<i32>} : memref<128xf32, #tpu.memory_space<vmem>>, vector<16xf32>,
    %scan3A = arith.constant 0 : i32
    %scan3A_72 = arith.constant 50 : i32
    %scan3A_73 = arith.addi %scan3A, %scan3A_72 : i32
    %scan3A_74 = arith.constant 1 : i32
    scf.for %scan3A_106 = %scan3A to %scan3A_73 step %scan3A_74  : i32 {
      %mul3A_107 = arith.constant 2 : i32
      %mul3A_108 = arith.muli %mul3A_107, %scan3A_106 : i32
      %add3A_109 = arith.constant 0 : i32
      %add3A_110 = arith.addi %mul3A_108, %add3A_109 : i32
      %add3A_111 = arith.constant 1 : i32
      %add3A_112 = arith.addi %add3A_110, %add3A_111 : i32
      %lt3A = arith.constant 100 : i32
      %lt3A_113 = arith.cmpi slt, %add3A_112, %lt3A : i32
      %convert_element_type3A = arith.extui %lt3A_113 : i1 to i32
      %cond3A = arith.constant 0 : i32
      %cond3A_114 = arith.cmpi ne, %convert_element_type3A, %cond3A : i32
      scf.if %cond3A_114 {
        %add3A_225 = arith.constant 1 : i32
        %add3A_226 = arith.addi %add3A_110, %add3A_225 : i32
        %mul3A_227 = arith.constant 64 : i32
        %mul3A_228 = arith.muli %add3A_226, %mul3A_227 : i32
        %dma_start3A_229 = arith.constant 1 : i32
        %dma_start3A_230 = arith.constant 0 : i32
        %dma_start3A_231 = arith.constant 0 : i32
        %dma_start3A_232 = tpu.memref_slice %arg14[%dma_start3A_229, %dma_start3A_230, %dma_start3A_231] : memref<2x64x128xf32, #tpu.memory_space<vmem>> -> memref<1x64x128xf32, #tpu.memory_space<vmem>>
        %dma_start3A_233 = tpu.memref_squeeze %dma_start3A_232 : memref<1x64x128xf32, #tpu.memory_space<vmem>> -> memref<64x128xf32, #tpu.memory_space<vmem>>
        %dma_start3A_234 = tpu.memref_slice %arg11[%mul3A_228] : memref<6400xi32, #tpu.memory_space<vmem>> -> memref<64xi32, #tpu.memory_space<vmem>>
        %dma_start3A_235 = arith.constant 0 : i32
        %dma_start3A_236 = arith.constant 0 : i32
        %dma_start3A_237 = tpu.memref_slice %arg5[%dma_start3A_235, %dma_start3A_236] : memref<100000x128xf32, #tpu.memory_space<hbm>> -> memref<100000x128xf32, #tpu.memory_space<hbm>>
        tpu.enqueue_indirect_dma source(%dma_start3A_237 : memref<100000x128xf32, #tpu.memory_space<hbm>>) target(%dma_start3A_233 : memref<64x128xf32, #tpu.memory_space<vmem>>) offsets(%dma_start3A_234 : memref<64xi32, #tpu.memory_space<vmem>>) semaphore(%arg21 : memref<!tpu.dma_semaphore, #tpu.memory_space<semaphore_mem>>)
        %mul3A_238 = arith.constant 64 : i32
        %mul3A_239 = arith.muli %add3A_226, %mul3A_238 : i32
        %dma_start3A_240 = arith.constant 1 : i32
        %dma_start3A_241 = arith.constant 0 : i32
        %dma_start3A_242 = arith.constant 0 : i32
        %dma_start3A_243 = tpu.memref_slice %arg15[%dma_start3A_240, %dma_start3A_241, %dma_start3A_242] : memref<2x64x128xf32, #tpu.memory_space<vmem>> -> memref<1x64x128xf32, #tpu.memory_space<vmem>>
        %dma_start3A_244 = tpu.memref_squeeze %dma_start3A_243 : memref<1x64x128xf32, #tpu.memory_space<vmem>> -> memref<64x128xf32, #tpu.memory_space<vmem>>
        %dma_start3A_245 = tpu.memref_slice %arg12[%mul3A_239] : memref<6400xi32, #tpu.memory_space<vmem>> -> memref<64xi32, #tpu.memory_space<vmem>>
        %dma_start3A_246 = arith.constant 0 : i32
        %dma_start3A_247 = arith.constant 0 : i32
        %dma_start3A_248 = tpu.memref_slice %arg6[%dma_start3A_246, %dma_start3A_247] : memref<100000x128xf32, #tpu.memory_space<hbm>> -> memref<100000x128xf32, #tpu.memory_space<hbm>>
        tpu.enqueue_indirect_dma source(%dma_start3A_248 : memref<100000x128xf32, #tpu.memory_space<hbm>>) target(%dma_start3A_244 : memref<64x128xf32, #tpu.memory_space<vmem>>) offsets(%dma_start3A_245 : memref<64xi32, #tpu.memory_space<vmem>>) semaphore(%arg21 : memref<!tpu.dma_semaphore, #tpu.memory_space<semaphore_mem>>)
      } else {
      }
      %mul3A_115 = arith.constant 64 : i32
      %mul3A_116 = arith.muli %add3A_110, %mul3A_115 : i32
      %dma_wait3A_117 = arith.constant 0 : i32
      %dma_wait3A_118 = arith.constant 0 : i32
      %dma_wait3A_119 = arith.constant 0 : i32
      %dma_wait3A_120 = tpu.memref_slice %arg14[%dma_wait3A_117, %dma_wait3A_118, %dma_wait3A_119] : memref<2x64x128xf32, #tpu.memory_space<vmem>> -> memref<1x64x128xf32, #tpu.memory_space<vmem>>
      %dma_wait3A_121 = tpu.memref_squeeze %dma_wait3A_120 : memref<1x64x128xf32, #tpu.memory_space<vmem>> -> memref<64x128xf32, #tpu.memory_space<vmem>>
      %dma_wait3A_122 = tpu.memref_slice %arg11[%mul3A_116] : memref<6400xi32, #tpu.memory_space<vmem>> -> memref<64xi32, #tpu.memory_space<vmem>>
      %dma_wait3A_123 = arith.constant 0 : i32
      %dma_wait3A_124 = arith.constant 0 : i32
      %dma_wait3A_125 = tpu.memref_slice %arg5[%dma_wait3A_123, %dma_wait3A_124] : memref<100000x128xf32, #tpu.memory_space<hbm>> -> memref<100000x128xf32, #tpu.memory_space<hbm>>
      tpu.wait_indirect_dma semaphore(%arg20 : memref<!tpu.dma_semaphore, #tpu.memory_space<semaphore_mem>>) src(%dma_wait3A_125 : memref<100000x128xf32, #tpu.memory_space<hbm>>) dst(%dma_wait3A_121 : memref<64x128xf32, #tpu.memory_space<vmem>>)
      %mul3A_126 = arith.constant 64 : i32
      %mul3A_127 = arith.muli %add3A_110, %mul3A_126 : i32
      %dma_wait3A_128 = arith.constant 0 : i32
      %dma_wait3A_129 = arith.constant 0 : i32
      %dma_wait3A_130 = arith.constant 0 : i32
      %dma_wait3A_131 = tpu.memref_slice %arg15[%dma_wait3A_128, %dma_wait3A_129, %dma_wait3A_130] : memref<2x64x128xf32, #tpu.memory_space<vmem>> -> memref<1x64x128xf32, #tpu.memory_space<vmem>>
      %dma_wait3A_132 = tpu.memref_squeeze %dma_wait3A_131 : memref<1x64x128xf32, #tpu.memory_space<vmem>> -> memref<64x128xf32, #tpu.memory_space<vmem>>
      %dma_wait3A_133 = tpu.memref_slice %arg12[%mul3A_127] : memref<6400xi32, #tpu.memory_space<vmem>> -> memref<64xi32, #tpu.memory_space<vmem>>
      %dma_wait3A_134 = arith.constant 0 : i32
      %dma_wait3A_135 = arith.constant 0 : i32
      %dma_wait3A_136 = tpu.memref_slice %arg6[%dma_wait3A_134, %dma_wait3A_135] : memref<100000x128xf32, #tpu.memory_space<hbm>> -> memref<100000x128xf32, #tpu.memory_space<hbm>>
      tpu.wait_indirect_dma semaphore(%arg20 : memref<!tpu.dma_semaphore, #tpu.memory_space<semaphore_mem>>) src(%dma_wait3A_136 : memref<100000x128xf32, #tpu.memory_space<hbm>>) dst(%dma_wait3A_132 : memref<64x128xf32, #tpu.memory_space<vmem>>)
      %ge3A = arith.constant 2 : i32
      %ge3A_137 = arith.cmpi sge, %add3A_110, %ge3A : i32
      %convert_element_type3A_138 = arith.extui %ge3A_137 : i1 to i32
      %cond3A_139 = arith.constant 0 : i32
      %cond3A_140 = arith.cmpi ne, %convert_element_type3A_138, %cond3A_139 : i32
      scf.if %cond3A_140 {
        %mul3A_225 = arith.constant 64 : i32
        %mul3A_226 = arith.muli %add3A_110, %mul3A_225 : i32
        %add3A_227 = arith.addi %mul3A_2, %mul3A_226 : i32
        %dma_wait3A_228 = arith.constant 0 : i32
        %dma_wait3A_229 = arith.constant 0 : i32
        %dma_wait3A_230 = arith.constant 0 : i32
        %dma_wait3A_231 = tpu.memref_slice %arg16[%dma_wait3A_228, %dma_wait3A_229, %dma_wait3A_230] : memref<2x64x128xf32, #tpu.memory_space<vmem>> -> memref<1x64x128xf32, #tpu.memory_space<vmem>>
        %dma_wait3A_232 = tpu.memref_squeeze %dma_wait3A_231 : memref<1x64x128xf32, #tpu.memory_space<vmem>> -> memref<64x128xf32, #tpu.memory_space<vmem>>
        %dma_wait3A_233 = arith.constant 0 : i32
        %dma_wait3A_234 = tpu.memref_slice %arg10[%add3A_227, %dma_wait3A_233] : memref<204800x128xf32, #tpu.memory_space<hbm>> -> memref<64x128xf32, #tpu.memory_space<hbm>>
        %dma_wait3A_235 = arith.constant 0 : i32
        %dma_wait3A_236 = tpu.memref_slice %arg10[%add3A_227, %dma_wait3A_235] : memref<204800x128xf32, #tpu.memory_space<hbm>> -> memref<64x128xf32, #tpu.memory_space<hbm>>
        %dma_wait3A_237 = arith.constant 0 : i32
        %dma_wait3A_238 = arith.constant 0 : i32
        %dma_wait3A_239 = tpu.memref_slice %arg16[%dma_wait3A_228, %dma_wait3A_237, %dma_wait3A_238] : memref<2x64x128xf32, #tpu.memory_space<vmem>> -> memref<1x64x128xf32, #tpu.memory_space<vmem>>
        %dma_wait3A_240 = tpu.memref_squeeze %dma_wait3A_239 : memref<1x64x128xf32, #tpu.memory_space<vmem>> -> memref<64x128xf32, #tpu.memory_space<vmem>>
        tpu.wait_dma2 semaphore(%arg22 : memref<!tpu.dma_semaphore, #tpu.memory_space<semaphore_mem>>) src(%dma_wait3A_240 : memref<64x128xf32, #tpu.memory_space<vmem>>) dst(%dma_wait3A_236 : memref<64x128xf32, #tpu.memory_space<hbm>>)
      } else {
      }
      %iota3A = tpu.iota {dimensions = array<i32: 0>} : vector<16xi32>
      %parallel_loop3A = arith.constant 0 : i32
      %parallel_loop3A_141 = arith.constant 64 : i32
      %parallel_loop3A_142 = arith.constant 1 : i32
      %parallel_loop3A_143 = arith.constant 0 : i32
      %parallel_loop3A_144 = arith.constant 0 : i32
      %parallel_loop3A_145 = arith.constant 0 : i32
      %parallel_loop3A_146:16 = scf.for %parallel_loop3A_225 = %parallel_loop3A to %parallel_loop3A_141 step %parallel_loop3A_142 iter_args(%parallel_loop3A_226 = %get3A_41, %parallel_loop3A_227 = %get3A_43, %parallel_loop3A_228 = %get3A_45, %parallel_loop3A_229 = %get3A_47, %parallel_loop3A_230 = %get3A_49, %parallel_loop3A_231 = %get3A_51, %parallel_loop3A_232 = %get3A_53, %parallel_loop3A_233 = %get3A_55, %parallel_loop3A_234 = %get3A_57, %parallel_loop3A_235 = %get3A_59, %parallel_loop3A_236 = %get3A_61, %parallel_loop3A_237 = %get3A_63, %parallel_loop3A_238 = %get3A_65, %parallel_loop3A_239 = %get3A_67, %parallel_loop3A_240 = %get3A_69, %parallel_loop3A_241 = %get3A_71) -> (vector<16xf32>, vector<16xf32>, vector<16xf32>, vector<16xf32>, vector<16xf32>, vector<16xf32>, vector<16xf32>, vector<16xf32>, vector<16xf32>, vector<16xf32>, vector<16xf32>, vector<16xf32>, vector<16xf32>, vector<16xf32>, vector<16xf32>, vector<16xf32>)  : i32 {
        %parallel_loop3A_242 = arith.constant 0.000000e+00 : f32
        %parallel_loop3A_243 = vector.broadcast %parallel_loop3A_242 : f32 to vector<16xf32>
        %parallel_loop3A_244 = arith.constant 0.000000e+00 : f32
        %parallel_loop3A_245 = vector.broadcast %parallel_loop3A_244 : f32 to vector<16xf32>
        %parallel_loop3A_246 = arith.constant 64 : i32
        %parallel_loop3A_247 = arith.muli %add3A_110, %parallel_loop3A_246 : i32
        %parallel_loop3A_248 = arith.addi %parallel_loop3A_247, %parallel_loop3A_225 : i32
        %parallel_loop3A_249 = arith.index_cast %parallel_loop3A_248 : i32 to index
        %parallel_loop3A_250 = tpu.vector_load %arg13[%parallel_loop3A_249] {strides = array<i32>} : memref<6416xi32, #tpu.memory_space<vmem>>, vector<16xi32>,
        %parallel_loop3A_251 = vector.extract_strided_slice %parallel_loop3A_250 {offsets = [0], sizes = [1], strides = [1]} : vector<16xi32> to vector<1xi32>
        %parallel_loop3A_252 = vector.extract %parallel_loop3A_251[0] : i32 from vector<1xi32>
        %parallel_loop3A_253 = vector.broadcast %parallel_loop3A_252 : i32 to vector<16xi32>
        %parallel_loop3A_254 = arith.addi %parallel_loop3A_253, %iota3A : vector<16xi32>
        %parallel_loop3A_255 = arith.constant 0 : i32
        %parallel_loop3A_256 = vector.broadcast %parallel_loop3A_255 : i32 to vector<16xi32>
        %parallel_loop3A_257 = arith.addi %parallel_loop3A_254, %parallel_loop3A_256 : vector<16xi32>
        %parallel_loop3A_258 = tpu.vector_load_idx %arg17[%parallel_loop3A_257] : memref<51200xf32, #tpu.memory_space<vmem>>[vector<16xi32>], vector<16xf32>,
        %parallel_loop3A_259 = arith.constant 0 : i32
        %parallel_loop3A_260 = arith.constant 0 : i32
        %parallel_loop3A_261 = tpu.memref_slice %arg14[%parallel_loop3A_143, %parallel_loop3A_259, %parallel_loop3A_260] : memref<2x64x128xf32, #tpu.memory_space<vmem>> -> memref<1x64x128xf32, #tpu.memory_space<vmem>>
        %parallel_loop3A_262 = tpu.memref_squeeze %parallel_loop3A_261 : memref<1x64x128xf32, #tpu.memory_space<vmem>> -> memref<64x128xf32, #tpu.memory_space<vmem>>
        %parallel_loop3A_263 = arith.index_cast %parallel_loop3A_225 : i32 to index
        %parallel_loop3A_264 = arith.constant 0 : index
        %parallel_loop3A_265 = tpu.vector_load %parallel_loop3A_262[%parallel_loop3A_263, %parallel_loop3A_264] {strides = array<i32>} : memref<64x128xf32, #tpu.memory_space<vmem>>, vector<16xf32>,
        %parallel_loop3A_266 = arith.constant 0 : i32
        %parallel_loop3A_267 = arith.constant 0 : i32
        %parallel_loop3A_268 = tpu.memref_slice %arg15[%parallel_loop3A_144, %parallel_loop3A_266, %parallel_loop3A_267] : memref<2x64x128xf32, #tpu.memory_space<vmem>> -> memref<1x64x128xf32, #tpu.memory_space<vmem>>
        %parallel_loop3A_269 = tpu.memref_squeeze %parallel_loop3A_268 : memref<1x64x128xf32, #tpu.memory_space<vmem>> -> memref<64x128xf32, #tpu.memory_space<vmem>>
        %parallel_loop3A_270 = arith.index_cast %parallel_loop3A_225 : i32 to index
        %parallel_loop3A_271 = arith.constant 0 : index
        %parallel_loop3A_272 = tpu.vector_load %parallel_loop3A_269[%parallel_loop3A_270, %parallel_loop3A_271] {strides = array<i32>} : memref<64x128xf32, #tpu.memory_space<vmem>>, vector<16xf32>,
        %parallel_loop3A_273 = arith.addf %parallel_loop3A_265, %parallel_loop3A_272 : vector<16xf32>
        %parallel_loop3A_274 = arith.addf %parallel_loop3A_273, %parallel_loop3A_258 : vector<16xf32>
        %parallel_loop3A_275 = arith.addf %parallel_loop3A_243, %parallel_loop3A_274 : vector<16xf32>
        %parallel_loop3A_276 = arith.mulf %parallel_loop3A_274, %parallel_loop3A_274 : vector<16xf32>
        %parallel_loop3A_277 = arith.addf %parallel_loop3A_245, %parallel_loop3A_276 : vector<16xf32>
        %parallel_loop3A_278 = arith.constant 16 : i32
        %parallel_loop3A_279 = vector.broadcast %parallel_loop3A_278 : i32 to vector<16xi32>
        %parallel_loop3A_280 = arith.addi %parallel_loop3A_254, %parallel_loop3A_279 : vector<16xi32>
        %parallel_loop3A_281 = tpu.vector_load_idx %arg17[%parallel_loop3A_280] : memref<51200xf32, #tpu.memory_space<vmem>>[vector<16xi32>], vector<16xf32>,
        %parallel_loop3A_282 = arith.constant 0 : i32
        %parallel_loop3A_283 = arith.constant 0 : i32
        %parallel_loop3A_284 = tpu.memref_slice %arg14[%parallel_loop3A_143, %parallel_loop3A_282, %parallel_loop3A_283] : memref<2x64x128xf32, #tpu.memory_space<vmem>> -> memref<1x64x128xf32, #tpu.memory_space<vmem>>
        %parallel_loop3A_285 = tpu.memref_squeeze %parallel_loop3A_284 : memref<1x64x128xf32, #tpu.memory_space<vmem>> -> memref<64x128xf32, #tpu.memory_space<vmem>>
        %parallel_loop3A_286 = arith.index_cast %parallel_loop3A_225 : i32 to index
        %parallel_loop3A_287 = arith.constant 16 : index
        %parallel_loop3A_288 = tpu.vector_load %parallel_loop3A_285[%parallel_loop3A_286, %parallel_loop3A_287] {strides = array<i32>} : memref<64x128xf32, #tpu.memory_space<vmem>>, vector<16xf32>,
        %parallel_loop3A_289 = arith.constant 0 : i32
        %parallel_loop3A_290 = arith.constant 0 : i32
        %parallel_loop3A_291 = tpu.memref_slice %arg15[%parallel_loop3A_144, %parallel_loop3A_289, %parallel_loop3A_290] : memref<2x64x128xf32, #tpu.memory_space<vmem>> -> memref<1x64x128xf32, #tpu.memory_space<vmem>>
        %parallel_loop3A_292 = tpu.memref_squeeze %parallel_loop3A_291 : memref<1x64x128xf32, #tpu.memory_space<vmem>> -> memref<64x128xf32, #tpu.memory_space<vmem>>
        %parallel_loop3A_293 = arith.index_cast %parallel_loop3A_225 : i32 to index
        %parallel_loop3A_294 = arith.constant 16 : index
        %parallel_loop3A_295 = tpu.vector_load %parallel_loop3A_292[%parallel_loop3A_293, %parallel_loop3A_294] {strides = array<i32>} : memref<64x128xf32, #tpu.memory_space<vmem>>, vector<16xf32>,
        %parallel_loop3A_296 = arith.addf %parallel_loop3A_288, %parallel_loop3A_295 : vector<16xf32>
        %parallel_loop3A_297 = arith.addf %parallel_loop3A_296, %parallel_loop3A_281 : vector<16xf32>
        %parallel_loop3A_298 = arith.addf %parallel_loop3A_275, %parallel_loop3A_297 : vector<16xf32>
        %parallel_loop3A_299 = arith.mulf %parallel_loop3A_297, %parallel_loop3A_297 : vector<16xf32>
        %parallel_loop3A_300 = arith.addf %parallel_loop3A_277, %parallel_loop3A_299 : vector<16xf32>
        %parallel_loop3A_301 = arith.constant 32 : i32
        %parallel_loop3A_302 = vector.broadcast %parallel_loop3A_301 : i32 to vector<16xi32>
        %parallel_loop3A_303 = arith.addi %parallel_loop3A_254, %parallel_loop3A_302 : vector<16xi32>
        %parallel_loop3A_304 = tpu.vector_load_idx %arg17[%parallel_loop3A_303] : memref<51200xf32, #tpu.memory_space<vmem>>[vector<16xi32>], vector<16xf32>,
        %parallel_loop3A_305 = arith.constant 0 : i32
        %parallel_loop3A_306 = arith.constant 0 : i32
        %parallel_loop3A_307 = tpu.memref_slice %arg14[%parallel_loop3A_143, %parallel_loop3A_305, %parallel_loop3A_306] : memref<2x64x128xf32, #tpu.memory_space<vmem>> -> memref<1x64x128xf32, #tpu.memory_space<vmem>>
        %parallel_loop3A_308 = tpu.memref_squeeze %parallel_loop3A_307 : memref<1x64x128xf32, #tpu.memory_space<vmem>> -> memref<64x128xf32, #tpu.memory_space<vmem>>
        %parallel_loop3A_309 = arith.index_cast %parallel_loop3A_225 : i32 to index
        %parallel_loop3A_310 = arith.constant 32 : index
        %parallel_loop3A_311 = tpu.vector_load %parallel_loop3A_308[%parallel_loop3A_309, %parallel_loop3A_310] {strides = array<i32>} : memref<64x128xf32, #tpu.memory_space<vmem>>, vector<16xf32>,
        %parallel_loop3A_312 = arith.constant 0 : i32
        %parallel_loop3A_313 = arith.constant 0 : i32
        %parallel_loop3A_314 = tpu.memref_slice %arg15[%parallel_loop3A_144, %parallel_loop3A_312, %parallel_loop3A_313] : memref<2x64x128xf32, #tpu.memory_space<vmem>> -> memref<1x64x128xf32, #tpu.memory_space<vmem>>
        %parallel_loop3A_315 = tpu.memref_squeeze %parallel_loop3A_314 : memref<1x64x128xf32, #tpu.memory_space<vmem>> -> memref<64x128xf32, #tpu.memory_space<vmem>>
        %parallel_loop3A_316 = arith.index_cast %parallel_loop3A_225 : i32 to index
        %parallel_loop3A_317 = arith.constant 32 : index
        %parallel_loop3A_318 = tpu.vector_load %parallel_loop3A_315[%parallel_loop3A_316, %parallel_loop3A_317] {strides = array<i32>} : memref<64x128xf32, #tpu.memory_space<vmem>>, vector<16xf32>,
        %parallel_loop3A_319 = arith.addf %parallel_loop3A_311, %parallel_loop3A_318 : vector<16xf32>
        %parallel_loop3A_320 = arith.addf %parallel_loop3A_319, %parallel_loop3A_304 : vector<16xf32>
        %parallel_loop3A_321 = arith.addf %parallel_loop3A_298, %parallel_loop3A_320 : vector<16xf32>
        %parallel_loop3A_322 = arith.mulf %parallel_loop3A_320, %parallel_loop3A_320 : vector<16xf32>
        %parallel_loop3A_323 = arith.addf %parallel_loop3A_300, %parallel_loop3A_322 : vector<16xf32>
        %parallel_loop3A_324 = arith.constant 48 : i32
        %parallel_loop3A_325 = vector.broadcast %parallel_loop3A_324 : i32 to vector<16xi32>
        %parallel_loop3A_326 = arith.addi %parallel_loop3A_254, %parallel_loop3A_325 : vector<16xi32>
        %parallel_loop3A_327 = tpu.vector_load_idx %arg17[%parallel_loop3A_326] : memref<51200xf32, #tpu.memory_space<vmem>>[vector<16xi32>], vector<16xf32>,
        %parallel_loop3A_328 = arith.constant 0 : i32
        %parallel_loop3A_329 = arith.constant 0 : i32
        %parallel_loop3A_330 = tpu.memref_slice %arg14[%parallel_loop3A_143, %parallel_loop3A_328, %parallel_loop3A_329] : memref<2x64x128xf32, #tpu.memory_space<vmem>> -> memref<1x64x128xf32, #tpu.memory_space<vmem>>
        %parallel_loop3A_331 = tpu.memref_squeeze %parallel_loop3A_330 : memref<1x64x128xf32, #tpu.memory_space<vmem>> -> memref<64x128xf32, #tpu.memory_space<vmem>>
        %parallel_loop3A_332 = arith.index_cast %parallel_loop3A_225 : i32 to index
        %parallel_loop3A_333 = arith.constant 48 : index
        %parallel_loop3A_334 = tpu.vector_load %parallel_loop3A_331[%parallel_loop3A_332, %parallel_loop3A_333] {strides = array<i32>} : memref<64x128xf32, #tpu.memory_space<vmem>>, vector<16xf32>,
        %parallel_loop3A_335 = arith.constant 0 : i32
        %parallel_loop3A_336 = arith.constant 0 : i32
        %parallel_loop3A_337 = tpu.memref_slice %arg15[%parallel_loop3A_144, %parallel_loop3A_335, %parallel_loop3A_336] : memref<2x64x128xf32, #tpu.memory_space<vmem>> -> memref<1x64x128xf32, #tpu.memory_space<vmem>>
        %parallel_loop3A_338 = tpu.memref_squeeze %parallel_loop3A_337 : memref<1x64x128xf32, #tpu.memory_space<vmem>> -> memref<64x128xf32, #tpu.memory_space<vmem>>
        %parallel_loop3A_339 = arith.index_cast %parallel_loop3A_225 : i32 to index
        %parallel_loop3A_340 = arith.constant 48 : index
        %parallel_loop3A_341 = tpu.vector_load %parallel_loop3A_338[%parallel_loop3A_339, %parallel_loop3A_340] {strides = array<i32>} : memref<64x128xf32, #tpu.memory_space<vmem>>, vector<16xf32>,
        %parallel_loop3A_342 = arith.addf %parallel_loop3A_334, %parallel_loop3A_341 : vector<16xf32>
        %parallel_loop3A_343 = arith.addf %parallel_loop3A_342, %parallel_loop3A_327 : vector<16xf32>
        %parallel_loop3A_344 = arith.addf %parallel_loop3A_321, %parallel_loop3A_343 : vector<16xf32>
        %parallel_loop3A_345 = arith.mulf %parallel_loop3A_343, %parallel_loop3A_343 : vector<16xf32>
        %parallel_loop3A_346 = arith.addf %parallel_loop3A_323, %parallel_loop3A_345 : vector<16xf32>
        %parallel_loop3A_347 = arith.constant 64 : i32
        %parallel_loop3A_348 = vector.broadcast %parallel_loop3A_347 : i32 to vector<16xi32>
        %parallel_loop3A_349 = arith.addi %parallel_loop3A_254, %parallel_loop3A_348 : vector<16xi32>
        %parallel_loop3A_350 = tpu.vector_load_idx %arg17[%parallel_loop3A_349] : memref<51200xf32, #tpu.memory_space<vmem>>[vector<16xi32>], vector<16xf32>,
        %parallel_loop3A_351 = arith.constant 0 : i32
        %parallel_loop3A_352 = arith.constant 0 : i32
        %parallel_loop3A_353 = tpu.memref_slice %arg14[%parallel_loop3A_143, %parallel_loop3A_351, %parallel_loop3A_352] : memref<2x64x128xf32, #tpu.memory_space<vmem>> -> memref<1x64x128xf32, #tpu.memory_space<vmem>>
        %parallel_loop3A_354 = tpu.memref_squeeze %parallel_loop3A_353 : memref<1x64x128xf32, #tpu.memory_space<vmem>> -> memref<64x128xf32, #tpu.memory_space<vmem>>
        %parallel_loop3A_355 = arith.index_cast %parallel_loop3A_225 : i32 to index
        %parallel_loop3A_356 = arith.constant 64 : index
        %parallel_loop3A_357 = tpu.vector_load %parallel_loop3A_354[%parallel_loop3A_355, %parallel_loop3A_356] {strides = array<i32>} : memref<64x128xf32, #tpu.memory_space<vmem>>, vector<16xf32>,
        %parallel_loop3A_358 = arith.constant 0 : i32
        %parallel_loop3A_359 = arith.constant 0 : i32
        %parallel_loop3A_360 = tpu.memref_slice %arg15[%parallel_loop3A_144, %parallel_loop3A_358, %parallel_loop3A_359] : memref<2x64x128xf32, #tpu.memory_space<vmem>> -> memref<1x64x128xf32, #tpu.memory_space<vmem>>
        %parallel_loop3A_361 = tpu.memref_squeeze %parallel_loop3A_360 : memref<1x64x128xf32, #tpu.memory_space<vmem>> -> memref<64x128xf32, #tpu.memory_space<vmem>>
        %parallel_loop3A_362 = arith.index_cast %parallel_loop3A_225 : i32 to index
        %parallel_loop3A_363 = arith.constant 64 : index
        %parallel_loop3A_364 = tpu.vector_load %parallel_loop3A_361[%parallel_loop3A_362, %parallel_loop3A_363] {strides = array<i32>} : memref<64x128xf32, #tpu.memory_space<vmem>>, vector<16xf32>,
        %parallel_loop3A_365 = arith.addf %parallel_loop3A_357, %parallel_loop3A_364 : vector<16xf32>
        %parallel_loop3A_366 = arith.addf %parallel_loop3A_365, %parallel_loop3A_350 : vector<16xf32>
        %parallel_loop3A_367 = arith.addf %parallel_loop3A_344, %parallel_loop3A_366 : vector<16xf32>
        %parallel_loop3A_368 = arith.mulf %parallel_loop3A_366, %parallel_loop3A_366 : vector<16xf32>
        %parallel_loop3A_369 = arith.addf %parallel_loop3A_346, %parallel_loop3A_368 : vector<16xf32>
        %parallel_loop3A_370 = arith.constant 80 : i32
        %parallel_loop3A_371 = vector.broadcast %parallel_loop3A_370 : i32 to vector<16xi32>
        %parallel_loop3A_372 = arith.addi %parallel_loop3A_254, %parallel_loop3A_371 : vector<16xi32>
        %parallel_loop3A_373 = tpu.vector_load_idx %arg17[%parallel_loop3A_372] : memref<51200xf32, #tpu.memory_space<vmem>>[vector<16xi32>], vector<16xf32>,
        %parallel_loop3A_374 = arith.constant 0 : i32
        %parallel_loop3A_375 = arith.constant 0 : i32
        %parallel_loop3A_376 = tpu.memref_slice %arg14[%parallel_loop3A_143, %parallel_loop3A_374, %parallel_loop3A_375] : memref<2x64x128xf32, #tpu.memory_space<vmem>> -> memref<1x64x128xf32, #tpu.memory_space<vmem>>
        %parallel_loop3A_377 = tpu.memref_squeeze %parallel_loop3A_376 : memref<1x64x128xf32, #tpu.memory_space<vmem>> -> memref<64x128xf32, #tpu.memory_space<vmem>>
        %parallel_loop3A_378 = arith.index_cast %parallel_loop3A_225 : i32 to index
        %parallel_loop3A_379 = arith.constant 80 : index
        %parallel_loop3A_380 = tpu.vector_load %parallel_loop3A_377[%parallel_loop3A_378, %parallel_loop3A_379] {strides = array<i32>} : memref<64x128xf32, #tpu.memory_space<vmem>>, vector<16xf32>,
        %parallel_loop3A_381 = arith.constant 0 : i32
        %parallel_loop3A_382 = arith.constant 0 : i32
        %parallel_loop3A_383 = tpu.memref_slice %arg15[%parallel_loop3A_144, %parallel_loop3A_381, %parallel_loop3A_382] : memref<2x64x128xf32, #tpu.memory_space<vmem>> -> memref<1x64x128xf32, #tpu.memory_space<vmem>>
        %parallel_loop3A_384 = tpu.memref_squeeze %parallel_loop3A_383 : memref<1x64x128xf32, #tpu.memory_space<vmem>> -> memref<64x128xf32, #tpu.memory_space<vmem>>
        %parallel_loop3A_385 = arith.index_cast %parallel_loop3A_225 : i32 to index
        %parallel_loop3A_386 = arith.constant 80 : index
        %parallel_loop3A_387 = tpu.vector_load %parallel_loop3A_384[%parallel_loop3A_385, %parallel_loop3A_386] {strides = array<i32>} : memref<64x128xf32, #tpu.memory_space<vmem>>, vector<16xf32>,
        %parallel_loop3A_388 = arith.addf %parallel_loop3A_380, %parallel_loop3A_387 : vector<16xf32>
        %parallel_loop3A_389 = arith.addf %parallel_loop3A_388, %parallel_loop3A_373 : vector<16xf32>
        %parallel_loop3A_390 = arith.addf %parallel_loop3A_367, %parallel_loop3A_389 : vector<16xf32>
        %parallel_loop3A_391 = arith.mulf %parallel_loop3A_389, %parallel_loop3A_389 : vector<16xf32>
        %parallel_loop3A_392 = arith.addf %parallel_loop3A_369, %parallel_loop3A_391 : vector<16xf32>
        %parallel_loop3A_393 = arith.constant 96 : i32
        %parallel_loop3A_394 = vector.broadcast %parallel_loop3A_393 : i32 to vector<16xi32>
        %parallel_loop3A_395 = arith.addi %parallel_loop3A_254, %parallel_loop3A_394 : vector<16xi32>
        %parallel_loop3A_396 = tpu.vector_load_idx %arg17[%parallel_loop3A_395] : memref<51200xf32, #tpu.memory_space<vmem>>[vector<16xi32>], vector<16xf32>,
        %parallel_loop3A_397 = arith.constant 0 : i32
        %parallel_loop3A_398 = arith.constant 0 : i32
        %parallel_loop3A_399 = tpu.memref_slice %arg14[%parallel_loop3A_143, %parallel_loop3A_397, %parallel_loop3A_398] : memref<2x64x128xf32, #tpu.memory_space<vmem>> -> memref<1x64x128xf32, #tpu.memory_space<vmem>>
        %parallel_loop3A_400 = tpu.memref_squeeze %parallel_loop3A_399 : memref<1x64x128xf32, #tpu.memory_space<vmem>> -> memref<64x128xf32, #tpu.memory_space<vmem>>
        %parallel_loop3A_401 = arith.index_cast %parallel_loop3A_225 : i32 to index
        %parallel_loop3A_402 = arith.constant 96 : index
        %parallel_loop3A_403 = tpu.vector_load %parallel_loop3A_400[%parallel_loop3A_401, %parallel_loop3A_402] {strides = array<i32>} : memref<64x128xf32, #tpu.memory_space<vmem>>, vector<16xf32>,
        %parallel_loop3A_404 = arith.constant 0 : i32
        %parallel_loop3A_405 = arith.constant 0 : i32
        %parallel_loop3A_406 = tpu.memref_slice %arg15[%parallel_loop3A_144, %parallel_loop3A_404, %parallel_loop3A_405] : memref<2x64x128xf32, #tpu.memory_space<vmem>> -> memref<1x64x128xf32, #tpu.memory_space<vmem>>
        %parallel_loop3A_407 = tpu.memref_squeeze %parallel_loop3A_406 : memref<1x64x128xf32, #tpu.memory_space<vmem>> -> memref<64x128xf32, #tpu.memory_space<vmem>>
        %parallel_loop3A_408 = arith.index_cast %parallel_loop3A_225 : i32 to index
        %parallel_loop3A_409 = arith.constant 96 : index
        %parallel_loop3A_410 = tpu.vector_load %parallel_loop3A_407[%parallel_loop3A_408, %parallel_loop3A_409] {strides = array<i32>} : memref<64x128xf32, #tpu.memory_space<vmem>>, vector<16xf32>,
        %parallel_loop3A_411 = arith.addf %parallel_loop3A_403, %parallel_loop3A_410 : vector<16xf32>
        %parallel_loop3A_412 = arith.addf %parallel_loop3A_411, %parallel_loop3A_396 : vector<16xf32>
        %parallel_loop3A_413 = arith.addf %parallel_loop3A_390, %parallel_loop3A_412 : vector<16xf32>
        %parallel_loop3A_414 = arith.mulf %parallel_loop3A_412, %parallel_loop3A_412 : vector<16xf32>
        %parallel_loop3A_415 = arith.addf %parallel_loop3A_392, %parallel_loop3A_414 : vector<16xf32>
        %parallel_loop3A_416 = arith.constant 112 : i32
        %parallel_loop3A_417 = vector.broadcast %parallel_loop3A_416 : i32 to vector<16xi32>
        %parallel_loop3A_418 = arith.addi %parallel_loop3A_254, %parallel_loop3A_417 : vector<16xi32>
        %parallel_loop3A_419 = tpu.vector_load_idx %arg17[%parallel_loop3A_418] : memref<51200xf32, #tpu.memory_space<vmem>>[vector<16xi32>], vector<16xf32>,
        %parallel_loop3A_420 = arith.constant 0 : i32
        %parallel_loop3A_421 = arith.constant 0 : i32
        %parallel_loop3A_422 = tpu.memref_slice %arg14[%parallel_loop3A_143, %parallel_loop3A_420, %parallel_loop3A_421] : memref<2x64x128xf32, #tpu.memory_space<vmem>> -> memref<1x64x128xf32, #tpu.memory_space<vmem>>
        %parallel_loop3A_423 = tpu.memref_squeeze %parallel_loop3A_422 : memref<1x64x128xf32, #tpu.memory_space<vmem>> -> memref<64x128xf32, #tpu.memory_space<vmem>>
        %parallel_loop3A_424 = arith.index_cast %parallel_loop3A_225 : i32 to index
        %parallel_loop3A_425 = arith.constant 112 : index
        %parallel_loop3A_426 = tpu.vector_load %parallel_loop3A_423[%parallel_loop3A_424, %parallel_loop3A_425] {strides = array<i32>} : memref<64x128xf32, #tpu.memory_space<vmem>>, vector<16xf32>,
        %parallel_loop3A_427 = arith.constant 0 : i32
        %parallel_loop3A_428 = arith.constant 0 : i32
        %parallel_loop3A_429 = tpu.memref_slice %arg15[%parallel_loop3A_144, %parallel_loop3A_427, %parallel_loop3A_428] : memref<2x64x128xf32, #tpu.memory_space<vmem>> -> memref<1x64x128xf32, #tpu.memory_space<vmem>>
        %parallel_loop3A_430 = tpu.memref_squeeze %parallel_loop3A_429 : memref<1x64x128xf32, #tpu.memory_space<vmem>> -> memref<64x128xf32, #tpu.memory_space<vmem>>
        %parallel_loop3A_431 = arith.index_cast %parallel_loop3A_225 : i32 to index
        %parallel_loop3A_432 = arith.constant 112 : index
        %parallel_loop3A_433 = tpu.vector_load %parallel_loop3A_430[%parallel_loop3A_431, %parallel_loop3A_432] {strides = array<i32>} : memref<64x128xf32, #tpu.memory_space<vmem>>, vector<16xf32>,
        %parallel_loop3A_434 = arith.addf %parallel_loop3A_426, %parallel_loop3A_433 : vector<16xf32>
        %parallel_loop3A_435 = arith.addf %parallel_loop3A_434, %parallel_loop3A_419 : vector<16xf32>
        %parallel_loop3A_436 = arith.addf %parallel_loop3A_413, %parallel_loop3A_435 : vector<16xf32>
        %parallel_loop3A_437 = arith.mulf %parallel_loop3A_435, %parallel_loop3A_435 : vector<16xf32>
        %parallel_loop3A_438 = arith.addf %parallel_loop3A_415, %parallel_loop3A_437 : vector<16xf32>
        %parallel_loop3A_439 = arith.constant true
        %parallel_loop3A_440 = vector.broadcast %parallel_loop3A_439 : i1 to vector<16xi1>
        %parallel_loop3A_441 = tpu.scan <sum>, %parallel_loop3A_436 masked %parallel_loop3A_440 : vector<16xf32>, vector<16xi1> -> vector<16xf32>
        %parallel_loop3A_442 = vector.extract %parallel_loop3A_441[15] : f32 from vector<16xf32>
        %parallel_loop3A_443 = arith.constant true
        %parallel_loop3A_444 = vector.broadcast %parallel_loop3A_443 : i1 to vector<16xi1>
        %parallel_loop3A_445 = tpu.scan <sum>, %parallel_loop3A_438 masked %parallel_loop3A_444 : vector<16xf32>, vector<16xi1> -> vector<16xf32>
        %parallel_loop3A_446 = vector.extract %parallel_loop3A_445[15] : f32 from vector<16xf32>
        %parallel_loop3A_447 = arith.constant 7.812500e-03 : f32
        %parallel_loop3A_448 = arith.mulf %parallel_loop3A_442, %parallel_loop3A_447 : f32
        %parallel_loop3A_449 = arith.constant 7.812500e-03 : f32
        %parallel_loop3A_450 = arith.mulf %parallel_loop3A_446, %parallel_loop3A_449 : f32
        %parallel_loop3A_451 = arith.mulf %parallel_loop3A_448, %parallel_loop3A_448 : f32
        %parallel_loop3A_452 = arith.subf %parallel_loop3A_450, %parallel_loop3A_451 : f32
        %parallel_loop3A_453 = arith.constant 9.99999996E-13 : f32
        %parallel_loop3A_454 = arith.addf %parallel_loop3A_452, %parallel_loop3A_453 : f32
        %parallel_loop3A_455 = vector.broadcast %parallel_loop3A_454 : f32 to vector<16xf32>
        %parallel_loop3A_456 = tpu.bitcast %parallel_loop3A_455 : vector<16xf32> -> vector<16xi32>
        %parallel_loop3A_457 = arith.constant 1 : i32
        %parallel_loop3A_458 = vector.broadcast %parallel_loop3A_457 : i32 to vector<16xi32>
        %parallel_loop3A_459 = arith.shrui %parallel_loop3A_456, %parallel_loop3A_458 : vector<16xi32>
        %parallel_loop3A_460 = arith.constant 1597463007 : i32
        %parallel_loop3A_461 = vector.broadcast %parallel_loop3A_460 : i32 to vector<16xi32>
        %parallel_loop3A_462 = arith.subi %parallel_loop3A_461, %parallel_loop3A_459 : vector<16xi32>
        %parallel_loop3A_463 = tpu.bitcast %parallel_loop3A_462 : vector<16xi32> -> vector<16xf32>
        %parallel_loop3A_464 = arith.constant 5.000000e-01 : f32
        %parallel_loop3A_465 = vector.broadcast %parallel_loop3A_464 : f32 to vector<16xf32>
        %parallel_loop3A_466 = arith.mulf %parallel_loop3A_465, %parallel_loop3A_455 : vector<16xf32>
        %parallel_loop3A_467 = arith.mulf %parallel_loop3A_466, %parallel_loop3A_463 : vector<16xf32>
        %parallel_loop3A_468 = arith.mulf %parallel_loop3A_467, %parallel_loop3A_463 : vector<16xf32>
        %parallel_loop3A_469 = arith.constant 1.500000e+00 : f32
        %parallel_loop3A_470 = vector.broadcast %parallel_loop3A_469 : f32 to vector<16xf32>
        %parallel_loop3A_471 = arith.subf %parallel_loop3A_470, %parallel_loop3A_468 : vector<16xf32>
        %parallel_loop3A_472 = arith.mulf %parallel_loop3A_463, %parallel_loop3A_471 : vector<16xf32>
        %parallel_loop3A_473 = arith.constant 5.000000e-01 : f32
        %parallel_loop3A_474 = vector.broadcast %parallel_loop3A_473 : f32 to vector<16xf32>
        %parallel_loop3A_475 = arith.mulf %parallel_loop3A_474, %parallel_loop3A_455 : vector<16xf32>
        %parallel_loop3A_476 = arith.mulf %parallel_loop3A_475, %parallel_loop3A_472 : vector<16xf32>
        %parallel_loop3A_477 = arith.mulf %parallel_loop3A_476, %parallel_loop3A_472 : vector<16xf32>
        %parallel_loop3A_478 = arith.constant 1.500000e+00 : f32
        %parallel_loop3A_479 = vector.broadcast %parallel_loop3A_478 : f32 to vector<16xf32>
        %parallel_loop3A_480 = arith.subf %parallel_loop3A_479, %parallel_loop3A_477 : vector<16xf32>
        %parallel_loop3A_481 = arith.mulf %parallel_loop3A_472, %parallel_loop3A_480 : vector<16xf32>
        %parallel_loop3A_482 = arith.mulf %parallel_loop3A_481, %parallel_loop3A_226 : vector<16xf32>
        %parallel_loop3A_483 = arith.mulf %parallel_loop3A_274, %parallel_loop3A_482 : vector<16xf32>
        %parallel_loop3A_484 = vector.broadcast %parallel_loop3A_448 : f32 to vector<16xf32>
        %parallel_loop3A_485 = arith.mulf %parallel_loop3A_484, %parallel_loop3A_482 : vector<16xf32>
        %parallel_loop3A_486 = arith.subf %parallel_loop3A_234, %parallel_loop3A_485 : vector<16xf32>
        %parallel_loop3A_487 = arith.addf %parallel_loop3A_483, %parallel_loop3A_486 : vector<16xf32>
        %parallel_loop3A_488 = arith.constant 0 : i32
        %parallel_loop3A_489 = arith.constant 0 : i32
        %parallel_loop3A_490 = tpu.memref_slice %arg16[%parallel_loop3A_145, %parallel_loop3A_488, %parallel_loop3A_489] : memref<2x64x128xf32, #tpu.memory_space<vmem>> -> memref<1x64x128xf32, #tpu.memory_space<vmem>>
        %parallel_loop3A_491 = tpu.memref_squeeze %parallel_loop3A_490 : memref<1x64x128xf32, #tpu.memory_space<vmem>> -> memref<64x128xf32, #tpu.memory_space<vmem>>
        %parallel_loop3A_492 = arith.index_cast %parallel_loop3A_225 : i32 to index
        %parallel_loop3A_493 = arith.constant 0 : index
        %parallel_loop3A_494 = tpu.vector_load %parallel_loop3A_491[%parallel_loop3A_492, %parallel_loop3A_493] {strides = array<i32>} : memref<64x128xf32, #tpu.memory_space<vmem>>, vector<16xf32>,
        tpu.vector_store %parallel_loop3A_491[%parallel_loop3A_492, %parallel_loop3A_493], %parallel_loop3A_487 {strides = array<i32>} : memref<64x128xf32, #tpu.memory_space<vmem>>, vector<16xf32>,
        %parallel_loop3A_495 = arith.mulf %parallel_loop3A_481, %parallel_loop3A_227 : vector<16xf32>
        %parallel_loop3A_496 = arith.mulf %parallel_loop3A_297, %parallel_loop3A_495 : vector<16xf32>
        %parallel_loop3A_497 = vector.broadcast %parallel_loop3A_448 : f32 to vector<16xf32>
        %parallel_loop3A_498 = arith.mulf %parallel_loop3A_497, %parallel_loop3A_495 : vector<16xf32>
        %parallel_loop3A_499 = arith.subf %parallel_loop3A_235, %parallel_loop3A_498 : vector<16xf32>
        %parallel_loop3A_500 = arith.addf %parallel_loop3A_496, %parallel_loop3A_499 : vector<16xf32>
        %parallel_loop3A_501 = arith.constant 0 : i32
        %parallel_loop3A_502 = arith.constant 0 : i32
        %parallel_loop3A_503 = tpu.memref_slice %arg16[%parallel_loop3A_145, %parallel_loop3A_501, %parallel_loop3A_502] : memref<2x64x128xf32, #tpu.memory_space<vmem>> -> memref<1x64x128xf32, #tpu.memory_space<vmem>>
        %parallel_loop3A_504 = tpu.memref_squeeze %parallel_loop3A_503 : memref<1x64x128xf32, #tpu.memory_space<vmem>> -> memref<64x128xf32, #tpu.memory_space<vmem>>
        %parallel_loop3A_505 = arith.index_cast %parallel_loop3A_225 : i32 to index
        %parallel_loop3A_506 = arith.constant 16 : index
        %parallel_loop3A_507 = tpu.vector_load %parallel_loop3A_504[%parallel_loop3A_505, %parallel_loop3A_506] {strides = array<i32>} : memref<64x128xf32, #tpu.memory_space<vmem>>, vector<16xf32>,
        tpu.vector_store %parallel_loop3A_504[%parallel_loop3A_505, %parallel_loop3A_506], %parallel_loop3A_500 {strides = array<i32>} : memref<64x128xf32, #tpu.memory_space<vmem>>, vector<16xf32>,
        %parallel_loop3A_508 = arith.mulf %parallel_loop3A_481, %parallel_loop3A_228 : vector<16xf32>
        %parallel_loop3A_509 = arith.mulf %parallel_loop3A_320, %parallel_loop3A_508 : vector<16xf32>
        %parallel_loop3A_510 = vector.broadcast %parallel_loop3A_448 : f32 to vector<16xf32>
        %parallel_loop3A_511 = arith.mulf %parallel_loop3A_510, %parallel_loop3A_508 : vector<16xf32>
        %parallel_loop3A_512 = arith.subf %parallel_loop3A_236, %parallel_loop3A_511 : vector<16xf32>
        %parallel_loop3A_513 = arith.addf %parallel_loop3A_509, %parallel_loop3A_512 : vector<16xf32>
        %parallel_loop3A_514 = arith.constant 0 : i32
        %parallel_loop3A_515 = arith.constant 0 : i32
        %parallel_loop3A_516 = tpu.memref_slice %arg16[%parallel_loop3A_145, %parallel_loop3A_514, %parallel_loop3A_515] : memref<2x64x128xf32, #tpu.memory_space<vmem>> -> memref<1x64x128xf32, #tpu.memory_space<vmem>>
        %parallel_loop3A_517 = tpu.memref_squeeze %parallel_loop3A_516 : memref<1x64x128xf32, #tpu.memory_space<vmem>> -> memref<64x128xf32, #tpu.memory_space<vmem>>
        %parallel_loop3A_518 = arith.index_cast %parallel_loop3A_225 : i32 to index
        %parallel_loop3A_519 = arith.constant 32 : index
        %parallel_loop3A_520 = tpu.vector_load %parallel_loop3A_517[%parallel_loop3A_518, %parallel_loop3A_519] {strides = array<i32>} : memref<64x128xf32, #tpu.memory_space<vmem>>, vector<16xf32>,
        tpu.vector_store %parallel_loop3A_517[%parallel_loop3A_518, %parallel_loop3A_519], %parallel_loop3A_513 {strides = array<i32>} : memref<64x128xf32, #tpu.memory_space<vmem>>, vector<16xf32>,
        %parallel_loop3A_521 = arith.mulf %parallel_loop3A_481, %parallel_loop3A_229 : vector<16xf32>
        %parallel_loop3A_522 = arith.mulf %parallel_loop3A_343, %parallel_loop3A_521 : vector<16xf32>
        %parallel_loop3A_523 = vector.broadcast %parallel_loop3A_448 : f32 to vector<16xf32>
        %parallel_loop3A_524 = arith.mulf %parallel_loop3A_523, %parallel_loop3A_521 : vector<16xf32>
        %parallel_loop3A_525 = arith.subf %parallel_loop3A_237, %parallel_loop3A_524 : vector<16xf32>
        %parallel_loop3A_526 = arith.addf %parallel_loop3A_522, %parallel_loop3A_525 : vector<16xf32>
        %parallel_loop3A_527 = arith.constant 0 : i32
        %parallel_loop3A_528 = arith.constant 0 : i32
        %parallel_loop3A_529 = tpu.memref_slice %arg16[%parallel_loop3A_145, %parallel_loop3A_527, %parallel_loop3A_528] : memref<2x64x128xf32, #tpu.memory_space<vmem>> -> memref<1x64x128xf32, #tpu.memory_space<vmem>>
        %parallel_loop3A_530 = tpu.memref_squeeze %parallel_loop3A_529 : memref<1x64x128xf32, #tpu.memory_space<vmem>> -> memref<64x128xf32, #tpu.memory_space<vmem>>
        %parallel_loop3A_531 = arith.index_cast %parallel_loop3A_225 : i32 to index
        %parallel_loop3A_532 = arith.constant 48 : index
        %parallel_loop3A_533 = tpu.vector_load %parallel_loop3A_530[%parallel_loop3A_531, %parallel_loop3A_532] {strides = array<i32>} : memref<64x128xf32, #tpu.memory_space<vmem>>, vector<16xf32>,
        tpu.vector_store %parallel_loop3A_530[%parallel_loop3A_531, %parallel_loop3A_532], %parallel_loop3A_526 {strides = array<i32>} : memref<64x128xf32, #tpu.memory_space<vmem>>, vector<16xf32>,
        %parallel_loop3A_534 = arith.mulf %parallel_loop3A_481, %parallel_loop3A_230 : vector<16xf32>
        %parallel_loop3A_535 = arith.mulf %parallel_loop3A_366, %parallel_loop3A_534 : vector<16xf32>
        %parallel_loop3A_536 = vector.broadcast %parallel_loop3A_448 : f32 to vector<16xf32>
        %parallel_loop3A_537 = arith.mulf %parallel_loop3A_536, %parallel_loop3A_534 : vector<16xf32>
        %parallel_loop3A_538 = arith.subf %parallel_loop3A_238, %parallel_loop3A_537 : vector<16xf32>
        %parallel_loop3A_539 = arith.addf %parallel_loop3A_535, %parallel_loop3A_538 : vector<16xf32>
        %parallel_loop3A_540 = arith.constant 0 : i32
        %parallel_loop3A_541 = arith.constant 0 : i32
        %parallel_loop3A_542 = tpu.memref_slice %arg16[%parallel_loop3A_145, %parallel_loop3A_540, %parallel_loop3A_541] : memref<2x64x128xf32, #tpu.memory_space<vmem>> -> memref<1x64x128xf32, #tpu.memory_space<vmem>>
        %parallel_loop3A_543 = tpu.memref_squeeze %parallel_loop3A_542 : memref<1x64x128xf32, #tpu.memory_space<vmem>> -> memref<64x128xf32, #tpu.memory_space<vmem>>
        %parallel_loop3A_544 = arith.index_cast %parallel_loop3A_225 : i32 to index
        %parallel_loop3A_545 = arith.constant 64 : index
        %parallel_loop3A_546 = tpu.vector_load %parallel_loop3A_543[%parallel_loop3A_544, %parallel_loop3A_545] {strides = array<i32>} : memref<64x128xf32, #tpu.memory_space<vmem>>, vector<16xf32>,
        tpu.vector_store %parallel_loop3A_543[%parallel_loop3A_544, %parallel_loop3A_545], %parallel_loop3A_539 {strides = array<i32>} : memref<64x128xf32, #tpu.memory_space<vmem>>, vector<16xf32>,
        %parallel_loop3A_547 = arith.mulf %parallel_loop3A_481, %parallel_loop3A_231 : vector<16xf32>
        %parallel_loop3A_548 = arith.mulf %parallel_loop3A_389, %parallel_loop3A_547 : vector<16xf32>
        %parallel_loop3A_549 = vector.broadcast %parallel_loop3A_448 : f32 to vector<16xf32>
        %parallel_loop3A_550 = arith.mulf %parallel_loop3A_549, %parallel_loop3A_547 : vector<16xf32>
        %parallel_loop3A_551 = arith.subf %parallel_loop3A_239, %parallel_loop3A_550 : vector<16xf32>
        %parallel_loop3A_552 = arith.addf %parallel_loop3A_548, %parallel_loop3A_551 : vector<16xf32>
        %parallel_loop3A_553 = arith.constant 0 : i32
        %parallel_loop3A_554 = arith.constant 0 : i32
        %parallel_loop3A_555 = tpu.memref_slice %arg16[%parallel_loop3A_145, %parallel_loop3A_553, %parallel_loop3A_554] : memref<2x64x128xf32, #tpu.memory_space<vmem>> -> memref<1x64x128xf32, #tpu.memory_space<vmem>>
        %parallel_loop3A_556 = tpu.memref_squeeze %parallel_loop3A_555 : memref<1x64x128xf32, #tpu.memory_space<vmem>> -> memref<64x128xf32, #tpu.memory_space<vmem>>
        %parallel_loop3A_557 = arith.index_cast %parallel_loop3A_225 : i32 to index
        %parallel_loop3A_558 = arith.constant 80 : index
        %parallel_loop3A_559 = tpu.vector_load %parallel_loop3A_556[%parallel_loop3A_557, %parallel_loop3A_558] {strides = array<i32>} : memref<64x128xf32, #tpu.memory_space<vmem>>, vector<16xf32>,
        tpu.vector_store %parallel_loop3A_556[%parallel_loop3A_557, %parallel_loop3A_558], %parallel_loop3A_552 {strides = array<i32>} : memref<64x128xf32, #tpu.memory_space<vmem>>, vector<16xf32>,
        %parallel_loop3A_560 = arith.mulf %parallel_loop3A_481, %parallel_loop3A_232 : vector<16xf32>
        %parallel_loop3A_561 = arith.mulf %parallel_loop3A_412, %parallel_loop3A_560 : vector<16xf32>
        %parallel_loop3A_562 = vector.broadcast %parallel_loop3A_448 : f32 to vector<16xf32>
        %parallel_loop3A_563 = arith.mulf %parallel_loop3A_562, %parallel_loop3A_560 : vector<16xf32>
        %parallel_loop3A_564 = arith.subf %parallel_loop3A_240, %parallel_loop3A_563 : vector<16xf32>
        %parallel_loop3A_565 = arith.addf %parallel_loop3A_561, %parallel_loop3A_564 : vector<16xf32>
        %parallel_loop3A_566 = arith.constant 0 : i32
        %parallel_loop3A_567 = arith.constant 0 : i32
        %parallel_loop3A_568 = tpu.memref_slice %arg16[%parallel_loop3A_145, %parallel_loop3A_566, %parallel_loop3A_567] : memref<2x64x128xf32, #tpu.memory_space<vmem>> -> memref<1x64x128xf32, #tpu.memory_space<vmem>>
        %parallel_loop3A_569 = tpu.memref_squeeze %parallel_loop3A_568 : memref<1x64x128xf32, #tpu.memory_space<vmem>> -> memref<64x128xf32, #tpu.memory_space<vmem>>
        %parallel_loop3A_570 = arith.index_cast %parallel_loop3A_225 : i32 to index
        %parallel_loop3A_571 = arith.constant 96 : index
        %parallel_loop3A_572 = tpu.vector_load %parallel_loop3A_569[%parallel_loop3A_570, %parallel_loop3A_571] {strides = array<i32>} : memref<64x128xf32, #tpu.memory_space<vmem>>, vector<16xf32>,
        tpu.vector_store %parallel_loop3A_569[%parallel_loop3A_570, %parallel_loop3A_571], %parallel_loop3A_565 {strides = array<i32>} : memref<64x128xf32, #tpu.memory_space<vmem>>, vector<16xf32>,
        %parallel_loop3A_573 = arith.mulf %parallel_loop3A_481, %parallel_loop3A_233 : vector<16xf32>
        %parallel_loop3A_574 = arith.mulf %parallel_loop3A_435, %parallel_loop3A_573 : vector<16xf32>
        %parallel_loop3A_575 = vector.broadcast %parallel_loop3A_448 : f32 to vector<16xf32>
        %parallel_loop3A_576 = arith.mulf %parallel_loop3A_575, %parallel_loop3A_573 : vector<16xf32>
        %parallel_loop3A_577 = arith.subf %parallel_loop3A_241, %parallel_loop3A_576 : vector<16xf32>
        %parallel_loop3A_578 = arith.addf %parallel_loop3A_574, %parallel_loop3A_577 : vector<16xf32>
        %parallel_loop3A_579 = arith.constant 0 : i32
        %parallel_loop3A_580 = arith.constant 0 : i32
        %parallel_loop3A_581 = tpu.memref_slice %arg16[%parallel_loop3A_145, %parallel_loop3A_579, %parallel_loop3A_580] : memref<2x64x128xf32, #tpu.memory_space<vmem>> -> memref<1x64x128xf32, #tpu.memory_space<vmem>>
        %parallel_loop3A_582 = tpu.memref_squeeze %parallel_loop3A_581 : memref<1x64x128xf32, #tpu.memory_space<vmem>> -> memref<64x128xf32, #tpu.memory_space<vmem>>
        %parallel_loop3A_583 = arith.index_cast %parallel_loop3A_225 : i32 to index
        %parallel_loop3A_584 = arith.constant 112 : index
        %parallel_loop3A_585 = tpu.vector_load %parallel_loop3A_582[%parallel_loop3A_583, %parallel_loop3A_584] {strides = array<i32>} : memref<64x128xf32, #tpu.memory_space<vmem>>, vector<16xf32>,
        tpu.vector_store %parallel_loop3A_582[%parallel_loop3A_583, %parallel_loop3A_584], %parallel_loop3A_578 {strides = array<i32>} : memref<64x128xf32, #tpu.memory_space<vmem>>, vector<16xf32>,
        scf.yield %parallel_loop3A_226, %parallel_loop3A_227, %parallel_loop3A_228, %parallel_loop3A_229, %parallel_loop3A_230, %parallel_loop3A_231, %parallel_loop3A_232, %parallel_loop3A_233, %parallel_loop3A_234, %parallel_loop3A_235, %parallel_loop3A_236, %parallel_loop3A_237, %parallel_loop3A_238, %parallel_loop3A_239, %parallel_loop3A_240, %parallel_loop3A_241 : vector<16xf32>, vector<16xf32>, vector<16xf32>, vector<16xf32>, vector<16xf32>, vector<16xf32>, vector<16xf32>, vector<16xf32>, vector<16xf32>, vector<16xf32>, vector<16xf32>, vector<16xf32>, vector<16xf32>, vector<16xf32>, vector<16xf32>, vector<16xf32>
      } {sc.loop_unroll_factor = 2 : i64, sc.parallel_access}
      %mul3A_147 = arith.constant 64 : i32
      %mul3A_148 = arith.muli %add3A_110, %mul3A_147 : i32
      %add3A_149 = arith.addi %mul3A_2, %mul3A_148 : i32
      %dma_start3A_150 = arith.constant 0 : i32
      %dma_start3A_151 = arith.constant 0 : i32
      %dma_start3A_152 = arith.constant 0 : i32
      %dma_start3A_153 = tpu.memref_slice %arg16[%dma_start3A_150, %dma_start3A_151, %dma_start3A_152] : memref<2x64x128xf32, #tpu.memory_space<vmem>> -> memref<1x64x128xf32, #tpu.memory_space<vmem>>
      %dma_start3A_154 = tpu.memref_squeeze %dma_start3A_153 : memref<1x64x128xf32, #tpu.memory_space<vmem>> -> memref<64x128xf32, #tpu.memory_space<vmem>>
      %dma_start3A_155 = arith.constant 0 : i32
      %dma_start3A_156 = tpu.memref_slice %arg10[%add3A_149, %dma_start3A_155] : memref<204800x128xf32, #tpu.memory_space<hbm>> -> memref<64x128xf32, #tpu.memory_space<hbm>>
      %dma_start3A_157 = arith.constant 0 : i32
      %dma_start3A_158 = tpu.memref_slice %arg10[%add3A_149, %dma_start3A_157] : memref<204800x128xf32, #tpu.memory_space<hbm>> -> memref<64x128xf32, #tpu.memory_space<hbm>>
      %dma_start3A_159 = arith.constant 0 : i32
      %dma_start3A_160 = arith.constant 0 : i32
      %dma_start3A_161 = tpu.memref_slice %arg16[%dma_start3A_150, %dma_start3A_159, %dma_start3A_160] : memref<2x64x128xf32, #tpu.memory_space<vmem>> -> memref<1x64x128xf32, #tpu.memory_space<vmem>>
      %dma_start3A_162 = tpu.memref_squeeze %dma_start3A_161 : memref<1x64x128xf32, #tpu.memory_space<vmem>> -> memref<64x128xf32, #tpu.memory_space<vmem>>
      tpu.enqueue_dma source(%dma_start3A_162 : memref<64x128xf32, #tpu.memory_space<vmem>>) target(%dma_start3A_158 : memref<64x128xf32, #tpu.memory_space<hbm>>) target_semaphore(%arg22 : memref<!tpu.dma_semaphore, #tpu.memory_space<semaphore_mem>>)
      %mul3A_163 = arith.constant 2 : i32
      %mul3A_164 = arith.muli %mul3A_163, %scan3A_106 : i32
      %add3A_165 = arith.constant 1 : i32
      %add3A_166 = arith.addi %mul3A_164, %add3A_165 : i32
      %add3A_167 = arith.constant 1 : i32
      %add3A_168 = arith.addi %add3A_166, %add3A_167 : i32
      %lt3A_169 = arith.constant 100 : i32
      %lt3A_170 = arith.cmpi slt, %add3A_168, %lt3A_169 : i32
      %convert_element_type3A_171 = arith.extui %lt3A_170 : i1 to i32
      %cond3A_172 = arith.constant 0 : i32
      %cond3A_173 = arith.cmpi ne, %convert_element_type3A_171, %cond3A_172 : i32
      scf.if %cond3A_173 {
        %add3A_225 = arith.constant 1 : i32
        %add3A_226 = arith.addi %add3A_166, %add3A_225 : i32
        %mul3A_227 = arith.constant 64 : i32
        %mul3A_228 = arith.muli %add3A_226, %mul3A_227 : i32
        %dma_start3A_229 = arith.constant 0 : i32
        %dma_start3A_230 = arith.constant 0 : i32
        %dma_start3A_231 = arith.constant 0 : i32
        %dma_start3A_232 = tpu.memref_slice %arg14[%dma_start3A_229, %dma_start3A_230, %dma_start3A_231] : memref<2x64x128xf32, #tpu.memory_space<vmem>> -> memref<1x64x128xf32, #tpu.memory_space<vmem>>
        %dma_start3A_233 = tpu.memref_squeeze %dma_start3A_232 : memref<1x64x128xf32, #tpu.memory_space<vmem>> -> memref<64x128xf32, #tpu.memory_space<vmem>>
        %dma_start3A_234 = tpu.memref_slice %arg11[%mul3A_228] : memref<6400xi32, #tpu.memory_space<vmem>> -> memref<64xi32, #tpu.memory_space<vmem>>
        %dma_start3A_235 = arith.constant 0 : i32
        %dma_start3A_236 = arith.constant 0 : i32
        %dma_start3A_237 = tpu.memref_slice %arg5[%dma_start3A_235, %dma_start3A_236] : memref<100000x128xf32, #tpu.memory_space<hbm>> -> memref<100000x128xf32, #tpu.memory_space<hbm>>
        tpu.enqueue_indirect_dma source(%dma_start3A_237 : memref<100000x128xf32, #tpu.memory_space<hbm>>) target(%dma_start3A_233 : memref<64x128xf32, #tpu.memory_space<vmem>>) offsets(%dma_start3A_234 : memref<64xi32, #tpu.memory_space<vmem>>) semaphore(%arg20 : memref<!tpu.dma_semaphore, #tpu.memory_space<semaphore_mem>>)
        %mul3A_238 = arith.constant 64 : i32
        %mul3A_239 = arith.muli %add3A_226, %mul3A_238 : i32
        %dma_start3A_240 = arith.constant 0 : i32
        %dma_start3A_241 = arith.constant 0 : i32
        %dma_start3A_242 = arith.constant 0 : i32
        %dma_start3A_243 = tpu.memref_slice %arg15[%dma_start3A_240, %dma_start3A_241, %dma_start3A_242] : memref<2x64x128xf32, #tpu.memory_space<vmem>> -> memref<1x64x128xf32, #tpu.memory_space<vmem>>
        %dma_start3A_244 = tpu.memref_squeeze %dma_start3A_243 : memref<1x64x128xf32, #tpu.memory_space<vmem>> -> memref<64x128xf32, #tpu.memory_space<vmem>>
        %dma_start3A_245 = tpu.memref_slice %arg12[%mul3A_239] : memref<6400xi32, #tpu.memory_space<vmem>> -> memref<64xi32, #tpu.memory_space<vmem>>
        %dma_start3A_246 = arith.constant 0 : i32
        %dma_start3A_247 = arith.constant 0 : i32
        %dma_start3A_248 = tpu.memref_slice %arg6[%dma_start3A_246, %dma_start3A_247] : memref<100000x128xf32, #tpu.memory_space<hbm>> -> memref<100000x128xf32, #tpu.memory_space<hbm>>
        tpu.enqueue_indirect_dma source(%dma_start3A_248 : memref<100000x128xf32, #tpu.memory_space<hbm>>) target(%dma_start3A_244 : memref<64x128xf32, #tpu.memory_space<vmem>>) offsets(%dma_start3A_245 : memref<64xi32, #tpu.memory_space<vmem>>) semaphore(%arg20 : memref<!tpu.dma_semaphore, #tpu.memory_space<semaphore_mem>>)
      } else {
      }
      %mul3A_174 = arith.constant 64 : i32
      %mul3A_175 = arith.muli %add3A_166, %mul3A_174 : i32
      %dma_wait3A_176 = arith.constant 1 : i32
      %dma_wait3A_177 = arith.constant 0 : i32
      %dma_wait3A_178 = arith.constant 0 : i32
      %dma_wait3A_179 = tpu.memref_slice %arg14[%dma_wait3A_176, %dma_wait3A_177, %dma_wait3A_178] : memref<2x64x128xf32, #tpu.memory_space<vmem>> -> memref<1x64x128xf32, #tpu.memory_space<vmem>>
      %dma_wait3A_180 = tpu.memref_squeeze %dma_wait3A_179 : memref<1x64x128xf32, #tpu.memory_space<vmem>> -> memref<64x128xf32, #tpu.memory_space<vmem>>
      %dma_wait3A_181 = tpu.memref_slice %arg11[%mul3A_175] : memref<6400xi32, #tpu.memory_space<vmem>> -> memref<64xi32, #tpu.memory_space<vmem>>
      %dma_wait3A_182 = arith.constant 0 : i32
      %dma_wait3A_183 = arith.constant 0 : i32
      %dma_wait3A_184 = tpu.memref_slice %arg5[%dma_wait3A_182, %dma_wait3A_183] : memref<100000x128xf32, #tpu.memory_space<hbm>> -> memref<100000x128xf32, #tpu.memory_space<hbm>>
      tpu.wait_indirect_dma semaphore(%arg21 : memref<!tpu.dma_semaphore, #tpu.memory_space<semaphore_mem>>) src(%dma_wait3A_184 : memref<100000x128xf32, #tpu.memory_space<hbm>>) dst(%dma_wait3A_180 : memref<64x128xf32, #tpu.memory_space<vmem>>)
      %mul3A_185 = arith.constant 64 : i32
      %mul3A_186 = arith.muli %add3A_166, %mul3A_185 : i32
      %dma_wait3A_187 = arith.constant 1 : i32
      %dma_wait3A_188 = arith.constant 0 : i32
      %dma_wait3A_189 = arith.constant 0 : i32
      %dma_wait3A_190 = tpu.memref_slice %arg15[%dma_wait3A_187, %dma_wait3A_188, %dma_wait3A_189] : memref<2x64x128xf32, #tpu.memory_space<vmem>> -> memref<1x64x128xf32, #tpu.memory_space<vmem>>
      %dma_wait3A_191 = tpu.memref_squeeze %dma_wait3A_190 : memref<1x64x128xf32, #tpu.memory_space<vmem>> -> memref<64x128xf32, #tpu.memory_space<vmem>>
      %dma_wait3A_192 = tpu.memref_slice %arg12[%mul3A_186] : memref<6400xi32, #tpu.memory_space<vmem>> -> memref<64xi32, #tpu.memory_space<vmem>>
      %dma_wait3A_193 = arith.constant 0 : i32
      %dma_wait3A_194 = arith.constant 0 : i32
      %dma_wait3A_195 = tpu.memref_slice %arg6[%dma_wait3A_193, %dma_wait3A_194] : memref<100000x128xf32, #tpu.memory_space<hbm>> -> memref<100000x128xf32, #tpu.memory_space<hbm>>
      tpu.wait_indirect_dma semaphore(%arg21 : memref<!tpu.dma_semaphore, #tpu.memory_space<semaphore_mem>>) src(%dma_wait3A_195 : memref<100000x128xf32, #tpu.memory_space<hbm>>) dst(%dma_wait3A_191 : memref<64x128xf32, #tpu.memory_space<vmem>>)
      %ge3A_196 = arith.constant 2 : i32
      %ge3A_197 = arith.cmpi sge, %add3A_166, %ge3A_196 : i32
      %convert_element_type3A_198 = arith.extui %ge3A_197 : i1 to i32
      %cond3A_199 = arith.constant 0 : i32
      %cond3A_200 = arith.cmpi ne, %convert_element_type3A_198, %cond3A_199 : i32
      scf.if %cond3A_200 {
        %mul3A_225 = arith.constant 64 : i32
        %mul3A_226 = arith.muli %add3A_166, %mul3A_225 : i32
        %add3A_227 = arith.addi %mul3A_2, %mul3A_226 : i32
        %dma_wait3A_228 = arith.constant 1 : i32
        %dma_wait3A_229 = arith.constant 0 : i32
        %dma_wait3A_230 = arith.constant 0 : i32
        %dma_wait3A_231 = tpu.memref_slice %arg16[%dma_wait3A_228, %dma_wait3A_229, %dma_wait3A_230] : memref<2x64x128xf32, #tpu.memory_space<vmem>> -> memref<1x64x128xf32, #tpu.memory_space<vmem>>
        %dma_wait3A_232 = tpu.memref_squeeze %dma_wait3A_231 : memref<1x64x128xf32, #tpu.memory_space<vmem>> -> memref<64x128xf32, #tpu.memory_space<vmem>>
        %dma_wait3A_233 = arith.constant 0 : i32
        %dma_wait3A_234 = tpu.memref_slice %arg10[%add3A_227, %dma_wait3A_233] : memref<204800x128xf32, #tpu.memory_space<hbm>> -> memref<64x128xf32, #tpu.memory_space<hbm>>
        %dma_wait3A_235 = arith.constant 0 : i32
        %dma_wait3A_236 = tpu.memref_slice %arg10[%add3A_227, %dma_wait3A_235] : memref<204800x128xf32, #tpu.memory_space<hbm>> -> memref<64x128xf32, #tpu.memory_space<hbm>>
        %dma_wait3A_237 = arith.constant 0 : i32
        %dma_wait3A_238 = arith.constant 0 : i32
        %dma_wait3A_239 = tpu.memref_slice %arg16[%dma_wait3A_228, %dma_wait3A_237, %dma_wait3A_238] : memref<2x64x128xf32, #tpu.memory_space<vmem>> -> memref<1x64x128xf32, #tpu.memory_space<vmem>>
        %dma_wait3A_240 = tpu.memref_squeeze %dma_wait3A_239 : memref<1x64x128xf32, #tpu.memory_space<vmem>> -> memref<64x128xf32, #tpu.memory_space<vmem>>
        tpu.wait_dma2 semaphore(%arg23 : memref<!tpu.dma_semaphore, #tpu.memory_space<semaphore_mem>>) src(%dma_wait3A_240 : memref<64x128xf32, #tpu.memory_space<vmem>>) dst(%dma_wait3A_236 : memref<64x128xf32, #tpu.memory_space<hbm>>)
      } else {
      }
      %iota3A_201 = tpu.iota {dimensions = array<i32: 0>} : vector<16xi32>
      %parallel_loop3A_202 = arith.constant 0 : i32
      %parallel_loop3A_203 = arith.constant 64 : i32
      %parallel_loop3A_204 = arith.constant 1 : i32
      %parallel_loop3A_205 = arith.constant 1 : i32
      %parallel_loop3A_206 = arith.constant 1 : i32
      %parallel_loop3A_207 = arith.constant 1 : i32
      %parallel_loop3A_208:16 = scf.for %parallel_loop3A_225 = %parallel_loop3A_202 to %parallel_loop3A_203 step %parallel_loop3A_204 iter_args(%parallel_loop3A_226 = %get3A_41, %parallel_loop3A_227 = %get3A_43, %parallel_loop3A_228 = %get3A_45, %parallel_loop3A_229 = %get3A_47, %parallel_loop3A_230 = %get3A_49, %parallel_loop3A_231 = %get3A_51, %parallel_loop3A_232 = %get3A_53, %parallel_loop3A_233 = %get3A_55, %parallel_loop3A_234 = %get3A_57, %parallel_loop3A_235 = %get3A_59, %parallel_loop3A_236 = %get3A_61, %parallel_loop3A_237 = %get3A_63, %parallel_loop3A_238 = %get3A_65, %parallel_loop3A_239 = %get3A_67, %parallel_loop3A_240 = %get3A_69, %parallel_loop3A_241 = %get3A_71) -> (vector<16xf32>, vector<16xf32>, vector<16xf32>, vector<16xf32>, vector<16xf32>, vector<16xf32>, vector<16xf32>, vector<16xf32>, vector<16xf32>, vector<16xf32>, vector<16xf32>, vector<16xf32>, vector<16xf32>, vector<16xf32>, vector<16xf32>, vector<16xf32>)  : i32 {
        %parallel_loop3A_242 = arith.constant 0.000000e+00 : f32
        %parallel_loop3A_243 = vector.broadcast %parallel_loop3A_242 : f32 to vector<16xf32>
        %parallel_loop3A_244 = arith.constant 0.000000e+00 : f32
        %parallel_loop3A_245 = vector.broadcast %parallel_loop3A_244 : f32 to vector<16xf32>
        %parallel_loop3A_246 = arith.constant 64 : i32
        %parallel_loop3A_247 = arith.muli %add3A_166, %parallel_loop3A_246 : i32
        %parallel_loop3A_248 = arith.addi %parallel_loop3A_247, %parallel_loop3A_225 : i32
        %parallel_loop3A_249 = arith.index_cast %parallel_loop3A_248 : i32 to index
        %parallel_loop3A_250 = tpu.vector_load %arg13[%parallel_loop3A_249] {strides = array<i32>} : memref<6416xi32, #tpu.memory_space<vmem>>, vector<16xi32>,
        %parallel_loop3A_251 = vector.extract_strided_slice %parallel_loop3A_250 {offsets = [0], sizes = [1], strides = [1]} : vector<16xi32> to vector<1xi32>
        %parallel_loop3A_252 = vector.extract %parallel_loop3A_251[0] : i32 from vector<1xi32>
        %parallel_loop3A_253 = vector.broadcast %parallel_loop3A_252 : i32 to vector<16xi32>
        %parallel_loop3A_254 = arith.addi %parallel_loop3A_253, %iota3A_201 : vector<16xi32>
        %parallel_loop3A_255 = arith.constant 0 : i32
        %parallel_loop3A_256 = vector.broadcast %parallel_loop3A_255 : i32 to vector<16xi32>
        %parallel_loop3A_257 = arith.addi %parallel_loop3A_254, %parallel_loop3A_256 : vector<16xi32>
        %parallel_loop3A_258 = tpu.vector_load_idx %arg17[%parallel_loop3A_257] : memref<51200xf32, #tpu.memory_space<vmem>>[vector<16xi32>], vector<16xf32>,
        %parallel_loop3A_259 = arith.constant 0 : i32
        %parallel_loop3A_260 = arith.constant 0 : i32
        %parallel_loop3A_261 = tpu.memref_slice %arg14[%parallel_loop3A_205, %parallel_loop3A_259, %parallel_loop3A_260] : memref<2x64x128xf32, #tpu.memory_space<vmem>> -> memref<1x64x128xf32, #tpu.memory_space<vmem>>
        %parallel_loop3A_262 = tpu.memref_squeeze %parallel_loop3A_261 : memref<1x64x128xf32, #tpu.memory_space<vmem>> -> memref<64x128xf32, #tpu.memory_space<vmem>>
        %parallel_loop3A_263 = arith.index_cast %parallel_loop3A_225 : i32 to index
        %parallel_loop3A_264 = arith.constant 0 : index
        %parallel_loop3A_265 = tpu.vector_load %parallel_loop3A_262[%parallel_loop3A_263, %parallel_loop3A_264] {strides = array<i32>} : memref<64x128xf32, #tpu.memory_space<vmem>>, vector<16xf32>,
        %parallel_loop3A_266 = arith.constant 0 : i32
        %parallel_loop3A_267 = arith.constant 0 : i32
        %parallel_loop3A_268 = tpu.memref_slice %arg15[%parallel_loop3A_206, %parallel_loop3A_266, %parallel_loop3A_267] : memref<2x64x128xf32, #tpu.memory_space<vmem>> -> memref<1x64x128xf32, #tpu.memory_space<vmem>>
        %parallel_loop3A_269 = tpu.memref_squeeze %parallel_loop3A_268 : memref<1x64x128xf32, #tpu.memory_space<vmem>> -> memref<64x128xf32, #tpu.memory_space<vmem>>
        %parallel_loop3A_270 = arith.index_cast %parallel_loop3A_225 : i32 to index
        %parallel_loop3A_271 = arith.constant 0 : index
        %parallel_loop3A_272 = tpu.vector_load %parallel_loop3A_269[%parallel_loop3A_270, %parallel_loop3A_271] {strides = array<i32>} : memref<64x128xf32, #tpu.memory_space<vmem>>, vector<16xf32>,
        %parallel_loop3A_273 = arith.addf %parallel_loop3A_265, %parallel_loop3A_272 : vector<16xf32>
        %parallel_loop3A_274 = arith.addf %parallel_loop3A_273, %parallel_loop3A_258 : vector<16xf32>
        %parallel_loop3A_275 = arith.addf %parallel_loop3A_243, %parallel_loop3A_274 : vector<16xf32>
        %parallel_loop3A_276 = arith.mulf %parallel_loop3A_274, %parallel_loop3A_274 : vector<16xf32>
        %parallel_loop3A_277 = arith.addf %parallel_loop3A_245, %parallel_loop3A_276 : vector<16xf32>
        %parallel_loop3A_278 = arith.constant 16 : i32
        %parallel_loop3A_279 = vector.broadcast %parallel_loop3A_278 : i32 to vector<16xi32>
        %parallel_loop3A_280 = arith.addi %parallel_loop3A_254, %parallel_loop3A_279 : vector<16xi32>
        %parallel_loop3A_281 = tpu.vector_load_idx %arg17[%parallel_loop3A_280] : memref<51200xf32, #tpu.memory_space<vmem>>[vector<16xi32>], vector<16xf32>,
        %parallel_loop3A_282 = arith.constant 0 : i32
        %parallel_loop3A_283 = arith.constant 0 : i32
        %parallel_loop3A_284 = tpu.memref_slice %arg14[%parallel_loop3A_205, %parallel_loop3A_282, %parallel_loop3A_283] : memref<2x64x128xf32, #tpu.memory_space<vmem>> -> memref<1x64x128xf32, #tpu.memory_space<vmem>>
        %parallel_loop3A_285 = tpu.memref_squeeze %parallel_loop3A_284 : memref<1x64x128xf32, #tpu.memory_space<vmem>> -> memref<64x128xf32, #tpu.memory_space<vmem>>
        %parallel_loop3A_286 = arith.index_cast %parallel_loop3A_225 : i32 to index
        %parallel_loop3A_287 = arith.constant 16 : index
        %parallel_loop3A_288 = tpu.vector_load %parallel_loop3A_285[%parallel_loop3A_286, %parallel_loop3A_287] {strides = array<i32>} : memref<64x128xf32, #tpu.memory_space<vmem>>, vector<16xf32>,
        %parallel_loop3A_289 = arith.constant 0 : i32
        %parallel_loop3A_290 = arith.constant 0 : i32
        %parallel_loop3A_291 = tpu.memref_slice %arg15[%parallel_loop3A_206, %parallel_loop3A_289, %parallel_loop3A_290] : memref<2x64x128xf32, #tpu.memory_space<vmem>> -> memref<1x64x128xf32, #tpu.memory_space<vmem>>
        %parallel_loop3A_292 = tpu.memref_squeeze %parallel_loop3A_291 : memref<1x64x128xf32, #tpu.memory_space<vmem>> -> memref<64x128xf32, #tpu.memory_space<vmem>>
        %parallel_loop3A_293 = arith.index_cast %parallel_loop3A_225 : i32 to index
        %parallel_loop3A_294 = arith.constant 16 : index
        %parallel_loop3A_295 = tpu.vector_load %parallel_loop3A_292[%parallel_loop3A_293, %parallel_loop3A_294] {strides = array<i32>} : memref<64x128xf32, #tpu.memory_space<vmem>>, vector<16xf32>,
        %parallel_loop3A_296 = arith.addf %parallel_loop3A_288, %parallel_loop3A_295 : vector<16xf32>
        %parallel_loop3A_297 = arith.addf %parallel_loop3A_296, %parallel_loop3A_281 : vector<16xf32>
        %parallel_loop3A_298 = arith.addf %parallel_loop3A_275, %parallel_loop3A_297 : vector<16xf32>
        %parallel_loop3A_299 = arith.mulf %parallel_loop3A_297, %parallel_loop3A_297 : vector<16xf32>
        %parallel_loop3A_300 = arith.addf %parallel_loop3A_277, %parallel_loop3A_299 : vector<16xf32>
        %parallel_loop3A_301 = arith.constant 32 : i32
        %parallel_loop3A_302 = vector.broadcast %parallel_loop3A_301 : i32 to vector<16xi32>
        %parallel_loop3A_303 = arith.addi %parallel_loop3A_254, %parallel_loop3A_302 : vector<16xi32>
        %parallel_loop3A_304 = tpu.vector_load_idx %arg17[%parallel_loop3A_303] : memref<51200xf32, #tpu.memory_space<vmem>>[vector<16xi32>], vector<16xf32>,
        %parallel_loop3A_305 = arith.constant 0 : i32
        %parallel_loop3A_306 = arith.constant 0 : i32
        %parallel_loop3A_307 = tpu.memref_slice %arg14[%parallel_loop3A_205, %parallel_loop3A_305, %parallel_loop3A_306] : memref<2x64x128xf32, #tpu.memory_space<vmem>> -> memref<1x64x128xf32, #tpu.memory_space<vmem>>
        %parallel_loop3A_308 = tpu.memref_squeeze %parallel_loop3A_307 : memref<1x64x128xf32, #tpu.memory_space<vmem>> -> memref<64x128xf32, #tpu.memory_space<vmem>>
        %parallel_loop3A_309 = arith.index_cast %parallel_loop3A_225 : i32 to index
        %parallel_loop3A_310 = arith.constant 32 : index
        %parallel_loop3A_311 = tpu.vector_load %parallel_loop3A_308[%parallel_loop3A_309, %parallel_loop3A_310] {strides = array<i32>} : memref<64x128xf32, #tpu.memory_space<vmem>>, vector<16xf32>,
        %parallel_loop3A_312 = arith.constant 0 : i32
        %parallel_loop3A_313 = arith.constant 0 : i32
        %parallel_loop3A_314 = tpu.memref_slice %arg15[%parallel_loop3A_206, %parallel_loop3A_312, %parallel_loop3A_313] : memref<2x64x128xf32, #tpu.memory_space<vmem>> -> memref<1x64x128xf32, #tpu.memory_space<vmem>>
        %parallel_loop3A_315 = tpu.memref_squeeze %parallel_loop3A_314 : memref<1x64x128xf32, #tpu.memory_space<vmem>> -> memref<64x128xf32, #tpu.memory_space<vmem>>
        %parallel_loop3A_316 = arith.index_cast %parallel_loop3A_225 : i32 to index
        %parallel_loop3A_317 = arith.constant 32 : index
        %parallel_loop3A_318 = tpu.vector_load %parallel_loop3A_315[%parallel_loop3A_316, %parallel_loop3A_317] {strides = array<i32>} : memref<64x128xf32, #tpu.memory_space<vmem>>, vector<16xf32>,
        %parallel_loop3A_319 = arith.addf %parallel_loop3A_311, %parallel_loop3A_318 : vector<16xf32>
        %parallel_loop3A_320 = arith.addf %parallel_loop3A_319, %parallel_loop3A_304 : vector<16xf32>
        %parallel_loop3A_321 = arith.addf %parallel_loop3A_298, %parallel_loop3A_320 : vector<16xf32>
        %parallel_loop3A_322 = arith.mulf %parallel_loop3A_320, %parallel_loop3A_320 : vector<16xf32>
        %parallel_loop3A_323 = arith.addf %parallel_loop3A_300, %parallel_loop3A_322 : vector<16xf32>
        %parallel_loop3A_324 = arith.constant 48 : i32
        %parallel_loop3A_325 = vector.broadcast %parallel_loop3A_324 : i32 to vector<16xi32>
        %parallel_loop3A_326 = arith.addi %parallel_loop3A_254, %parallel_loop3A_325 : vector<16xi32>
        %parallel_loop3A_327 = tpu.vector_load_idx %arg17[%parallel_loop3A_326] : memref<51200xf32, #tpu.memory_space<vmem>>[vector<16xi32>], vector<16xf32>,
        %parallel_loop3A_328 = arith.constant 0 : i32
        %parallel_loop3A_329 = arith.constant 0 : i32
        %parallel_loop3A_330 = tpu.memref_slice %arg14[%parallel_loop3A_205, %parallel_loop3A_328, %parallel_loop3A_329] : memref<2x64x128xf32, #tpu.memory_space<vmem>> -> memref<1x64x128xf32, #tpu.memory_space<vmem>>
        %parallel_loop3A_331 = tpu.memref_squeeze %parallel_loop3A_330 : memref<1x64x128xf32, #tpu.memory_space<vmem>> -> memref<64x128xf32, #tpu.memory_space<vmem>>
        %parallel_loop3A_332 = arith.index_cast %parallel_loop3A_225 : i32 to index
        %parallel_loop3A_333 = arith.constant 48 : index
        %parallel_loop3A_334 = tpu.vector_load %parallel_loop3A_331[%parallel_loop3A_332, %parallel_loop3A_333] {strides = array<i32>} : memref<64x128xf32, #tpu.memory_space<vmem>>, vector<16xf32>,
        %parallel_loop3A_335 = arith.constant 0 : i32
        %parallel_loop3A_336 = arith.constant 0 : i32
        %parallel_loop3A_337 = tpu.memref_slice %arg15[%parallel_loop3A_206, %parallel_loop3A_335, %parallel_loop3A_336] : memref<2x64x128xf32, #tpu.memory_space<vmem>> -> memref<1x64x128xf32, #tpu.memory_space<vmem>>
        %parallel_loop3A_338 = tpu.memref_squeeze %parallel_loop3A_337 : memref<1x64x128xf32, #tpu.memory_space<vmem>> -> memref<64x128xf32, #tpu.memory_space<vmem>>
        %parallel_loop3A_339 = arith.index_cast %parallel_loop3A_225 : i32 to index
        %parallel_loop3A_340 = arith.constant 48 : index
        %parallel_loop3A_341 = tpu.vector_load %parallel_loop3A_338[%parallel_loop3A_339, %parallel_loop3A_340] {strides = array<i32>} : memref<64x128xf32, #tpu.memory_space<vmem>>, vector<16xf32>,
        %parallel_loop3A_342 = arith.addf %parallel_loop3A_334, %parallel_loop3A_341 : vector<16xf32>
        %parallel_loop3A_343 = arith.addf %parallel_loop3A_342, %parallel_loop3A_327 : vector<16xf32>
        %parallel_loop3A_344 = arith.addf %parallel_loop3A_321, %parallel_loop3A_343 : vector<16xf32>
        %parallel_loop3A_345 = arith.mulf %parallel_loop3A_343, %parallel_loop3A_343 : vector<16xf32>
        %parallel_loop3A_346 = arith.addf %parallel_loop3A_323, %parallel_loop3A_345 : vector<16xf32>
        %parallel_loop3A_347 = arith.constant 64 : i32
        %parallel_loop3A_348 = vector.broadcast %parallel_loop3A_347 : i32 to vector<16xi32>
        %parallel_loop3A_349 = arith.addi %parallel_loop3A_254, %parallel_loop3A_348 : vector<16xi32>
        %parallel_loop3A_350 = tpu.vector_load_idx %arg17[%parallel_loop3A_349] : memref<51200xf32, #tpu.memory_space<vmem>>[vector<16xi32>], vector<16xf32>,
        %parallel_loop3A_351 = arith.constant 0 : i32
        %parallel_loop3A_352 = arith.constant 0 : i32
        %parallel_loop3A_353 = tpu.memref_slice %arg14[%parallel_loop3A_205, %parallel_loop3A_351, %parallel_loop3A_352] : memref<2x64x128xf32, #tpu.memory_space<vmem>> -> memref<1x64x128xf32, #tpu.memory_space<vmem>>
        %parallel_loop3A_354 = tpu.memref_squeeze %parallel_loop3A_353 : memref<1x64x128xf32, #tpu.memory_space<vmem>> -> memref<64x128xf32, #tpu.memory_space<vmem>>
        %parallel_loop3A_355 = arith.index_cast %parallel_loop3A_225 : i32 to index
        %parallel_loop3A_356 = arith.constant 64 : index
        %parallel_loop3A_357 = tpu.vector_load %parallel_loop3A_354[%parallel_loop3A_355, %parallel_loop3A_356] {strides = array<i32>} : memref<64x128xf32, #tpu.memory_space<vmem>>, vector<16xf32>,
        %parallel_loop3A_358 = arith.constant 0 : i32
        %parallel_loop3A_359 = arith.constant 0 : i32
        %parallel_loop3A_360 = tpu.memref_slice %arg15[%parallel_loop3A_206, %parallel_loop3A_358, %parallel_loop3A_359] : memref<2x64x128xf32, #tpu.memory_space<vmem>> -> memref<1x64x128xf32, #tpu.memory_space<vmem>>
        %parallel_loop3A_361 = tpu.memref_squeeze %parallel_loop3A_360 : memref<1x64x128xf32, #tpu.memory_space<vmem>> -> memref<64x128xf32, #tpu.memory_space<vmem>>
        %parallel_loop3A_362 = arith.index_cast %parallel_loop3A_225 : i32 to index
        %parallel_loop3A_363 = arith.constant 64 : index
        %parallel_loop3A_364 = tpu.vector_load %parallel_loop3A_361[%parallel_loop3A_362, %parallel_loop3A_363] {strides = array<i32>} : memref<64x128xf32, #tpu.memory_space<vmem>>, vector<16xf32>,
        %parallel_loop3A_365 = arith.addf %parallel_loop3A_357, %parallel_loop3A_364 : vector<16xf32>
        %parallel_loop3A_366 = arith.addf %parallel_loop3A_365, %parallel_loop3A_350 : vector<16xf32>
        %parallel_loop3A_367 = arith.addf %parallel_loop3A_344, %parallel_loop3A_366 : vector<16xf32>
        %parallel_loop3A_368 = arith.mulf %parallel_loop3A_366, %parallel_loop3A_366 : vector<16xf32>
        %parallel_loop3A_369 = arith.addf %parallel_loop3A_346, %parallel_loop3A_368 : vector<16xf32>
        %parallel_loop3A_370 = arith.constant 80 : i32
        %parallel_loop3A_371 = vector.broadcast %parallel_loop3A_370 : i32 to vector<16xi32>
        %parallel_loop3A_372 = arith.addi %parallel_loop3A_254, %parallel_loop3A_371 : vector<16xi32>
        %parallel_loop3A_373 = tpu.vector_load_idx %arg17[%parallel_loop3A_372] : memref<51200xf32, #tpu.memory_space<vmem>>[vector<16xi32>], vector<16xf32>,
        %parallel_loop3A_374 = arith.constant 0 : i32
        %parallel_loop3A_375 = arith.constant 0 : i32
        %parallel_loop3A_376 = tpu.memref_slice %arg14[%parallel_loop3A_205, %parallel_loop3A_374, %parallel_loop3A_375] : memref<2x64x128xf32, #tpu.memory_space<vmem>> -> memref<1x64x128xf32, #tpu.memory_space<vmem>>
        %parallel_loop3A_377 = tpu.memref_squeeze %parallel_loop3A_376 : memref<1x64x128xf32, #tpu.memory_space<vmem>> -> memref<64x128xf32, #tpu.memory_space<vmem>>
        %parallel_loop3A_378 = arith.index_cast %parallel_loop3A_225 : i32 to index
        %parallel_loop3A_379 = arith.constant 80 : index
        %parallel_loop3A_380 = tpu.vector_load %parallel_loop3A_377[%parallel_loop3A_378, %parallel_loop3A_379] {strides = array<i32>} : memref<64x128xf32, #tpu.memory_space<vmem>>, vector<16xf32>,
        %parallel_loop3A_381 = arith.constant 0 : i32
        %parallel_loop3A_382 = arith.constant 0 : i32
        %parallel_loop3A_383 = tpu.memref_slice %arg15[%parallel_loop3A_206, %parallel_loop3A_381, %parallel_loop3A_382] : memref<2x64x128xf32, #tpu.memory_space<vmem>> -> memref<1x64x128xf32, #tpu.memory_space<vmem>>
        %parallel_loop3A_384 = tpu.memref_squeeze %parallel_loop3A_383 : memref<1x64x128xf32, #tpu.memory_space<vmem>> -> memref<64x128xf32, #tpu.memory_space<vmem>>
        %parallel_loop3A_385 = arith.index_cast %parallel_loop3A_225 : i32 to index
        %parallel_loop3A_386 = arith.constant 80 : index
        %parallel_loop3A_387 = tpu.vector_load %parallel_loop3A_384[%parallel_loop3A_385, %parallel_loop3A_386] {strides = array<i32>} : memref<64x128xf32, #tpu.memory_space<vmem>>, vector<16xf32>,
        %parallel_loop3A_388 = arith.addf %parallel_loop3A_380, %parallel_loop3A_387 : vector<16xf32>
        %parallel_loop3A_389 = arith.addf %parallel_loop3A_388, %parallel_loop3A_373 : vector<16xf32>
        %parallel_loop3A_390 = arith.addf %parallel_loop3A_367, %parallel_loop3A_389 : vector<16xf32>
        %parallel_loop3A_391 = arith.mulf %parallel_loop3A_389, %parallel_loop3A_389 : vector<16xf32>
        %parallel_loop3A_392 = arith.addf %parallel_loop3A_369, %parallel_loop3A_391 : vector<16xf32>
        %parallel_loop3A_393 = arith.constant 96 : i32
        %parallel_loop3A_394 = vector.broadcast %parallel_loop3A_393 : i32 to vector<16xi32>
        %parallel_loop3A_395 = arith.addi %parallel_loop3A_254, %parallel_loop3A_394 : vector<16xi32>
        %parallel_loop3A_396 = tpu.vector_load_idx %arg17[%parallel_loop3A_395] : memref<51200xf32, #tpu.memory_space<vmem>>[vector<16xi32>], vector<16xf32>,
        %parallel_loop3A_397 = arith.constant 0 : i32
        %parallel_loop3A_398 = arith.constant 0 : i32
        %parallel_loop3A_399 = tpu.memref_slice %arg14[%parallel_loop3A_205, %parallel_loop3A_397, %parallel_loop3A_398] : memref<2x64x128xf32, #tpu.memory_space<vmem>> -> memref<1x64x128xf32, #tpu.memory_space<vmem>>
        %parallel_loop3A_400 = tpu.memref_squeeze %parallel_loop3A_399 : memref<1x64x128xf32, #tpu.memory_space<vmem>> -> memref<64x128xf32, #tpu.memory_space<vmem>>
        %parallel_loop3A_401 = arith.index_cast %parallel_loop3A_225 : i32 to index
        %parallel_loop3A_402 = arith.constant 96 : index
        %parallel_loop3A_403 = tpu.vector_load %parallel_loop3A_400[%parallel_loop3A_401, %parallel_loop3A_402] {strides = array<i32>} : memref<64x128xf32, #tpu.memory_space<vmem>>, vector<16xf32>,
        %parallel_loop3A_404 = arith.constant 0 : i32
        %parallel_loop3A_405 = arith.constant 0 : i32
        %parallel_loop3A_406 = tpu.memref_slice %arg15[%parallel_loop3A_206, %parallel_loop3A_404, %parallel_loop3A_405] : memref<2x64x128xf32, #tpu.memory_space<vmem>> -> memref<1x64x128xf32, #tpu.memory_space<vmem>>
        %parallel_loop3A_407 = tpu.memref_squeeze %parallel_loop3A_406 : memref<1x64x128xf32, #tpu.memory_space<vmem>> -> memref<64x128xf32, #tpu.memory_space<vmem>>
        %parallel_loop3A_408 = arith.index_cast %parallel_loop3A_225 : i32 to index
        %parallel_loop3A_409 = arith.constant 96 : index
        %parallel_loop3A_410 = tpu.vector_load %parallel_loop3A_407[%parallel_loop3A_408, %parallel_loop3A_409] {strides = array<i32>} : memref<64x128xf32, #tpu.memory_space<vmem>>, vector<16xf32>,
        %parallel_loop3A_411 = arith.addf %parallel_loop3A_403, %parallel_loop3A_410 : vector<16xf32>
        %parallel_loop3A_412 = arith.addf %parallel_loop3A_411, %parallel_loop3A_396 : vector<16xf32>
        %parallel_loop3A_413 = arith.addf %parallel_loop3A_390, %parallel_loop3A_412 : vector<16xf32>
        %parallel_loop3A_414 = arith.mulf %parallel_loop3A_412, %parallel_loop3A_412 : vector<16xf32>
        %parallel_loop3A_415 = arith.addf %parallel_loop3A_392, %parallel_loop3A_414 : vector<16xf32>
        %parallel_loop3A_416 = arith.constant 112 : i32
        %parallel_loop3A_417 = vector.broadcast %parallel_loop3A_416 : i32 to vector<16xi32>
        %parallel_loop3A_418 = arith.addi %parallel_loop3A_254, %parallel_loop3A_417 : vector<16xi32>
        %parallel_loop3A_419 = tpu.vector_load_idx %arg17[%parallel_loop3A_418] : memref<51200xf32, #tpu.memory_space<vmem>>[vector<16xi32>], vector<16xf32>,
        %parallel_loop3A_420 = arith.constant 0 : i32
        %parallel_loop3A_421 = arith.constant 0 : i32
        %parallel_loop3A_422 = tpu.memref_slice %arg14[%parallel_loop3A_205, %parallel_loop3A_420, %parallel_loop3A_421] : memref<2x64x128xf32, #tpu.memory_space<vmem>> -> memref<1x64x128xf32, #tpu.memory_space<vmem>>
        %parallel_loop3A_423 = tpu.memref_squeeze %parallel_loop3A_422 : memref<1x64x128xf32, #tpu.memory_space<vmem>> -> memref<64x128xf32, #tpu.memory_space<vmem>>
        %parallel_loop3A_424 = arith.index_cast %parallel_loop3A_225 : i32 to index
        %parallel_loop3A_425 = arith.constant 112 : index
        %parallel_loop3A_426 = tpu.vector_load %parallel_loop3A_423[%parallel_loop3A_424, %parallel_loop3A_425] {strides = array<i32>} : memref<64x128xf32, #tpu.memory_space<vmem>>, vector<16xf32>,
        %parallel_loop3A_427 = arith.constant 0 : i32
        %parallel_loop3A_428 = arith.constant 0 : i32
        %parallel_loop3A_429 = tpu.memref_slice %arg15[%parallel_loop3A_206, %parallel_loop3A_427, %parallel_loop3A_428] : memref<2x64x128xf32, #tpu.memory_space<vmem>> -> memref<1x64x128xf32, #tpu.memory_space<vmem>>
        %parallel_loop3A_430 = tpu.memref_squeeze %parallel_loop3A_429 : memref<1x64x128xf32, #tpu.memory_space<vmem>> -> memref<64x128xf32, #tpu.memory_space<vmem>>
        %parallel_loop3A_431 = arith.index_cast %parallel_loop3A_225 : i32 to index
        %parallel_loop3A_432 = arith.constant 112 : index
        %parallel_loop3A_433 = tpu.vector_load %parallel_loop3A_430[%parallel_loop3A_431, %parallel_loop3A_432] {strides = array<i32>} : memref<64x128xf32, #tpu.memory_space<vmem>>, vector<16xf32>,
        %parallel_loop3A_434 = arith.addf %parallel_loop3A_426, %parallel_loop3A_433 : vector<16xf32>
        %parallel_loop3A_435 = arith.addf %parallel_loop3A_434, %parallel_loop3A_419 : vector<16xf32>
        %parallel_loop3A_436 = arith.addf %parallel_loop3A_413, %parallel_loop3A_435 : vector<16xf32>
        %parallel_loop3A_437 = arith.mulf %parallel_loop3A_435, %parallel_loop3A_435 : vector<16xf32>
        %parallel_loop3A_438 = arith.addf %parallel_loop3A_415, %parallel_loop3A_437 : vector<16xf32>
        %parallel_loop3A_439 = arith.constant true
        %parallel_loop3A_440 = vector.broadcast %parallel_loop3A_439 : i1 to vector<16xi1>
        %parallel_loop3A_441 = tpu.scan <sum>, %parallel_loop3A_436 masked %parallel_loop3A_440 : vector<16xf32>, vector<16xi1> -> vector<16xf32>
        %parallel_loop3A_442 = vector.extract %parallel_loop3A_441[15] : f32 from vector<16xf32>
        %parallel_loop3A_443 = arith.constant true
        %parallel_loop3A_444 = vector.broadcast %parallel_loop3A_443 : i1 to vector<16xi1>
        %parallel_loop3A_445 = tpu.scan <sum>, %parallel_loop3A_438 masked %parallel_loop3A_444 : vector<16xf32>, vector<16xi1> -> vector<16xf32>
        %parallel_loop3A_446 = vector.extract %parallel_loop3A_445[15] : f32 from vector<16xf32>
        %parallel_loop3A_447 = arith.constant 7.812500e-03 : f32
        %parallel_loop3A_448 = arith.mulf %parallel_loop3A_442, %parallel_loop3A_447 : f32
        %parallel_loop3A_449 = arith.constant 7.812500e-03 : f32
        %parallel_loop3A_450 = arith.mulf %parallel_loop3A_446, %parallel_loop3A_449 : f32
        %parallel_loop3A_451 = arith.mulf %parallel_loop3A_448, %parallel_loop3A_448 : f32
        %parallel_loop3A_452 = arith.subf %parallel_loop3A_450, %parallel_loop3A_451 : f32
        %parallel_loop3A_453 = arith.constant 9.99999996E-13 : f32
        %parallel_loop3A_454 = arith.addf %parallel_loop3A_452, %parallel_loop3A_453 : f32
        %parallel_loop3A_455 = vector.broadcast %parallel_loop3A_454 : f32 to vector<16xf32>
        %parallel_loop3A_456 = tpu.bitcast %parallel_loop3A_455 : vector<16xf32> -> vector<16xi32>
        %parallel_loop3A_457 = arith.constant 1 : i32
        %parallel_loop3A_458 = vector.broadcast %parallel_loop3A_457 : i32 to vector<16xi32>
        %parallel_loop3A_459 = arith.shrui %parallel_loop3A_456, %parallel_loop3A_458 : vector<16xi32>
        %parallel_loop3A_460 = arith.constant 1597463007 : i32
        %parallel_loop3A_461 = vector.broadcast %parallel_loop3A_460 : i32 to vector<16xi32>
        %parallel_loop3A_462 = arith.subi %parallel_loop3A_461, %parallel_loop3A_459 : vector<16xi32>
        %parallel_loop3A_463 = tpu.bitcast %parallel_loop3A_462 : vector<16xi32> -> vector<16xf32>
        %parallel_loop3A_464 = arith.constant 5.000000e-01 : f32
        %parallel_loop3A_465 = vector.broadcast %parallel_loop3A_464 : f32 to vector<16xf32>
        %parallel_loop3A_466 = arith.mulf %parallel_loop3A_465, %parallel_loop3A_455 : vector<16xf32>
        %parallel_loop3A_467 = arith.mulf %parallel_loop3A_466, %parallel_loop3A_463 : vector<16xf32>
        %parallel_loop3A_468 = arith.mulf %parallel_loop3A_467, %parallel_loop3A_463 : vector<16xf32>
        %parallel_loop3A_469 = arith.constant 1.500000e+00 : f32
        %parallel_loop3A_470 = vector.broadcast %parallel_loop3A_469 : f32 to vector<16xf32>
        %parallel_loop3A_471 = arith.subf %parallel_loop3A_470, %parallel_loop3A_468 : vector<16xf32>
        %parallel_loop3A_472 = arith.mulf %parallel_loop3A_463, %parallel_loop3A_471 : vector<16xf32>
        %parallel_loop3A_473 = arith.constant 5.000000e-01 : f32
        %parallel_loop3A_474 = vector.broadcast %parallel_loop3A_473 : f32 to vector<16xf32>
        %parallel_loop3A_475 = arith.mulf %parallel_loop3A_474, %parallel_loop3A_455 : vector<16xf32>
        %parallel_loop3A_476 = arith.mulf %parallel_loop3A_475, %parallel_loop3A_472 : vector<16xf32>
        %parallel_loop3A_477 = arith.mulf %parallel_loop3A_476, %parallel_loop3A_472 : vector<16xf32>
        %parallel_loop3A_478 = arith.constant 1.500000e+00 : f32
        %parallel_loop3A_479 = vector.broadcast %parallel_loop3A_478 : f32 to vector<16xf32>
        %parallel_loop3A_480 = arith.subf %parallel_loop3A_479, %parallel_loop3A_477 : vector<16xf32>
        %parallel_loop3A_481 = arith.mulf %parallel_loop3A_472, %parallel_loop3A_480 : vector<16xf32>
        %parallel_loop3A_482 = arith.mulf %parallel_loop3A_481, %parallel_loop3A_226 : vector<16xf32>
        %parallel_loop3A_483 = arith.mulf %parallel_loop3A_274, %parallel_loop3A_482 : vector<16xf32>
        %parallel_loop3A_484 = vector.broadcast %parallel_loop3A_448 : f32 to vector<16xf32>
        %parallel_loop3A_485 = arith.mulf %parallel_loop3A_484, %parallel_loop3A_482 : vector<16xf32>
        %parallel_loop3A_486 = arith.subf %parallel_loop3A_234, %parallel_loop3A_485 : vector<16xf32>
        %parallel_loop3A_487 = arith.addf %parallel_loop3A_483, %parallel_loop3A_486 : vector<16xf32>
        %parallel_loop3A_488 = arith.constant 0 : i32
        %parallel_loop3A_489 = arith.constant 0 : i32
        %parallel_loop3A_490 = tpu.memref_slice %arg16[%parallel_loop3A_207, %parallel_loop3A_488, %parallel_loop3A_489] : memref<2x64x128xf32, #tpu.memory_space<vmem>> -> memref<1x64x128xf32, #tpu.memory_space<vmem>>
        %parallel_loop3A_491 = tpu.memref_squeeze %parallel_loop3A_490 : memref<1x64x128xf32, #tpu.memory_space<vmem>> -> memref<64x128xf32, #tpu.memory_space<vmem>>
        %parallel_loop3A_492 = arith.index_cast %parallel_loop3A_225 : i32 to index
        %parallel_loop3A_493 = arith.constant 0 : index
        %parallel_loop3A_494 = tpu.vector_load %parallel_loop3A_491[%parallel_loop3A_492, %parallel_loop3A_493] {strides = array<i32>} : memref<64x128xf32, #tpu.memory_space<vmem>>, vector<16xf32>,
        tpu.vector_store %parallel_loop3A_491[%parallel_loop3A_492, %parallel_loop3A_493], %parallel_loop3A_487 {strides = array<i32>} : memref<64x128xf32, #tpu.memory_space<vmem>>, vector<16xf32>,
        %parallel_loop3A_495 = arith.mulf %parallel_loop3A_481, %parallel_loop3A_227 : vector<16xf32>
        %parallel_loop3A_496 = arith.mulf %parallel_loop3A_297, %parallel_loop3A_495 : vector<16xf32>
        %parallel_loop3A_497 = vector.broadcast %parallel_loop3A_448 : f32 to vector<16xf32>
        %parallel_loop3A_498 = arith.mulf %parallel_loop3A_497, %parallel_loop3A_495 : vector<16xf32>
        %parallel_loop3A_499 = arith.subf %parallel_loop3A_235, %parallel_loop3A_498 : vector<16xf32>
        %parallel_loop3A_500 = arith.addf %parallel_loop3A_496, %parallel_loop3A_499 : vector<16xf32>
        %parallel_loop3A_501 = arith.constant 0 : i32
        %parallel_loop3A_502 = arith.constant 0 : i32
        %parallel_loop3A_503 = tpu.memref_slice %arg16[%parallel_loop3A_207, %parallel_loop3A_501, %parallel_loop3A_502] : memref<2x64x128xf32, #tpu.memory_space<vmem>> -> memref<1x64x128xf32, #tpu.memory_space<vmem>>
        %parallel_loop3A_504 = tpu.memref_squeeze %parallel_loop3A_503 : memref<1x64x128xf32, #tpu.memory_space<vmem>> -> memref<64x128xf32, #tpu.memory_space<vmem>>
        %parallel_loop3A_505 = arith.index_cast %parallel_loop3A_225 : i32 to index
        %parallel_loop3A_506 = arith.constant 16 : index
        %parallel_loop3A_507 = tpu.vector_load %parallel_loop3A_504[%parallel_loop3A_505, %parallel_loop3A_506] {strides = array<i32>} : memref<64x128xf32, #tpu.memory_space<vmem>>, vector<16xf32>,
        tpu.vector_store %parallel_loop3A_504[%parallel_loop3A_505, %parallel_loop3A_506], %parallel_loop3A_500 {strides = array<i32>} : memref<64x128xf32, #tpu.memory_space<vmem>>, vector<16xf32>,
        %parallel_loop3A_508 = arith.mulf %parallel_loop3A_481, %parallel_loop3A_228 : vector<16xf32>
        %parallel_loop3A_509 = arith.mulf %parallel_loop3A_320, %parallel_loop3A_508 : vector<16xf32>
        %parallel_loop3A_510 = vector.broadcast %parallel_loop3A_448 : f32 to vector<16xf32>
        %parallel_loop3A_511 = arith.mulf %parallel_loop3A_510, %parallel_loop3A_508 : vector<16xf32>
        %parallel_loop3A_512 = arith.subf %parallel_loop3A_236, %parallel_loop3A_511 : vector<16xf32>
        %parallel_loop3A_513 = arith.addf %parallel_loop3A_509, %parallel_loop3A_512 : vector<16xf32>
        %parallel_loop3A_514 = arith.constant 0 : i32
        %parallel_loop3A_515 = arith.constant 0 : i32
        %parallel_loop3A_516 = tpu.memref_slice %arg16[%parallel_loop3A_207, %parallel_loop3A_514, %parallel_loop3A_515] : memref<2x64x128xf32, #tpu.memory_space<vmem>> -> memref<1x64x128xf32, #tpu.memory_space<vmem>>
        %parallel_loop3A_517 = tpu.memref_squeeze %parallel_loop3A_516 : memref<1x64x128xf32, #tpu.memory_space<vmem>> -> memref<64x128xf32, #tpu.memory_space<vmem>>
        %parallel_loop3A_518 = arith.index_cast %parallel_loop3A_225 : i32 to index
        %parallel_loop3A_519 = arith.constant 32 : index
        %parallel_loop3A_520 = tpu.vector_load %parallel_loop3A_517[%parallel_loop3A_518, %parallel_loop3A_519] {strides = array<i32>} : memref<64x128xf32, #tpu.memory_space<vmem>>, vector<16xf32>,
        tpu.vector_store %parallel_loop3A_517[%parallel_loop3A_518, %parallel_loop3A_519], %parallel_loop3A_513 {strides = array<i32>} : memref<64x128xf32, #tpu.memory_space<vmem>>, vector<16xf32>,
        %parallel_loop3A_521 = arith.mulf %parallel_loop3A_481, %parallel_loop3A_229 : vector<16xf32>
        %parallel_loop3A_522 = arith.mulf %parallel_loop3A_343, %parallel_loop3A_521 : vector<16xf32>
        %parallel_loop3A_523 = vector.broadcast %parallel_loop3A_448 : f32 to vector<16xf32>
        %parallel_loop3A_524 = arith.mulf %parallel_loop3A_523, %parallel_loop3A_521 : vector<16xf32>
        %parallel_loop3A_525 = arith.subf %parallel_loop3A_237, %parallel_loop3A_524 : vector<16xf32>
        %parallel_loop3A_526 = arith.addf %parallel_loop3A_522, %parallel_loop3A_525 : vector<16xf32>
        %parallel_loop3A_527 = arith.constant 0 : i32
        %parallel_loop3A_528 = arith.constant 0 : i32
        %parallel_loop3A_529 = tpu.memref_slice %arg16[%parallel_loop3A_207, %parallel_loop3A_527, %parallel_loop3A_528] : memref<2x64x128xf32, #tpu.memory_space<vmem>> -> memref<1x64x128xf32, #tpu.memory_space<vmem>>
        %parallel_loop3A_530 = tpu.memref_squeeze %parallel_loop3A_529 : memref<1x64x128xf32, #tpu.memory_space<vmem>> -> memref<64x128xf32, #tpu.memory_space<vmem>>
        %parallel_loop3A_531 = arith.index_cast %parallel_loop3A_225 : i32 to index
        %parallel_loop3A_532 = arith.constant 48 : index
        %parallel_loop3A_533 = tpu.vector_load %parallel_loop3A_530[%parallel_loop3A_531, %parallel_loop3A_532] {strides = array<i32>} : memref<64x128xf32, #tpu.memory_space<vmem>>, vector<16xf32>,
        tpu.vector_store %parallel_loop3A_530[%parallel_loop3A_531, %parallel_loop3A_532], %parallel_loop3A_526 {strides = array<i32>} : memref<64x128xf32, #tpu.memory_space<vmem>>, vector<16xf32>,
        %parallel_loop3A_534 = arith.mulf %parallel_loop3A_481, %parallel_loop3A_230 : vector<16xf32>
        %parallel_loop3A_535 = arith.mulf %parallel_loop3A_366, %parallel_loop3A_534 : vector<16xf32>
        %parallel_loop3A_536 = vector.broadcast %parallel_loop3A_448 : f32 to vector<16xf32>
        %parallel_loop3A_537 = arith.mulf %parallel_loop3A_536, %parallel_loop3A_534 : vector<16xf32>
        %parallel_loop3A_538 = arith.subf %parallel_loop3A_238, %parallel_loop3A_537 : vector<16xf32>
        %parallel_loop3A_539 = arith.addf %parallel_loop3A_535, %parallel_loop3A_538 : vector<16xf32>
        %parallel_loop3A_540 = arith.constant 0 : i32
        %parallel_loop3A_541 = arith.constant 0 : i32
        %parallel_loop3A_542 = tpu.memref_slice %arg16[%parallel_loop3A_207, %parallel_loop3A_540, %parallel_loop3A_541] : memref<2x64x128xf32, #tpu.memory_space<vmem>> -> memref<1x64x128xf32, #tpu.memory_space<vmem>>
        %parallel_loop3A_543 = tpu.memref_squeeze %parallel_loop3A_542 : memref<1x64x128xf32, #tpu.memory_space<vmem>> -> memref<64x128xf32, #tpu.memory_space<vmem>>
        %parallel_loop3A_544 = arith.index_cast %parallel_loop3A_225 : i32 to index
        %parallel_loop3A_545 = arith.constant 64 : index
        %parallel_loop3A_546 = tpu.vector_load %parallel_loop3A_543[%parallel_loop3A_544, %parallel_loop3A_545] {strides = array<i32>} : memref<64x128xf32, #tpu.memory_space<vmem>>, vector<16xf32>,
        tpu.vector_store %parallel_loop3A_543[%parallel_loop3A_544, %parallel_loop3A_545], %parallel_loop3A_539 {strides = array<i32>} : memref<64x128xf32, #tpu.memory_space<vmem>>, vector<16xf32>,
        %parallel_loop3A_547 = arith.mulf %parallel_loop3A_481, %parallel_loop3A_231 : vector<16xf32>
        %parallel_loop3A_548 = arith.mulf %parallel_loop3A_389, %parallel_loop3A_547 : vector<16xf32>
        %parallel_loop3A_549 = vector.broadcast %parallel_loop3A_448 : f32 to vector<16xf32>
        %parallel_loop3A_550 = arith.mulf %parallel_loop3A_549, %parallel_loop3A_547 : vector<16xf32>
        %parallel_loop3A_551 = arith.subf %parallel_loop3A_239, %parallel_loop3A_550 : vector<16xf32>
        %parallel_loop3A_552 = arith.addf %parallel_loop3A_548, %parallel_loop3A_551 : vector<16xf32>
        %parallel_loop3A_553 = arith.constant 0 : i32
        %parallel_loop3A_554 = arith.constant 0 : i32
        %parallel_loop3A_555 = tpu.memref_slice %arg16[%parallel_loop3A_207, %parallel_loop3A_553, %parallel_loop3A_554] : memref<2x64x128xf32, #tpu.memory_space<vmem>> -> memref<1x64x128xf32, #tpu.memory_space<vmem>>
        %parallel_loop3A_556 = tpu.memref_squeeze %parallel_loop3A_555 : memref<1x64x128xf32, #tpu.memory_space<vmem>> -> memref<64x128xf32, #tpu.memory_space<vmem>>
        %parallel_loop3A_557 = arith.index_cast %parallel_loop3A_225 : i32 to index
        %parallel_loop3A_558 = arith.constant 80 : index
        %parallel_loop3A_559 = tpu.vector_load %parallel_loop3A_556[%parallel_loop3A_557, %parallel_loop3A_558] {strides = array<i32>} : memref<64x128xf32, #tpu.memory_space<vmem>>, vector<16xf32>,
        tpu.vector_store %parallel_loop3A_556[%parallel_loop3A_557, %parallel_loop3A_558], %parallel_loop3A_552 {strides = array<i32>} : memref<64x128xf32, #tpu.memory_space<vmem>>, vector<16xf32>,
        %parallel_loop3A_560 = arith.mulf %parallel_loop3A_481, %parallel_loop3A_232 : vector<16xf32>
        %parallel_loop3A_561 = arith.mulf %parallel_loop3A_412, %parallel_loop3A_560 : vector<16xf32>
        %parallel_loop3A_562 = vector.broadcast %parallel_loop3A_448 : f32 to vector<16xf32>
        %parallel_loop3A_563 = arith.mulf %parallel_loop3A_562, %parallel_loop3A_560 : vector<16xf32>
        %parallel_loop3A_564 = arith.subf %parallel_loop3A_240, %parallel_loop3A_563 : vector<16xf32>
        %parallel_loop3A_565 = arith.addf %parallel_loop3A_561, %parallel_loop3A_564 : vector<16xf32>
        %parallel_loop3A_566 = arith.constant 0 : i32
        %parallel_loop3A_567 = arith.constant 0 : i32
        %parallel_loop3A_568 = tpu.memref_slice %arg16[%parallel_loop3A_207, %parallel_loop3A_566, %parallel_loop3A_567] : memref<2x64x128xf32, #tpu.memory_space<vmem>> -> memref<1x64x128xf32, #tpu.memory_space<vmem>>
        %parallel_loop3A_569 = tpu.memref_squeeze %parallel_loop3A_568 : memref<1x64x128xf32, #tpu.memory_space<vmem>> -> memref<64x128xf32, #tpu.memory_space<vmem>>
        %parallel_loop3A_570 = arith.index_cast %parallel_loop3A_225 : i32 to index
        %parallel_loop3A_571 = arith.constant 96 : index
        %parallel_loop3A_572 = tpu.vector_load %parallel_loop3A_569[%parallel_loop3A_570, %parallel_loop3A_571] {strides = array<i32>} : memref<64x128xf32, #tpu.memory_space<vmem>>, vector<16xf32>,
        tpu.vector_store %parallel_loop3A_569[%parallel_loop3A_570, %parallel_loop3A_571], %parallel_loop3A_565 {strides = array<i32>} : memref<64x128xf32, #tpu.memory_space<vmem>>, vector<16xf32>,
        %parallel_loop3A_573 = arith.mulf %parallel_loop3A_481, %parallel_loop3A_233 : vector<16xf32>
        %parallel_loop3A_574 = arith.mulf %parallel_loop3A_435, %parallel_loop3A_573 : vector<16xf32>
        %parallel_loop3A_575 = vector.broadcast %parallel_loop3A_448 : f32 to vector<16xf32>
        %parallel_loop3A_576 = arith.mulf %parallel_loop3A_575, %parallel_loop3A_573 : vector<16xf32>
        %parallel_loop3A_577 = arith.subf %parallel_loop3A_241, %parallel_loop3A_576 : vector<16xf32>
        %parallel_loop3A_578 = arith.addf %parallel_loop3A_574, %parallel_loop3A_577 : vector<16xf32>
        %parallel_loop3A_579 = arith.constant 0 : i32
        %parallel_loop3A_580 = arith.constant 0 : i32
        %parallel_loop3A_581 = tpu.memref_slice %arg16[%parallel_loop3A_207, %parallel_loop3A_579, %parallel_loop3A_580] : memref<2x64x128xf32, #tpu.memory_space<vmem>> -> memref<1x64x128xf32, #tpu.memory_space<vmem>>
        %parallel_loop3A_582 = tpu.memref_squeeze %parallel_loop3A_581 : memref<1x64x128xf32, #tpu.memory_space<vmem>> -> memref<64x128xf32, #tpu.memory_space<vmem>>
        %parallel_loop3A_583 = arith.index_cast %parallel_loop3A_225 : i32 to index
        %parallel_loop3A_584 = arith.constant 112 : index
        %parallel_loop3A_585 = tpu.vector_load %parallel_loop3A_582[%parallel_loop3A_583, %parallel_loop3A_584] {strides = array<i32>} : memref<64x128xf32, #tpu.memory_space<vmem>>, vector<16xf32>,
        tpu.vector_store %parallel_loop3A_582[%parallel_loop3A_583, %parallel_loop3A_584], %parallel_loop3A_578 {strides = array<i32>} : memref<64x128xf32, #tpu.memory_space<vmem>>, vector<16xf32>,
        scf.yield %parallel_loop3A_226, %parallel_loop3A_227, %parallel_loop3A_228, %parallel_loop3A_229, %parallel_loop3A_230, %parallel_loop3A_231, %parallel_loop3A_232, %parallel_loop3A_233, %parallel_loop3A_234, %parallel_loop3A_235, %parallel_loop3A_236, %parallel_loop3A_237, %parallel_loop3A_238, %parallel_loop3A_239, %parallel_loop3A_240, %parallel_loop3A_241 : vector<16xf32>, vector<16xf32>, vector<16xf32>, vector<16xf32>, vector<16xf32>, vector<16xf32>, vector<16xf32>, vector<16xf32>, vector<16xf32>, vector<16xf32>, vector<16xf32>, vector<16xf32>, vector<16xf32>, vector<16xf32>, vector<16xf32>, vector<16xf32>
      } {sc.loop_unroll_factor = 2 : i64, sc.parallel_access}
      %mul3A_209 = arith.constant 64 : i32
      %mul3A_210 = arith.muli %add3A_166, %mul3A_209 : i32
      %add3A_211 = arith.addi %mul3A_2, %mul3A_210 : i32
      %dma_start3A_212 = arith.constant 1 : i32
      %dma_start3A_213 = arith.constant 0 : i32
      %dma_start3A_214 = arith.constant 0 : i32
      %dma_start3A_215 = tpu.memref_slice %arg16[%dma_start3A_212, %dma_start3A_213, %dma_start3A_214] : memref<2x64x128xf32, #tpu.memory_space<vmem>> -> memref<1x64x128xf32, #tpu.memory_space<vmem>>
      %dma_start3A_216 = tpu.memref_squeeze %dma_start3A_215 : memref<1x64x128xf32, #tpu.memory_space<vmem>> -> memref<64x128xf32, #tpu.memory_space<vmem>>
      %dma_start3A_217 = arith.constant 0 : i32
      %dma_start3A_218 = tpu.memref_slice %arg10[%add3A_211, %dma_start3A_217] : memref<204800x128xf32, #tpu.memory_space<hbm>> -> memref<64x128xf32, #tpu.memory_space<hbm>>
      %dma_start3A_219 = arith.constant 0 : i32
      %dma_start3A_220 = tpu.memref_slice %arg10[%add3A_211, %dma_start3A_219] : memref<204800x128xf32, #tpu.memory_space<hbm>> -> memref<64x128xf32, #tpu.memory_space<hbm>>
      %dma_start3A_221 = arith.constant 0 : i32
      %dma_start3A_222 = arith.constant 0 : i32
      %dma_start3A_223 = tpu.memref_slice %arg16[%dma_start3A_212, %dma_start3A_221, %dma_start3A_222] : memref<2x64x128xf32, #tpu.memory_space<vmem>> -> memref<1x64x128xf32, #tpu.memory_space<vmem>>
      %dma_start3A_224 = tpu.memref_squeeze %dma_start3A_223 : memref<1x64x128xf32, #tpu.memory_space<vmem>> -> memref<64x128xf32, #tpu.memory_space<vmem>>
      tpu.enqueue_dma source(%dma_start3A_224 : memref<64x128xf32, #tpu.memory_space<vmem>>) target(%dma_start3A_220 : memref<64x128xf32, #tpu.memory_space<hbm>>) target_semaphore(%arg23 : memref<!tpu.dma_semaphore, #tpu.memory_space<semaphore_mem>>)
    }
    %scan3A_75 = arith.constant 50 : i32
    %add3A_76 = arith.constant 6272 : i32
    %add3A_77 = arith.addi %mul3A_2, %add3A_76 : i32
    %dma_wait3A_78 = arith.constant 0 : i32
    %dma_wait3A_79 = arith.constant 0 : i32
    %dma_wait3A_80 = arith.constant 0 : i32
    %dma_wait3A_81 = tpu.memref_slice %arg16[%dma_wait3A_78, %dma_wait3A_79, %dma_wait3A_80] : memref<2x64x128xf32, #tpu.memory_space<vmem>> -> memref<1x64x128xf32, #tpu.memory_space<vmem>>
    %dma_wait3A_82 = tpu.memref_squeeze %dma_wait3A_81 : memref<1x64x128xf32, #tpu.memory_space<vmem>> -> memref<64x128xf32, #tpu.memory_space<vmem>>
    %dma_wait3A_83 = arith.constant 0 : i32
    %dma_wait3A_84 = tpu.memref_slice %arg10[%add3A_77, %dma_wait3A_83] : memref<204800x128xf32, #tpu.memory_space<hbm>> -> memref<64x128xf32, #tpu.memory_space<hbm>>
    %dma_wait3A_85 = arith.constant 0 : i32
    %dma_wait3A_86 = tpu.memref_slice %arg10[%add3A_77, %dma_wait3A_85] : memref<204800x128xf32, #tpu.memory_space<hbm>> -> memref<64x128xf32, #tpu.memory_space<hbm>>
    %dma_wait3A_87 = arith.constant 0 : i32
    %dma_wait3A_88 = arith.constant 0 : i32
    %dma_wait3A_89 = tpu.memref_slice %arg16[%dma_wait3A_78, %dma_wait3A_87, %dma_wait3A_88] : memref<2x64x128xf32, #tpu.memory_space<vmem>> -> memref<1x64x128xf32, #tpu.memory_space<vmem>>
    %dma_wait3A_90 = tpu.memref_squeeze %dma_wait3A_89 : memref<1x64x128xf32, #tpu.memory_space<vmem>> -> memref<64x128xf32, #tpu.memory_space<vmem>>
    tpu.wait_dma2 semaphore(%arg22 : memref<!tpu.dma_semaphore, #tpu.memory_space<semaphore_mem>>) src(%dma_wait3A_90 : memref<64x128xf32, #tpu.memory_space<vmem>>) dst(%dma_wait3A_86 : memref<64x128xf32, #tpu.memory_space<hbm>>)
    %add3A_91 = arith.constant 6336 : i32
    %add3A_92 = arith.addi %mul3A_2, %add3A_91 : i32
    %dma_wait3A_93 = arith.constant 1 : i32
    %dma_wait3A_94 = arith.constant 0 : i32
    %dma_wait3A_95 = arith.constant 0 : i32
    %dma_wait3A_96 = tpu.memref_slice %arg16[%dma_wait3A_93, %dma_wait3A_94, %dma_wait3A_95] : memref<2x64x128xf32, #tpu.memory_space<vmem>> -> memref<1x64x128xf32, #tpu.memory_space<vmem>>
    %dma_wait3A_97 = tpu.memref_squeeze %dma_wait3A_96 : memref<1x64x128xf32, #tpu.memory_space<vmem>> -> memref<64x128xf32, #tpu.memory_space<vmem>>
    %dma_wait3A_98 = arith.constant 0 : i32
    %dma_wait3A_99 = tpu.memref_slice %arg10[%add3A_92, %dma_wait3A_98] : memref<204800x128xf32, #tpu.memory_space<hbm>> -> memref<64x128xf32, #tpu.memory_space<hbm>>
    %dma_wait3A_100 = arith.constant 0 : i32
    %dma_wait3A_101 = tpu.memref_slice %arg10[%add3A_92, %dma_wait3A_100] : memref<204800x128xf32, #tpu.memory_space<hbm>> -> memref<64x128xf32, #tpu.memory_space<hbm>>
    %dma_wait3A_102 = arith.constant 0 : i32
    %dma_wait3A_103 = arith.constant 0 : i32
    %dma_wait3A_104 = tpu.memref_slice %arg16[%dma_wait3A_93, %dma_wait3A_102, %dma_wait3A_103] : memref<2x64x128xf32, #tpu.memory_space<vmem>> -> memref<1x64x128xf32, #tpu.memory_space<vmem>>
    %dma_wait3A_105 = tpu.memref_squeeze %dma_wait3A_104 : memref<1x64x128xf32, #tpu.memory_space<vmem>> -> memref<64x128xf32, #tpu.memory_space<vmem>>
    tpu.wait_dma2 semaphore(%arg23 : memref<!tpu.dma_semaphore, #tpu.memory_space<semaphore_mem>>) src(%dma_wait3A_105 : memref<64x128xf32, #tpu.memory_space<vmem>>) dst(%dma_wait3A_101 : memref<64x128xf32, #tpu.memory_space<hbm>>)
    return
  }
}

</mosaic_0001>

<sc_bundles>
// kernel: kernel.3.cloned.1.call-start
scs
__scs_entry_jumppad:
0x0: {  	(pc) =	sbr.rel $0x88, $3  }
0x1: {  	(tag) =	ssettag $0x0;
	lr =	simm.s32 $0x1  }
0x2: {  	[smem:$0x3F97] =	sst lr;
	_ =	strace $0xD0000000  }
0x3: {  	_ = 	snop  }
0x4: {  	_ = 	snop  }
0x5: {  	_ = 	snop  }
0x6: {  	_ = 	snop  }
0x7: {  	_ = 	snop  }
__scs_overlays_trampoline_lowered:
0x8: {  	[smem:$0x3FA6] =	sst s0  }
0x9: {  	[smem:$0x3FA7] =	sst s1  }
0xa: {  	[smem:$0x3FA8] =	sst s2  }
0xb: {  	[smem:$0x3FA9] =	sst s3  }
0xc: {  	[smem:$0x3FAA] =	sst s4  }
0xd: {  	[smem:$0x3FAB] =	sst s5  }
0xe: {  	[smem:$0x3FAC] =	sst s6  }
0xf: {  	[smem:$0x3FAD] =	sst s7  }
0x10: {  	[smem:$0x3FAE] =	sst s8  }
0x11: {  	[smem:$0x3FAF] =	sst s9;
	s0 =	simm.s32 @!p0 $0x0  }
0x12: {  	s1 =	sld [smem:$0x3F95];
	s0 =	simm.s32 @p0 $0x1  }
0x13: {  	[smem:$0x3FB0] =	sst s0;
	s0 =	simm.s32 @!p1 $0x0  }
0x14: {  	s2 =	sld [smem:$0x3F94];
	s0 =	simm.s32 @p1 $0x1  }
0x15: {  	[smem:$0x3FB1] =	sst s0;
	s0 =	simm.s32 @!p2 $0x0  }
0x16: {  	s3 =	sld [smem:$0x3FDB];
	s0 =	simm.s32 @p2 $0x1  }
0x17: {  	s4 =	simm.s32 $0x1BF5;
	[smem:$0x3FB3] =	sst s0  }
0x18: {  	s0 =	sld [smem:$0x3F96];
	_ =	swait.ge [sflag:s4], $0x0  }
0x19: {  	s7 =	sld [smem:$0x3F97]  }
0x1a: {  	s8 =	sadd.s32 $0xFFFFE003, lr  }
0x1b: {  	s9 =	sadd.s32 $0xFFFFFEF7, lr;
	s5 =	simm.s32 $0xFFFFFFFF;
	p2 =	slt.u32 s8, $0xFFFFF086  }
0x1c: {  	p1 =	slt.u32 s9, $0xF7A;
	s5 =	simm.s32 @!p2 $0x0  }
0x1d: {  	s5 =	simm.s32 @p1 $0x1;
	p0 =	seq.s32 s7, s2  }
0x1e: {  	s7 =	smul.u32 @!p0 $0xF7A, s2;
	p2 =	seq.s32 @!p0 s5, $0x0  }
0x1f: {  	s9 =	smul.u32 $0xF7A, s1;
	s8 =	simm.s32 @!p0 $0x1BF5;
	p2 =	por !p2, p0  }
0x20: {  	[sflag:s8] =	ssyncset.s32 @!p0 $0xFFFFF086;
	s6 =	sadd.s32 @!p0 s3, s7;
	s7 =	simm.s32 @!p0 $0x108  }
0x21: {  	s3 =	sadd.s32 s3, s9;
	s6 =	sadd.s32 @!p0 $0x88, s6;
	s7 =	simm.s32 @p2 $0x1082  }
0x22: {  	[simem:s7], [sflag:s8] =	dma.local @!p0 [hbm:s6], $0xF7A  }
0x23: {  	s9 =	sor.u32 $0xD0000000, s2;
	s6 =	simm.s32 $0x108;
	_ =	swait.ge @!p0 [sflag:s8], $0x0  }
0x24: {  	s3 =	sadd.s32 $0x88, s3;
	s6 =	simm.s32 @!p1 $0x1082;
	[sflag:s4] =	ssyncset.s32 $0xFFFFF086  }
0x25: {  	[simem:s6], [sflag:s4] =	dma.local [hbm:s3], $0xF7A  }
0x26: {  	[smem:$0x3F97] =	sst s1;
	(tag) =	ssettag s2;
	_ =	strace s9  }
0x27: {  	s1 =	sld [smem:$0x3FA7]  }
0x28: {  	s2 =	sld [smem:$0x3FA8]  }
0x29: {  	s4 =	sld [smem:$0x3FAA]  }
0x2a: {  	p0 =	seq.s32 s5, $0x0;
	s5 =	sld [smem:$0x3FAB]  }
0x2b: {  	s6 =	sld [smem:$0x3FAC]  }
0x2c: {  	s7 =	sld [smem:$0x3FAD]  }
0x2d: {  	s3 =	simm.s32 $0x108;
	s8 =	sld [smem:$0x3FAE]  }
0x2e: {  	s3 =	simm.s32 @!p0 $0x1082;
	s9 =	sld [smem:$0x3FAF]  }
0x2f: {  	lr =	sadd.s32 s0, s3;
	s0 =	sld [smem:$0x3FA6]  }
0x30: {  	s3 =	sld [smem:$0x3FA9]  }
0x31: {  	[smem:$0x3FB2] =	sst s10  }
0x32: {  	s10 =	sld [smem:$0x3FB0];
	_ =	sdelay $0x3  }
0x33: {  	p0 =	seq.s32 s10, $0x1;
	s10 =	sld [smem:$0x3FB2];
	_ =	sdelay $0x3  }
0x34: {  	[smem:$0x3FB2] =	sst s10  }
0x35: {  	s10 =	sld [smem:$0x3FB1];
	_ =	sdelay $0x3  }
0x36: {  	p1 =	seq.s32 s10, $0x1;
	s10 =	sld [smem:$0x3FB2];
	_ =	sdelay $0x3  }
0x37: {  	[smem:$0x3FB2] =	sst s10  }
0x38: {  	s10 =	sld [smem:$0x3FB3]  }
0x39: {  	_ = 	snop;
	(pc) =	sbr.ind lr, $3  }
0x3a: {  	_ = 	snop  }
0x3b: {  	_ = 	snop  }
0x3c: {  	p2 =	seq.s32 s10, $0x1;
	s10 =	sld [smem:$0x3FB2]  }
0x3d: {  	_ =	shalt  }
0x3e: {  	_ =	shalt  }
0x3f: {  	_ =	shalt  }
0x40: {  	_ =	shalt  }
0x41: {  	_ =	shalt  }
0x42: {  	_ =	shalt  }
0x43: {  	_ =	shalt  }
0x44: {  	_ =	shalt  }
0x45: {  	_ =	shalt  }
0x46: {  	_ =	shalt  }
0x47: {  	_ =	shalt  }
0x48: {  	_ =	shalt  }
0x49: {  	_ =	shalt  }
0x4a: {  	_ =	shalt  }
0x4b: {  	_ =	shalt  }
0x4c: {  	_ =	shalt  }
0x4d: {  	_ =	shalt  }
0x4e: {  	_ =	shalt  }
0x4f: {  	_ =	shalt  }
0x50: {  	_ =	shalt  }
0x51: {  	_ =	shalt  }
0x52: {  	_ =	shalt  }
0x53: {  	_ =	shalt  }
0x54: {  	_ =	shalt  }
0x55: {  	_ =	shalt  }
0x56: {  	_ =	shalt  }
0x57: {  	_ =	shalt  }
0x58: {  	_ =	shalt  }
0x59: {  	_ =	shalt  }
0x5a: {  	_ =	shalt  }
0x5b: {  	_ =	shalt  }
0x5c: {  	_ =	shalt  }
0x5d: {  	_ =	shalt  }
0x5e: {  	_ =	shalt  }
0x5f: {  	_ =	shalt  }
0x60: {  	_ =	shalt  }
0x61: {  	_ =	shalt  }
0x62: {  	_ =	shalt  }
0x63: {  	_ =	shalt  }
0x64: {  	_ =	shalt  }
0x65: {  	_ =	shalt  }
0x66: {  	_ =	shalt  }
0x67: {  	_ =	shalt  }
0x68: {  	_ =	shalt  }
0x69: {  	_ =	shalt  }
0x6a: {  	_ =	shalt  }
0x6b: {  	_ =	shalt  }
0x6c: {  	_ =	shalt  }
0x6d: {  	_ =	shalt  }
0x6e: {  	_ =	shalt  }
0x6f: {  	_ =	shalt  }
0x70: {  	_ =	shalt  }
0x71: {  	_ =	shalt  }
0x72: {  	_ =	shalt  }
0x73: {  	_ =	shalt  }
0x74: {  	_ =	shalt  }
0x75: {  	_ =	shalt  }
0x76: {  	_ =	shalt  }
0x77: {  	_ =	shalt  }
0x78: {  	_ =	shalt  }
0x79: {  	_ =	shalt  }
0x7a: {  	_ =	shalt  }
0x7b: {  	_ =	shalt  }
0x7c: {  	_ =	shalt  }
0x7d: {  	_ =	shalt  }
0x7e: {  	_ =	shalt  }
0x7f: {  	_ =	shalt  }
0x80: {  	_ =	shalt  }
0x81: {  	_ =	shalt  }
0x82: {  	_ =	shalt  }
0x83: {  	_ =	shalt  }
0x84: {  	_ =	shalt  }
0x85: {  	_ =	shalt  }
0x86: {  	_ =	shalt  }
0x87: {  	_ =	shalt  }
.Lfunc_end0:
.L_simem_size_0:
called_computation_lowered:
.L_overlay_start_0:
0x88: {  	s2 =	sld [smem:$0x3FD9]  }
0x89: {  	s3 =	sld [smem:$0x3FFE];
	_ =	sdelay $0x1  }
0x8a: {  	s1 =	srdreg.scid  }
0x8b: {  	s0 =	sand.u32 $0x1, s1  }
0x8c: {  	s17 =	sshll.u32 s0, $0xA;
	s2 =	sadd.s32 s3, s2  }
0x8d: {  	s2 =	sadd.s32 s2, s17  }
0x8e: {  	[smem:$0x3FBE] =	sst s2  }
0x8f: {  	_ = 	snop  }
0x90: {  	s2 =	sld [smem:$0x3FC5]  }
0x91: {  	s18 =	sld [smem:$0x3FC2]  }
0x92: {  	s4 =	sld [smem:$0x3FC1]  }
0x93: {  	s5 =	sld [smem:$0x3FC0]  }
0x94: {  	s6 =	sld [smem:$0x3FD0];
	(tm) =	ssettm $0x1  }
0x95: {  	s7 =	sld [smem:$0x3FFB];
	_ =	sdelay $0x3  }
0x96: {  	_ =	strace s7  }
0x97: {  	s7 =	sld [smem:$0x3FFC];
	_ =	sdelay $0x3  }
0x98: {  	_ =	strace s7  }
0x99: {  	s7 =	sld [smem:$0x3FFD];
	_ =	sdelay $0x3  }
0x9a: {  	_ =	strace s7  }
0x9b: {  	_ =	strace $0x8FFFFFFF  }
0x9c: {  	s19 =	sld [smem:$0x3FDB];
	_ =	sdelay $0x1  }
0x9d: {  	s8 =	simm.s32 $_scs_section_size  }
0x9e: {  	s9 =	simm.s32 $_size__tile_overlayer_lowered;
	s10 =	simm.s32 $_tile_overlayer_lowered  }
0x9f: {  	s22 =	simm.s32 $0x1BFF;
	s21 =	sshll.u32 s10, $0x1;
	s7 =	sadd.s32 s8, s19  }
0xa0: {  	s11 =	simm.s32 $0x0;
	s20 =	sshll.u32 s9, $0x1;
	s9 =	sadd.s32 s21, s7  }
0xa1: {  	[timem:s11], [sflag:s22] =	dma.local [hbm:s9], s20  }
0xa2: {  	_ =	swait.ge [sflag:s22], s20  }
0xa3: {  	s8 =	ssub.s32 $0x0, s20;
	[sflag:s22] =	ssyncset.done $0x0  }
0xa4: {  	[sflag:s22] =	ssyncadd.s32 s8;
	_ =	sdelay $0x1  }
0xa5: {  	s23 =	simm.s32 $0x1B8B  }
0xa6: {  	_ =	swait.ge [sflag:s23], $0x1  }
0xa7: {  	[sflag:s23] =	ssyncset.done $0x0  }
0xa8: {  	s25 =	simm.s32 $0x1B8E;
	s24 =	sld [smem:$0x3FFE];
	[sflag:s23] =	ssyncadd.s32 $0xFFFFFFFF  }
0xa9: {  	s26 =	simm.s32 $execute0_lowered;
	[smem:$0x3FD2] =	sst s25  }
0xaa: {  	s9 =	sshll.u32 s26, $0x1;
	_ =	strace $0x80000046;
	[dreg:$0x1] =	wrdreg $0xFFFFFFFF  }
0xab: {  	s28 =	simm.s32 $_size_execute0_lowered;
	s7 =	sadd.s32 s7, s9;
	[dreg:$0x0] =	wrdreg $0x0  }
0xac: {  	s9 =	sshll.u32 s28, $0x1;
	[dreg:$0x2] =	wrdreg s7  }
0xad: {  	[dreg:$0x3] =	wrdreg s9  }
0xae: {  	[dreg:$0x4] =	wrdreg $0xC0  }
0xaf: {  	_ =	task [dreg:s11], $0x5FFFF  }
0xb0: {  	[dreg:$0x1] =	wrdreg $0xFFFFFFFF  }
0xb1: {  	[dreg:$0x0] =	wrdreg $0x60  }
0xb2: {  	[dreg:$0x2] =	wrdreg s24  }
0xb3: {  	[dreg:$0x3] =	wrdreg s2  }
0xb4: {  	[dreg:$0x4] =	wrdreg s18  }
0xb5: {  	[dreg:$0x5] =	wrdreg s4  }
0xb6: {  	[dreg:$0x6] =	wrdreg s5  }
0xb7: {  	[dreg:$0x7] =	wrdreg s6  }
0xb8: {  	[dreg:$0x8] =	wrdreg $0x9  }
0xb9: {  	_ =	task.clear_ibuf [dreg:s11], $0x9FFFF;
	_ =	strace $0x90000046  }
0xba: {  	s29 =	simm.s32 $0x9;
	_ =	strace $0x80000048  }
0xbb: {  	_ =	swait.ge [sflag:s29], $0x1  }
0xbc: {  	[sflag:s29] =	ssyncadd.s32 $0xFFFFFFFF  }
0xbd: {  	_ =	strace $0x90000048  }
0xbe: {  	_ =	sfence  }
0xbf: {  	s30 =	sld [smem:$0x0];
	_ =	sdelay $0x2  }
0xc0: {  	s31 =	sshll.u32 s1, $0xD;
	s1 =	sshrl.u32 s1, $0x2  }
0xc1: {  	s3 =	sand.u32 $0x4000, s31;
	s1 =	sadd.s32 s1, s30  }
0xc2: {  	s0 =	sor.u32 s3, s0;
	s1 =	sshll.u32 s1, $0x11  }
0xc3: {  	s0 =	sor.u32 s1, s0  }
0xc4: {  	s0 =	sadd.s32 $0x8F2B, s0  }
0xc5: {  	[sflag:s0] =	ssyncadd.remote.s32 $0x1  }
0xc6: {  	_ =	sfence.sel $0xFFFF  }
0xc7: {  	[dreg:$0x0] =	wrdreg $0xFFFFFFFF;
	(pc) =	sbr.abs _section_cstart, $3  }
0xc8: {  	[dreg:$0x1] =	wrdreg $0xFFFFFFFF  }
0xc9: {  	_ =	task.clear_ibuf [dreg:s11], $0x2FFFF;
	_ =	strace $0x9FFFFFFF  }
0xca: {  	(tm) =	ssettm $0x7FFFFFFF  }
0xcb: {  	_ =	shalt  }
tec
execute0_lowered:
.L_overlay_start_1:
0x0: {  	(tag) =	ssettag $0x1  }
0x1: {  	s0 =	rddreg [dreg:$0x0]  }
0x2: {  	s1 =	rddreg [dreg:$0x1]  }
0x3: {  	s2 =	rddreg [dreg:$0x2]  }
0x4: {  	s3 =	srdreg.scid;
	s4 =	stileid.u32  }
0x5: {  	s6 =	rddreg [dreg:$0x5];
	s7 =	simm.s32 $0x0;
	s18 =	simm.s32 $0x10B80  }
0x6: {  	s19 =	simm.s32 $0x1;
	s3 =	sand.u32 $0x1, s3;
	s4 =	sshll.u32 s4, $0x1  }
0x7: {  	s20 =	simm.s32 $0x40;
	v46 =	vlaneseq.u32;
	s28 =	simm.s32 $0xEB80;
	s4 =	sor.u32 s3, s4  }
0x8: {  	s29 =	simm.s32 $0x3;
	[smem:$0x7FF] =	sst s7;
	v23 =	vor.u32 $0x20, v46;
	s5 =	smul.u32 $0x320, s4  }
0x9: {  	s30 =	simm.s32 $0x4;
	s31 =	simm.s32 $0x0;
	v22 =	vor.u32 $0x10, v46;
	_ =	strace $0x80000047;
	[tilespmem:$0x1FF90] =	vst v23  }
0xa: {  	v25 =	vor.u32 $0x40, v46;
	s3 =	ssub.s32 $0x2, s3;
	[tilespmem:$0x1FFA0] =	vst v22;
	s5 =	sadd.s32 s5, s0;
	s0 =	sadd.s32 $0x13400, s0  }
0xb: {  	v43 =	vor.u32 $0x60, v46;
	[tilespmem:$0x1FFB0] =	vst v25;
	s8 =	sshrl.u32 s3, $0x1;
	[dreg:$0x7] =	wrdreg s0;
	s24 =	sadd.s32 $0x6C00, s5  }
0xc: {  	v48 =	vor.u32 $0x50, v46;
	[tilespmem:$0x1FFC0] =	vst v43;
	s12 =	smul.u32 $0xC8000, s4;
	s25 =	sadd.s32 $0xD000, s5;
	[dreg:$0x8] =	wrdreg s24  }
0xd: {  	v47 =	vor.u32 $0x30, v46;
	[tilespmem:$0x1FFD0] =	vst v48;
	s23 =	ssub.s32 s3, s8;
	s26 =	sadd.s32 $0x800, s5;
	[dreg:$0x9] =	wrdreg s25  }
0xe: {  	v49 =	vor.u32 $0x70, v46;
	[tilespmem:$0x1FFE0] =	vst v47;
	s13 =	smax.u32 s23, $0x1;
	s23 =	simm.s32 $0x2;
	[dreg:$0xa] =	wrdreg s26  }
0xf: {  	[tilespmem:$0x1FFF0] =	vst v49;
	s24 =	simm.s32 $0x6B80;
	s25 =	simm.s32 $0xAB80;
	s26 =	simm.s32 $0xCB80  }
.LBB2_1:
0x10: {  	s0 =	rddreg [dreg:$0x8]  }
0x11: {  	[tilespmem:s7], [sflag:$0x1] =	stream.linear.gather [hbm4b:s0+s7], $0x1900, $0x38;
	[tilespmem:$0x1D480] =	vst v63  }
0x12: {  	s9 =	rddreg [dreg:$0x9];
	s3 =	simm.s32 $0x1900  }
0x13: {  	[tilespmem:s3], [sflag:$0x1] =	stream.linear.gather [hbm4b:s9+s7], $0x1900, $0x38;
	[tilespmem:$0x1D480] =	vst v63  }
0x14: {  	s10 =	rddreg [dreg:$0x3];
	s4 =	simm.s32 $0x1D380  }
0x15: {  	[tilespmem:s4], [sflag:$0x2] =	stream.linear.gather [hbm4b:s10+s7], $0x80, $0x38;
	[tilespmem:$0x1D480] =	vst v63  }
0x16: {  	s11 =	rddreg [dreg:$0x4];
	s14 =	simm.s32 $0x1D400  }
0x17: {  	[tilespmem:s14], [sflag:$0x2] =	stream.linear.gather [hbm4b:s11+s7], $0x80, $0x38;
	[tilespmem:$0x1D480] =	vst v63  }
0x18: {  	s15 =	rddreg [dreg:$0xa];
	s16 =	simm.s32 $0x3200  }
0x19: {  	[tilespmem:s16], [sflag:$0x2] =	stream.linear.gather [hbm4b:s15+s7], $0x1900, $0x38;
	[tilespmem:$0x1D480] =	vst v63  }
0x1a: {  	s17 =	rddreg [dreg:$0x7]  }
0x1b: {  	[tilespmem:s18], [sflag:$0x2] =	stream.linear.gather [hbm4b:s17+s7], $0xC800, $0x38;
	[tilespmem:$0x1D480] =	vst v63  }
0x1c: {  	_ =	swait.ge [sflag:s19], $0x1900  }
0x1d: {  	[sflag:s19] =	ssyncset.done $0x0  }
0x1e: {  	[sflag:s19] =	ssyncadd.s32 $0xFFFFE700  }
0x1f: {  	_ =	swait.ge [sflag:s19], $0x1900  }
0x20: {  	[sflag:s19] =	ssyncset.done $0x0  }
0x21: {  	s21 =	simm.s32 $0x4B80;
	[sflag:s19] =	ssyncadd.s32 $0xFFFFE700  }
0x22: {  	[tilespmem:s21], [sflag:$0x1] =	stream.indirect.gather [hbm4b:s1+s20], $0x80, s7, s20, $0xb8;
	[tilespmem:$0x1D480] =	vst v63  }
0x23: {  	s22 =	simm.s32 $0x8B80  }
0x24: {  	[tilespmem:s22], [sflag:$0x1] =	stream.indirect.gather [hbm4b:s2+s20], $0x80, s3, s20, $0xb8;
	[tilespmem:$0x1D480] =	vst v63  }
0x25: {  	_ =	swait.ge [sflag:s23], $0x80  }
0x26: {  	[sflag:s23] =	ssyncset.done $0x0  }
0x27: {  	[sflag:s23] =	ssyncadd.s32 $0xFFFFFF80  }
0x28: {  	_ =	swait.ge [sflag:s23], $0x80  }
0x29: {  	[sflag:s23] =	ssyncset.done $0x0  }
0x2a: {  	[sflag:s23] =	ssyncadd.s32 $0xFFFFFF80  }
0x2b: {  	_ =	swait.ge [sflag:s23], $0x1900  }
0x2c: {  	[sflag:s23] =	ssyncset.done $0x0  }
0x2d: {  	[sflag:s23] =	ssyncadd.s32 $0xFFFFE700  }
0x2e: {  	_ =	swait.ge [sflag:s23], $0xC800  }
0x2f: {  	[sflag:s23] =	ssyncset.done $0x0  }
0x30: {  	[sflag:s23] =	ssyncadd.s32 $0xFFFF3800  }
0x31: {  	v0 =	vld [tilespmem:$0x1D380]  }
0x32: {  	v51 =	vld [tilespmem:$0x1D390]  }
0x33: {  	v52 =	vld [tilespmem:$0x1D3A0]  }
0x34: {  	v53 =	vld [tilespmem:$0x1D3B0]  }
0x35: {  	v54 =	vld [tilespmem:$0x1D3C0]  }
0x36: {  	v55 =	vld [tilespmem:$0x1D3D0];
	[tilespmem:$0x1FE90] =	vst v0  }
0x37: {  	v56 =	vld [tilespmem:$0x1D3E0];
	[tilespmem:$0x1FEA0] =	vst v51  }
0x38: {  	v57 =	vld [tilespmem:$0x1D3F0];
	[tilespmem:$0x1FEB0] =	vst v52  }
0x39: {  	v58 =	vld [tilespmem:$0x1D400];
	[tilespmem:$0x1FEC0] =	vst v53  }
0x3a: {  	v59 =	vld [tilespmem:$0x1D410];
	[tilespmem:$0x1FED0] =	vst v54  }
0x3b: {  	v60 =	vld [tilespmem:$0x1D420];
	[tilespmem:$0x1FEE0] =	vst v55  }
0x3c: {  	v61 =	vld [tilespmem:$0x1D430];
	[tilespmem:$0x1FEF0] =	vst v56  }
0x3d: {  	v62 =	vld [tilespmem:$0x1D440];
	[tilespmem:$0x1FF00] =	vst v57  }
0x3e: {  	v63 =	vld [tilespmem:$0x1D470];
	[tilespmem:$0x1FF10] =	vst v58  }
0x3f: {  	v1 =	vld [tilespmem:$0x1D450];
	[tilespmem:$0x1FF20] =	vst v59  }
0x40: {  	v2 =	vld [tilespmem:$0x1D460];
	[tilespmem:$0x1FF30] =	vst v60  }
0x41: {  	[tilespmem:$0x1FF40] =	vst v61  }
0x42: {  	[tilespmem:$0x1FF50] =	vst v62  }
0x43: {  	[tilespmem:$0x1FF60] =	vst v63  }
0x44: {  	[tilespmem:$0x1FF70] =	vst v1  }
0x45: {  	s0 =	simm.s32 $0x3241;
	s4 =	simm.s32 $0x3201;
	s3 =	simm.s32 $0x0;
	[tilespmem:$0x1FF80] =	vst v2  }
.LBB2_2:
0x46: {  	s5 =	sshllo.u32 s3, $0x1  }
0x47: {  	s8 =	sshll.u32 s5, $0x6  }
0x48: {  	[tilespmem:s24], [sflag:$0x2] =	stream.indirect.gather [hbm4b:s1+s20], $0x80, s8, s20, $0xb8;
	[tilespmem:$0x1D480] =	vst v63  }
0x49: {  	s8 =	sadd.s32 $0x1900, s8  }
0x4a: {  	[tilespmem:s25], [sflag:$0x2] =	stream.indirect.gather [hbm4b:s2+s20], $0x80, s8, s20, $0xb8;
	[tilespmem:$0x1D480] =	vst v63  }
0x4b: {  	_ =	swait.ge [sflag:s19], $0x2000  }
0x4c: {  	[sflag:s19] =	ssyncset.done $0x0  }
0x4d: {  	[sflag:s19] =	ssyncadd.s32 $0xFFFFE000  }
0x4e: {  	_ =	swait.ge [sflag:s19], $0x2000  }
0x4f: {  	p0 =	seq.s32 s3, $0x0;
	[sflag:s19] =	ssyncset.done $0x0  }
0x50: {  	s8 =	simm.s32 @!p0 $0x3;
	[sflag:s19] =	ssyncadd.s32 $0xFFFFE000  }
0x51: {  	_ =	swait.ge @!p0 [sflag:s8], $0x2000  }
0x52: {  	[sflag:s8] =	ssyncset.done @!p0 $0x0  }
0x53: {  	s16 =	simm.s32 $0x4C00;
	[sflag:s8] =	ssyncadd.s32 @!p0 $0xFFFFE000  }
0x54: {  	v0 =	vld [tilespmem:s16+$0x70]  }
0x55: {  	v1 =	vld.msk [tilespmem:s4+$0x0 ss:$0x0], $0xffff  }
0x56: {  	v2 =	vld [tilespmem:s16+$0x60]  }
0x57: {  	v3 =	vld [tilespmem:s16+$0x50]  }
0x58: {  	v4 =	vld [tilespmem:s16+$0x40]  }
0x59: {  	v5 =	vld [tilespmem:s16+$0x30]  }
0x5a: {  	s9 =	simm.s32 $0x8C00;
	v6 =	vld [tilespmem:s16+$0x20]  }
0x5b: {  	v8 =	vld [tilespmem:s9+$0x20]  }
0x5c: {  	v10 =	vld [tilespmem:s16+$0x10];
	v7 =	vadd.s32 v22, v1  }
0x5d: {  	v11 =	vld [tilespmem:s9+$0x10];
	v9 =	vadd.s32 v46, v1  }
0x5e: {  	v12 =	vld [tilespmem:s16+$0x0]  }
0x5f: {  	v14 =	vld [tilespmem:s9+$0x0];
	v13 =	vadd.s32 v23, v1  }
0x60: {  	v16 =	vld [tilespmem:s9+$0x30]  }
0x61: {  	v15 =	vadd.s32 v47, v1;
	v7 =	vld.idx.msk [tilespmem:v7+s18+$0x0], $0xffff  }
0x62: {  	v17 =	vadd.s32 v25, v1;
	v9 =	vld.idx.msk [tilespmem:v9+s18+$0x0], $0xffff  }
0x63: {  	v18 =	vld [tilespmem:s9+$0x40]  }
0x64: {  	v19 =	vadd.s32 v48, v1;
	v12 =	vadd.f32 v14, v12;
	v13 =	vld.idx.msk [tilespmem:v13+s18+$0x0], $0xffff  }
0x65: {  	v10 =	vadd.f32 v11, v10;
	v6 =	vadd.f32 v8, v6;
	v8 =	vld [tilespmem:s9+$0x50]  }
0x66: {  	v14 =	vadd.s32 v43, v1;
	v11 =	vld.idx.msk [tilespmem:v15+s18+$0x0], $0xffff  }
0x67: {  	v1 =	vadd.s32 v49, v1;
	v15 =	vadd.f32 v12, v9;
	v20 =	vadd.f32 v10, v7;
	v7 =	vld.idx.msk [tilespmem:v17+s18+$0x0], $0xffff  }
0x68: {  	v9 =	vld [tilespmem:s9+$0x60]  }
0x69: {  	v5 =	vadd.f32 v16, v5;
	v16 =	vadd.f32 v6, v13;
	v6 =	vld.idx.msk [tilespmem:v19+s18+$0x0], $0xffff;
	[tilespmem:$0x1FE50] =	vst v15  }
0x6a: {  	v10 =	vmul.f32 v15, v15;
	v12 =	vmul.f32 v20, v20;
	v13 =	vadd.f32 $0.0e+00, v15;
	v15 =	vld [tilespmem:s9+$0x70]  }
0x6b: {  	v4 =	vadd.f32 v18, v4;
	v3 =	vadd.f32 v8, v3  }
0x6c: {  	v17 =	vadd.f32 v5, v11;
	v1 =	vld.idx.msk [tilespmem:v1+s18+$0x0], $0xffff;
	v10 =	vadd.f32 v12, v10;
	v12 =	vmul.f32 v16, v16  }
0x6d: {  	v5 =	vld.idx.msk [tilespmem:v14+s18+$0x0], $0xffff;
	v8 =	vadd.f32 v20, v13;
	v2 =	vadd.f32 v9, v2  }
0x6e: {  	v11 =	vmul.f32 v17, v17;
	v10 =	vadd.f32 v12, v10;
	v12 =	vadd.f32 v4, v7  }
0x6f: {  	v4 =	vadd.f32 v16, v8;
	v0 =	vadd.f32 v15, v0  }
0x70: {  	[tilespmem:$0x1FE60] =	vst v16;
	v9 =	vadd.f32 v3, v6;
	v7 =	vadd.f32 v11, v10;
	v8 =	vmul.f32 v12, v12  }
0x71: {  	v3 =	vadd.f32 v17, v4;
	v0 =	vadd.f32 v0, v1;
	v1 =	vld.msk [tilespmem:s4+$0xFFFFFFFF ss:$0x0], $0xffff  }
0x72: {  	v6 =	vmul.f32 v9, v9;
	v4 =	vadd.f32 v8, v7;
	v7 =	vadd.f32 v2, v5  }
0x73: {  	v2 =	vadd.f32 v12, v3  }
0x74: {  	v3 =	vadd.f32 v6, v4;
	v4 =	vmul.f32 v7, v7  }
0x75: {  	v14 =	vld [tilespmem:s16+$0xFFFFFFC0];
	v2 =	vadd.f32 v9, v2  }
0x76: {  	v16 =	vld [tilespmem:s9+$0xFFFFFFC0];
	v3 =	vadd.f32 v4, v3;
	v4 =	vmul.f32 v0, v0;
	v8 =	vadd.s32 v46, v1  }
0x77: {  	v11 =	vld [tilespmem:s9+$0xFFFFFFB0];
	v2 =	vadd.f32 v7, v2  }
0x78: {  	v5 =	vld [tilespmem:s16+$0xFFFFFF80];
	v3 =	vadd.f32 v4, v3  }
0x79: {  	v6 =	vld [tilespmem:s9+$0xFFFFFF80];
	v2 =	vadd.f32 v0, v2  }
0x7a: {  	v27 =	vmov v7;
	v7 =	vld [tilespmem:s9+$0xFFFFFF90];
	v10 =	vadd.s32 v22, v1;
	(xrf2) =	vadd.scan.msk.f32 $0xffff, v3  }
0x7b: {  	(xrf2) =	vadd.scan.msk.f32 $0xffff, v2;
	v8 =	vld.idx.msk [tilespmem:v8+s18+$0x0], $0xffff  }
0x7c: {  	v29 =	vmov v12;
	v12 =	vadd.s32 v23, v1;
	v4 =	vld [tilespmem:s16+$0xFFFFFF90]  }
0x7d: {  	v3 =	vld [tilespmem:s16+$0xFFFFFFA0]  }
0x7e: {  	v13 =	vadd.s32 v47, v1;
	v5 =	vadd.f32 v6, v5;
	v2 =	vld [tilespmem:s9+$0xFFFFFFA0]  }
0x7f: {  	v15 =	vadd.s32 v25, v1;
	v6 =	vld.idx.msk [tilespmem:v10+s18+$0x0], $0xffff  }
0x80: {  	v26 =	vmov v9;
	v9 =	vld [tilespmem:s16+$0xFFFFFFB0];
	v18 =	vadd.f32 v5, v8  }
0x81: {  	v12 =	vld.idx.msk [tilespmem:v12+s18+$0x0], $0xffff  }
0x82: {  	v30 =	vmov v17;
	v17 =	vld [tilespmem:s16+$0xFFFFFFD0];
	v4 =	vadd.f32 v7, v4;
	[tilespmem:$0x1FE80] =	vst v18  }
0x83: {  	v10 =	vadd.s32 v48, v1;
	v2 =	vadd.f32 v2, v3;
	v3 =	vld.idx.msk [tilespmem:v13+s18+$0x0], $0xffff  }
0x84: {  	v8 =	vadd.s32 v43, v1;
	v31 =	vadd.f32 v4, v6;
	v5, _, _ =	vpop (xrf2);
	v13 =	vld.idx.msk [tilespmem:v15+s18+$0x0], $0xffff  }
0x85: {  	v4 =	vadd.f32 v11, v9;
	v15 =	vadd.f32 $0.0e+00, v18;
	v6 =	vld [tilespmem:s16+$0xFFFFFFE0];
	v7, _, _ =	vpop (xrf2)  }
0x86: {  	v34 =	vadd.f32 v2, v12;
	(v2sf) =	vpush v7, $0xF;
	v7 =	vld [tilespmem:s9+$0xFFFFFFD0]  }
0x87: {  	v1 =	vadd.s32 v49, v1;
	v11 =	vld [tilespmem:s9+$0xFFFFFFE0];
	v2 =	vadd.f32 v31, v15;
	(v2sf) =	vpush v5, $0xF  }
0x88: {  	v9 =	vadd.f32 v16, v14;
	v12 =	vmul.f32 v31, v31;
	v5 =	vld.idx.msk [tilespmem:v10+s18+$0x0], $0xffff;
	v10 =	vmul.f32 v18, v18  }
0x89: {  	v2 =	vadd.f32 v34, v2;
	v33 =	vadd.f32 v4, v3;
	v3 =	vld.idx.msk [tilespmem:v8+s18+$0x0], $0xffff  }
0x8a: {  	v32 =	vadd.f32 v9, v13;
	v9 =	vadd.f32 v12, v10;
	v10 =	vld [tilespmem:s9+$0xFFFFFFF0]  }
0x8b: {  	v8 =	vmul.f32 v34, v34;
	v4 =	vadd.f32 v7, v17;
	v7 =	vld [tilespmem:s16+$0xFFFFFFF0]  }
0x8c: {  	v6 =	vadd.f32 v11, v6;
	v2 =	vadd.f32 v33, v2  }
0x8d: {  	v1 =	vld.idx.msk [tilespmem:v1+s18+$0x0], $0xffff;
	v36 =	vadd.f32 v4, v5;
	v4 =	vmul.f32 v33, v33;
	v5 =	vadd.f32 v8, v9  }
0x8e: {  	v2 =	vadd.f32 v32, v2  }
0x8f: {  	v8 =	vmul.f32 v32, v32;
	v38 =	vadd.f32 v6, v3;
	v4 =	vadd.f32 v4, v5  }
0x90: {  	v2 =	vadd.f32 v36, v2;
	v3 =	vadd.f32 v10, v7  }
0x91: {  	v4 =	vadd.f32 v8, v4  }
0x92: {  	v5 =	vmul.f32 v36, v36;
	v2 =	vadd.f32 v38, v2;
	v39 =	vadd.f32 v3, v1;
	_ =	sdelay $0x1  }
0x93: {  	s21 =	simm.s32 $0x4D00;
	v24 =	vld [tilespmem:$0x1FF00];
	v1 =	vmul.f32 v38, v38;
	v3 =	vadd.f32 v5, v4;
	v2 =	vadd.f32 v39, v2  }
0x94: {  	s15 =	simm.s32 $0x8D00;
	v14 =	vld [tilespmem:s21+$0x10];
	s17 =	spop (v2sf)  }
0x95: {  	v28 =	vmovc v20;
	v20 =	vld [tilespmem:s15+$0x0];
	v1 =	vadd.f32 v1, v3;
	v3 =	vmul.f32 v39, v39;
	s8 =	smul.f32 $7.812500000e-03, s17;
	s10 =	spop (v2sf);
	(xrf2) =	vadd.scan.msk.f32 $0xffff, v2  }
0x96: {  	v40 =	vld [tilespmem:s15+$0x30];
	s10 =	smul.f32 $7.812500000e-03, s10  }
0x97: {  	v15 =	vld [tilespmem:s15+$0x10];
	s16 =	sadd.s32 $0x2, s4;
	v1 =	vadd.f32 v3, v1;
	s14 =	smul.f32 s8, s8  }
0x98: {  	v2 =	vld.msk [tilespmem:s16+$0x0 ss:$0x0], $0xffff  }
0x99: {  	v11 =	vld [tilespmem:s15+$0x20];
	(xrf2) =	vadd.scan.msk.f32 $0xffff, v1;
	s10 =	ssub.f32 s10, s14  }
0x9a: {  	v8 =	vld [tilespmem:s21+$0x20]  }
0x9b: {  	v17 =	vld [tilespmem:s21+$0x0];
	s10 =	sadd.f32 $9.999999960e-13, s10  }
0x9c: {  	v6 =	vld [tilespmem:s21+$0x50]  }
0x9d: {  	v7 =	vld [tilespmem:s21+$0x30];
	v13 =	vadd.s32 v46, v2;
	v9 =	vmov s10  }
0x9e: {  	v4 =	vld [tilespmem:s21+$0x70];
	v10 =	vadd.s32 v22, v2;
	v12 =	vshrl.u32 v9, $0x1;
	v9 =	vmul.f32 $5.000000000e-01, v9  }
0x9f: {  	v8 =	vadd.f32 v11, v8;
	v11 =	vld [tilespmem:s15+$0x50];
	v18 =	vadd.s32 v23, v2;
	v12 =	vsub.s32 $0x5F3759DF, v12;
	v19, _, _ =	vpop (xrf2)  }
0xa0: {  	v3 =	vld [tilespmem:s21+$0x60];
	v16 =	vmul.f32 v12, v9;
	(v2sf) =	vpush v19, $0xF;
	v19 =	vadd.s32 v47, v2  }
0xa1: {  	v1 =	vld [tilespmem:s21+$0x40]  }
0xa2: {  	v13 =	vld.idx.msk [tilespmem:v13+s18+$0x0], $0xffff;
	v16 =	vmul.f32 v12, v16  }
0xa3: {  	v41 =	vadd.s32 v25, v2;
	v10 =	vld.idx.msk [tilespmem:v10+s18+$0x0], $0xffff;
	v21, _, _ =	vpop (xrf2)  }
0xa4: {  	v18 =	vld.idx.msk [tilespmem:v18+s18+$0x0], $0xffff;
	(v2sf) =	vpush v21, $0xF;
	v21 =	vadd.s32 v48, v2;
	v16 =	vsub.f32 $1.500000000e+00, v16  }
0xa5: {  	v14 =	vadd.f32 v15, v14;
	v17 =	vadd.f32 v20, v17;
	v15 =	vld.idx.msk [tilespmem:v19+s18+$0x0], $0xffff  }
0xa6: {  	v19 =	vadd.s32 v43, v2;
	v12 =	vmul.f32 v12, v16;
	v16 =	vld [tilespmem:s15+$0x40]  }
0xa7: {  	v37 =	vadd.f32 v17, v13;
	v13 =	vld [tilespmem:s15+$0x60]  }
0xa8: {  	v7 =	vadd.f32 v40, v7;
	v35 =	vadd.f32 v14, v10;
	v10 =	vld.idx.msk [tilespmem:v41+s18+$0x0], $0xffff  }
0xa9: {  	v40 =	vadd.f32 v8, v18;
	v2 =	vadd.s32 v49, v2;
	v9 =	vmul.f32 v12, v9;
	v8 =	vld.idx.msk [tilespmem:v21+s18+$0x0], $0xffff  }
0xaa: {  	v5 =	vld [tilespmem:s15+$0x70];
	v41 =	vadd.f32 v7, v15;
	v15 =	vadd.f32 $0.0e+00, v37  }
0xab: {  	v6 =	vadd.f32 v11, v6;
	v9 =	vmul.f32 v9, v12;
	v7 =	vld.idx.msk [tilespmem:v19+s18+$0x0], $0xffff;
	v1 =	vadd.f32 v16, v1  }
0xac: {  	v18 =	vld.msk [tilespmem:s16+$0xFFFFFFFF ss:$0x0], $0xffff;
	v14 =	vmul.f32 v37, v37;
	v3 =	vadd.f32 v13, v3;
	v15 =	vadd.f32 v35, v15  }
0xad: {  	v17 =	vmul.f32 v35, v35;
	v13 =	vld [tilespmem:s21+$0xFFFFFF90];
	v9 =	vsub.f32 $1.500000000e+00, v9;
	v42 =	vadd.f32 v1, v10  }
0xae: {  	v1 =	vld.idx.msk [tilespmem:v2+s18+$0x0], $0xffff;
	v44 =	vadd.f32 v6, v8;
	v8 =	vadd.f32 v40, v15  }
0xaf: {  	v14 =	vadd.f32 v17, v14;
	v10 =	vld [tilespmem:s15+$0xFFFFFF80];
	v9 =	vmul.f32 v9, v12  }
0xb0: {  	v16 =	vmul.f32 v40, v40;
	v45 =	vadd.f32 v3, v7;
	v7 =	vadd.f32 v41, v8;
	v8 =	vld [tilespmem:$0x1FF60]  }
0xb1: {  	v6 =	vld [tilespmem:s15+$0xFFFFFF90];
	v2 =	vmul.f32 v9, v24  }
0xb2: {  	v11 =	vadd.f32 v16, v14;
	v14 =	vmul.f32 v41, v41;
	v12 =	vld [tilespmem:s21+$0xFFFFFF80]  }
0xb3: {  	v4 =	vadd.f32 v5, v4;
	v15 =	vld [tilespmem:s21+$0xFFFFFFA0];
	v5 =	vmul.f32 s8, v2  }
0xb4: {  	v11 =	vadd.f32 v14, v11;
	v14 =	vmul.f32 v42, v42;
	v3 =	vld [tilespmem:s15+$0xFFFFFFA0];
	v0 =	vmul.f32 v2, v0  }
0xb5: {  	v2 =	vadd.s32 v46, v18;
	v46 =	vadd.f32 v4, v1;
	v4 =	vld [tilespmem:s15+$0xFFFFFFB0];
	v5 =	vsub.f32 v8, v5  }
0xb6: {  	v1 =	vadd.s32 v22, v18;
	v22 =	vld [tilespmem:$0x1FED0]  }
0xb7: {  	s22 =	spop (v2sf);
	v11 =	vadd.f32 v14, v11;
	v14 =	vmul.f32 v44, v44;
	v8 =	vld [tilespmem:s21+$0xFFFFFFB0];
	v0 =	vadd.f32 v5, v0  }
0xb8: {  	s11 =	smul.f32 $7.812500000e-03, s22;
	v5 =	vld [tilespmem:$0x1FE90]  }
0xb9: {  	v11 =	vadd.f32 v14, v11;
	v14 =	vmul.f32 v45, v45;
	[tilespmem:$0x1FE70] =	vst v0;
	v0 =	vadd.s32 v23, v18;
	v23 =	vld [tilespmem:$0x1FEE0]  }
0xba: {  	v16 =	vadd.s32 v47, v18;
	s10 =	smul.f32 s11, s11;
	s17 =	spop (v2sf);
	v10 =	vadd.f32 v10, v12;
	v17 =	vld [tilespmem:s21+$0xFFFFFFC0]  }
0xbb: {  	s17 =	smul.f32 $7.812500000e-03, s17;
	v12 =	vadd.s32 v25, v18;
	v11 =	vadd.f32 v14, v11;
	v14 =	vmul.f32 v46, v46;
	v19 =	vld [tilespmem:s15+$0xFFFFFFC0]  }
0xbc: {  	v7 =	vadd.f32 v42, v7;
	v2 =	vld.idx.msk [tilespmem:v2+s18+$0x0], $0xffff  }
0xbd: {  	s10 =	ssub.f32 s17, s10;
	v11 =	vadd.f32 v14, v11;
	v14 =	vld [tilespmem:s21+$0xFFFFFFD0]  }
0xbe: {  	v6 =	vadd.f32 v6, v13;
	v13 =	vadd.s32 v48, v18;
	v7 =	vadd.f32 v44, v7;
	v1 =	vld.idx.msk [tilespmem:v1+s18+$0x0], $0xffff  }
0xbf: {  	s10 =	sadd.f32 $9.999999960e-13, s10;
	(xrf2) =	vadd.scan.msk.f32 $0xffff, v11;
	v11 =	vld.idx.msk [tilespmem:v16+s18+$0x0], $0xffff  }
0xc0: {  	v3 =	vadd.f32 v3, v15;
	v15 =	vadd.s32 v43, v18;
	v7 =	vadd.f32 v45, v7;
	v12 =	vld.idx.msk [tilespmem:v12+s18+$0x0], $0xffff  }
0xc1: {  	v20 =	vmov s10;
	v4 =	vadd.f32 v4, v8;
	v8 =	vadd.s32 v49, v18;
	v18 =	vld [tilespmem:$0x1FEA0]  }
0xc2: {  	v7 =	vadd.f32 v46, v7;
	v21 =	vshrl.u32 v20, $0x1;
	v20 =	vmul.f32 $5.000000000e-01, v20;
	v0 =	vld.idx.msk [tilespmem:v0+s18+$0x0], $0xffff  }
0xc3: {  	v13 =	vld.idx.msk [tilespmem:v13+s18+$0x0], $0xffff;
	v16 =	vsub.s32 $0x5F3759DF, v21  }
0xc4: {  	(xrf2) =	vadd.scan.msk.f32 $0xffff, v7;
	v7 =	vmul.f32 v16, v20;
	v43 =	vadd.f32 v10, v2;
	v2 =	vld [tilespmem:s15+$0xFFFFFFD0]  }
0xc5: {  	v21 =	vld [tilespmem:$0x1FEB0];
	v10 =	vadd.f32 v19, v17  }
0xc6: {  	v7 =	vmul.f32 v16, v7;
	v19 =	vld [tilespmem:$0x1FEC0];
	v52 =	vadd.f32 v6, v1;
	v17 =	vadd.f32 $0.0e+00, v43  }
0xc7: {  	v6 =	vld [tilespmem:s21+$0xFFFFFFE0];
	v50 =	vadd.f32 v4, v11;
	v1 =	vmul.f32 v43, v43;
	v48 =	vadd.f32 v3, v0  }
0xc8: {  	v11 =	vld [tilespmem:s21+$0xFFFFFFF0];
	v0 =	vsub.f32 $1.500000000e+00, v7;
	v7 =	vadd.f32 v52, v17;
	v17 =	vmul.f32 v52, v52  }
0xc9: {  	v55 =	vmul.f32 v9, v22;
	v49 =	vadd.f32 v10, v12;
	v3 =	vld [tilespmem:s15+$0xFFFFFFE0];
	v2 =	vadd.f32 v2, v14  }
0xca: {  	v10 =	vmul.f32 v48, v48;
	v1 =	vadd.f32 v17, v1;
	v0 =	vmul.f32 v16, v0;
	v17 =	vld [tilespmem:$0x1FEF0]  }
0xcb: {  	v54 =	vmul.f32 v9, v5;
	v59 =	vmul.f32 v9, v23;
	v47 =	vadd.f32 v2, v13;
	v2 =	vld [tilespmem:s15+$0xFFFFFFF0]  }
0xcc: {  	v58 =	vmul.f32 v9, v18;
	v4 =	vld.idx.msk [tilespmem:v15+s18+$0x0], $0xffff;
	v1 =	vadd.f32 v10, v1;
	v10 =	vmul.f32 v0, v20  }
0xcd: {  	v8 =	vld.idx.msk [tilespmem:v8+s18+$0x0], $0xffff;
	v56 =	vmul.f32 v9, v21;
	v12 =	vmul.f32 v50, v50;
	v13, _, _ =	vpop (xrf2)  }
0xce: {  	v57 =	vmul.f32 v9, v19;
	v3 =	vadd.f32 v3, v6;
	v6, _, _ =	vpop (xrf2);
	v10 =	vmul.f32 v10, v0  }
0xcf: {  	v14 =	vmul.f32 v49, v49;
	v20 =	vld [tilespmem:$0x1FF10];
	(v2sf) =	vpush v6, $0xF;
	v1 =	vadd.f32 v12, v1  }
0xd0: {  	v61 =	vmul.f32 v9, v17;
	v2 =	vadd.f32 v2, v11;
	v10 =	vsub.f32 $1.500000000e+00, v10  }
0xd1: {  	v9 =	vmul.f32 v47, v47;
	v51 =	vadd.f32 v3, v4;
	v1 =	vadd.f32 v14, v1  }
0xd2: {  	v6 =	vmul.f32 s8, v54;
	v53 =	vadd.f32 v2, v8;
	v2 =	vmul.f32 v10, v0  }
0xd3: {  	(v2sf) =	vpush v13, $0xF;
	v11 =	vmul.f32 v51, v51;
	v1 =	vadd.f32 v9, v1  }
0xd4: {  	v62 =	vsub.f32 v20, v6;
	v15 =	vmul.f32 v2, v5;
	v6 =	vmul.f32 v2, v18  }
0xd5: {  	v25 =	vld [tilespmem:$0x1FF20];
	v0 =	vadd.f32 v11, v1;
	v13 =	vmul.f32 v2, v21;
	v11 =	vmul.f32 v2, v19  }
0xd6: {  	v10 =	vmul.f32 v2, v22;
	v9 =	vmul.f32 v2, v23  }
0xd7: {  	v7 =	vadd.f32 v48, v7;
	v8 =	vmul.f32 v2, v17;
	v2 =	vmul.f32 v2, v24;
	v24 =	vld [tilespmem:$0x1FF50]  }
0xd8: {  	v3 =	vmul.f32 s8, v58  }
0xd9: {  	v7 =	vadd.f32 v50, v7;
	v1 =	vmul.f32 v53, v53  }
0xda: {  	v14 =	vmul.f32 s8, v55;
	v63 =	vsub.f32 v25, v3;
	v3 =	vmul.f32 s11, v15  }
0xdb: {  	v7 =	vadd.f32 v49, v7;
	v22 =	vld [tilespmem:$0x1FF30];
	v16 =	vadd.f32 v1, v0  }
0xdc: {  	v1 =	vsub.f32 v24, v14;
	v14 =	vsub.f32 v20, v3;
	v3 =	vld [tilespmem:$0x1FE70]  }
0xdd: {  	v7 =	vadd.f32 v47, v7;
	v23 =	vld [tilespmem:$0x1FF40]  }
0xde: {  	v4 =	vmul.f32 s8, v56  }
0xdf: {  	v7 =	vadd.f32 v51, v7  }
0xe0: {  	s21 =	simm.s32 $0xCC00;
	v12 =	vmul.f32 s8, v57;
	v0 =	vsub.f32 v22, v4;
	v4 =	vmul.f32 s11, v6  }
0xe1: {  	v7 =	vadd.f32 v53, v7;
	[tilespmem:s21+$0x70] =	vst v3  }
0xe2: {  	v60 =	vsub.f32 v23, v12;
	v12 =	vsub.f32 v25, v4;
	v4 =	vld [tilespmem:$0x1FE80]  }
0xe3: {  	v18 =	vmul.f32 s11, v13;
	v21 =	vmul.f32 s11, v11  }
0xe4: {  	v5 =	vmul.f32 s11, v10;
	v19 =	vmul.f32 s11, v9;
	(xrf2) =	vadd.scan.msk.f32 $0xffff, v7  }
0xe5: {  	v17 =	vmul.f32 s11, v2;
	(xrf2) =	vadd.scan.msk.f32 $0xffff, v16;
	v16 =	vmul.f32 s8, v61;
	s17 =	spop (v2sf)  }
0xe6: {  	s14 =	simm.s32 $0x2;
	v20 =	vmul.f32 s11, v8;
	v7 =	vsub.f32 v23, v21;
	v5 =	vsub.f32 v24, v5;
	s17 =	smul.f32 $7.812500000e-03, s17;
	s22 =	spop (v2sf)  }
0xe7: {  	v3 =	vsub.f32 v22, v18;
	v18 =	vmul.f32 s8, v59;
	s8 =	simm.s32 $0x4E00;
	s9 =	smul.f32 $7.812500000e-03, s22;
	s22 =	simm.s32 $0xCC00;
	v15 =	vmul.f32 v15, v4  }
.LBB2_3:
0xe8: {  	v4 =	vld [tilespmem:s8+$0x70]  }
0xe9: {  	v22 =	vld [tilespmem:$0x1FF70]  }
0xea: {  	v24 =	vld [tilespmem:$0x1FF80]  }
0xeb: {  	v23 =	vld [tilespmem:$0x1FF60]  }
0xec: {  	v13 =	vmul.f32 v13, v34;
	v34 =	vmov v48;
	v48 =	vld [tilespmem:s8+$0x60]  }
0xed: {  	v10 =	vmul.f32 v10, v32;
	v32 =	vmov v49;
	v49 =	vld [tilespmem:s8+$0x50]  }
0xee: {  	v11 =	vmul.f32 v11, v33;
	v33 =	vmov v50;
	v50 =	vld [tilespmem:s8+$0x30]  }
0xef: {  	v9 =	vmul.f32 v9, v36;
	v36 =	vmov v47;
	v47 =	vld [tilespmem:s8+$0x10]  }
0xf0: {  	v8 =	vmul.f32 v8, v38;
	v38 =	vmov v51;
	v51 =	vld [tilespmem:$0x1FFB0]  }
0xf1: {  	s15 =	sadd.s32 $0x100, s15;
	v21 =	vmul.f32 v6, v31;
	v25 =	vld [tilespmem:$0x1FF00]  }
0xf2: {  	v6 =	vld [tilespmem:s15+$0x70]  }
0xf3: {  	v31 =	vmov v52;
	v12 =	vadd.f32 v12, v21;
	v21 =	vld [tilespmem:s8+$0x40];
	v52, _, _ =	vpop (xrf2)  }
0xf4: {  	s10 =	smul.f32 s17, s17;
	(v2sf) =	vpush v52, $0xF;
	v52 =	vsub.f32 v24, v16;
	v16 =	vmul.f32 v2, v39;
	v2 =	vld [tilespmem:$0x1FE50]  }
0xf5: {  	[tilespmem:s21+$0xFFFFFF90] =	vst v12;
	v12 =	vld [tilespmem:$0x1FE60]  }
0xf6: {  	v14 =	vadd.f32 v14, v15;
	v7 =	vadd.f32 v7, v11;
	v11 =	vld [tilespmem:s8+$0x0];
	s9 =	ssub.f32 s9, s10  }
0xf7: {  	s16 =	sadd.s32 $0x2, s16;
	v5 =	vadd.f32 v5, v10;
	v10 =	vld [tilespmem:s15+$0x0]  }
0xf8: {  	[tilespmem:s21+$0xFFFFFF80] =	vst v14;
	v19 =	vsub.f32 v22, v19;
	v18 =	vsub.f32 v22, v18;
	v22 =	vld.msk [tilespmem:s16+$0x0 ss:$0x0], $0xffff;
	s9 =	sadd.f32 $9.999999960e-13, s9;
	v15, _, _ =	vpop (xrf2)  }
0xf9: {  	v20 =	vsub.f32 v24, v20;
	v39 =	vmovc v53;
	v53 =	vld [tilespmem:$0x1FFD0];
	(v2sf) =	vpush v15, $0xF;
	v14 =	vmul.f32 v54, v2;
	v2 =	vmovc v37  }
0xfa: {  	v24 =	vmovc v40;
	v15 =	vmul.f32 v58, v28;
	v28 =	vmovc v35;
	v35 =	vld [tilespmem:s8+$0x20];
	v12 =	vmul.f32 v56, v12;
	[tilespmem:$0x1FE50] =	vst v2;
	v2 =	vmov s9  }
0xfb: {  	[tilespmem:$0x1FE60] =	vst v24;
	v58 =	vld [tilespmem:$0x1FFA0];
	v56 =	vmul.f32 v59, v26;
	v24 =	vshrl.u32 v2, $0x1;
	v40 =	vmul.f32 $5.000000000e-01, v2  }
0xfc: {  	v0 =	vadd.f32 v0, v12;
	v12 =	vld [tilespmem:s15+$0x40];
	v54 =	vmul.f32 v55, v29;
	v55 =	vsub.s32 $0x5F3759DF, v24  }
0xfd: {  	v59 =	vlaneseq.u32;
	v37 =	vmul.f32 v57, v30;
	v24 =	vld [tilespmem:$0x1FF90];
	v57 =	vmul.f32 v55, v40  }
0xfe: {  	v26 =	vmov v44;
	v44 =	vadd.s32 v59, v22;
	v29 =	vmov v42;
	v42 =	vld [tilespmem:s15+$0x20]  }
0xff: {  	v3 =	vadd.f32 v3, v13;
	v2 =	vmul.f32 v61, v27;
	v61 =	vmul.f32 v55, v57;
	v57 =	vld [tilespmem:$0x1FFE0]  }
0x100: {  	v17 =	vsub.f32 v23, v17;
	v30 =	vmovc v41;
	v41 =	vadd.s32 v58, v22;
	v27 =	vmov v45;
	v45 =	vld [tilespmem:s15+$0x10]  }
0x101: {  	[tilespmem:s21+$0xFFFFFFC0] =	vst v5;
	v5 =	vadd.f32 v62, v14;
	v14 =	vadd.f32 v63, v15;
	v15 =	vld [tilespmem:s15+$0x30]  }
0x102: {  	[tilespmem:s21+$0xFFFFFFA0] =	vst v3;
	v8 =	vadd.f32 v20, v8;
	v63 =	vld [tilespmem:$0x1FFF0];
	v13 =	vadd.s32 v24, v22;
	v20 =	vsub.f32 $1.500000000e+00, v61  }
0x103: {  	[tilespmem:s21+$0xFFFFFFB0] =	vst v7;
	v3 =	vadd.f32 v19, v9;
	v7 =	vadd.f32 v17, v16;
	v16 =	vld.idx.msk [tilespmem:v44+s18+$0x0], $0xffff  }
0x104: {  	v12 =	vadd.f32 v12, v21;
	v21 =	vld [tilespmem:$0x1FE90];
	v20 =	vmul.f32 v55, v20;
	v19 =	vadd.s32 v57, v22  }
0x105: {  	v9 =	vld.idx.msk [tilespmem:v41+s18+$0x0], $0xffff  }
0x106: {  	[tilespmem:s21+$0xFFFFFFE0] =	vst v8;
	v8 =	vadd.f32 v60, v37;
	v61 =	vld [tilespmem:$0x1FFC0];
	v60 =	vmul.f32 v20, v40  }
0x107: {  	[tilespmem:s21+$0xFFFFFFD0] =	vst v3;
	v17 =	vadd.s32 v51, v22;
	v3 =	vld.idx.msk [tilespmem:v13+s18+$0x0], $0xffff  }
0x108: {  	[tilespmem:s21+$0xFFFFFFF0] =	vst v7;
	v40 =	vmul.f32 v60, v20;
	v60 =	vld [tilespmem:$0x1FEB0]  }
0x109: {  	v7 =	vadd.f32 v18, v56;
	v18 =	vld.idx.msk [tilespmem:v19+s18+$0x0], $0xffff;
	[tilespmem:s21+$0x0] =	vst v5  }
0x10a: {  	v10 =	vadd.f32 v10, v11;
	v11 =	vadd.f32 v45, v47;
	v13 =	vadd.s32 v53, v22;
	v19 =	vld [tilespmem:s15+$0x50]  }
0x10b: {  	v62 =	vadd.s32 v61, v22;
	v5 =	vadd.f32 v42, v35;
	[tilespmem:s21+$0x10] =	vst v14;
	v14 =	vadd.s32 v63, v22;
	v22 =	vld [tilespmem:$0x1FEA0]  }
0x10c: {  	v37 =	vadd.f32 v10, v16;
	v35 =	vadd.f32 v11, v9;
	v9 =	vld.idx.msk [tilespmem:v17+s18+$0x0], $0xffff  }
0x10d: {  	[tilespmem:s21+$0x20] =	vst v0;
	v0 =	vsub.f32 $1.500000000e+00, v40;
	v40 =	vadd.f32 v5, v3;
	v5 =	vld.msk [tilespmem:s16+$0xFFFFFFFF ss:$0x0], $0xffff  }
0x10e: {  	v1 =	vadd.f32 v1, v54;
	v17 =	vld [tilespmem:s15+$0xFFFFFFB0]  }
0x10f: {  	v10 =	vadd.f32 v15, v50;
	v15 =	vmul.f32 v35, v35;
	v11 =	vld [tilespmem:s15+$0x60];
	[tilespmem:s21+$0x30] =	vst v8;
	v8 =	vmul.f32 v37, v37  }
0x110: {  	v3 =	vld.idx.msk [tilespmem:v13+s18+$0x0], $0xffff;
	[tilespmem:s21+$0x40] =	vst v1  }
0x111: {  	v1 =	vadd.f32 v15, v8;
	v8 =	vld.idx.msk [tilespmem:v62+s18+$0x0], $0xffff  }
0x112: {  	v0 =	vmul.f32 v0, v20;
	v41 =	vadd.f32 v10, v18;
	v10 =	vld [tilespmem:s8+$0xFFFFFF80]  }
0x113: {  	v4 =	vadd.f32 v6, v4;
	v6 =	vmul.f32 v40, v40;
	[tilespmem:s21+$0x50] =	vst v7;
	v18 =	vld [tilespmem:s8+$0xFFFFFFC0]  }
0x114: {  	v13 =	vadd.f32 $0.0e+00, v37;
	v15 =	vadd.f32 v19, v49;
	v16 =	vmul.f32 v0, v25;
	v7 =	vld.idx.msk [tilespmem:v14+s18+$0x0], $0xffff  }
0x115: {  	v14 =	vld [tilespmem:s8+$0xFFFFFF90];
	v1 =	vadd.f32 v6, v1;
	v6 =	vmul.f32 v41, v41;
	v42 =	vadd.f32 v12, v9  }
0x116: {  	v19 =	vld [tilespmem:s15+$0xFFFFFFC0];
	v12 =	vadd.f32 v35, v13;
	v11 =	vadd.f32 v11, v48;
	v13 =	vmul.f32 s17, v16  }
0x117: {  	v9 =	vld [tilespmem:s15+$0xFFFFFF80];
	v1 =	vadd.f32 v6, v1;
	v6 =	vmul.f32 v42, v42;
	v44 =	vadd.f32 v15, v3  }
0x118: {  	v3 =	vld [tilespmem:s15+$0xFFFFFF90];
	v12 =	vadd.f32 v40, v12;
	v15 =	vmul.f32 v16, v46;
	v13 =	vsub.f32 v23, v13  }
0x119: {  	v16 =	vld [tilespmem:s8+$0xFFFFFFA0];
	v45 =	vadd.f32 v11, v8;
	v8 =	vadd.s32 v59, v5;
	v1 =	vadd.f32 v6, v1  }
0x11a: {  	v11 =	vld [tilespmem:s15+$0xFFFFFFA0];
	v12 =	vadd.f32 v41, v12;
	v46 =	vadd.f32 v4, v7;
	v4 =	vadd.s32 v58, v5  }
0x11b: {  	s10 =	spop (v2sf);
	v23 =	vld [tilespmem:$0x1FEC0];
	v6 =	vmul.f32 v44, v44;
	v7 =	vadd.s32 v24, v5;
	v13 =	vadd.f32 v13, v15  }
0x11c: {  	s9 =	smul.f32 $7.812500000e-03, s10;
	s11 =	spop (v2sf);
	v24 =	vld [tilespmem:$0x1FED0];
	v9 =	vadd.f32 v9, v10;
	v12 =	vadd.f32 v42, v12  }
0x11d: {  	s11 =	smul.f32 $7.812500000e-03, s11;
	s21 =	sadd.s32 $0x100, s21;
	v15 =	vld [tilespmem:s8+$0xFFFFFFB0];
	v10 =	vadd.s32 v51, v5;
	v1 =	vadd.f32 v6, v1;
	v6 =	vmul.f32 v45, v45  }
0x11e: {  	s10 =	smul.f32 s9, s9;
	[tilespmem:s21+$0x70] =	vst v13;
	v13 =	vadd.s32 v57, v5;
	v12 =	vadd.f32 v44, v12;
	v8 =	vld.idx.msk [tilespmem:v8+s18+$0x0], $0xffff  }
0x11f: {  	v1 =	vadd.f32 v6, v1;
	v6 =	vmul.f32 v46, v46;
	v20 =	vld.idx.msk [tilespmem:v4+s18+$0x0], $0xffff  }
0x120: {  	s10 =	ssub.f32 s11, s10;
	v3 =	vadd.f32 v3, v14;
	v14 =	vadd.s32 v53, v5;
	v7 =	vld.idx.msk [tilespmem:v7+s18+$0x0], $0xffff;
	v12 =	vadd.f32 v45, v12  }
0x121: {  	v1 =	vadd.f32 v6, v1;
	v6 =	vadd.f32 v11, v16;
	v11 =	vld [tilespmem:s8+$0xFFFFFFD0]  }
0x122: {  	s10 =	sadd.f32 $9.999999960e-13, s10;
	v10 =	vld.idx.msk [tilespmem:v10+s18+$0x0], $0xffff;
	v4 =	vadd.f32 v46, v12  }
0x123: {  	v2 =	vadd.f32 v52, v2;
	v54 =	vmul.f32 v0, v21;
	(xrf2) =	vadd.scan.msk.f32 $0xffff, v1;
	v13 =	vld.idx.msk [tilespmem:v13+s18+$0x0], $0xffff  }
0x124: {  	v56 =	vmul.f32 v0, v60;
	v1 =	vmov s10;
	(xrf2) =	vadd.scan.msk.f32 $0xffff, v4;
	v4 =	vadd.f32 v9, v8;
	v8 =	vld [tilespmem:s15+$0xFFFFFFD0]  }
0x125: {  	v16 =	vadd.s32 v61, v5;
	v12 =	vshrl.u32 v1, $0x1;
	v1 =	vmul.f32 $5.000000000e-01, v1;
	v9 =	vld.idx.msk [tilespmem:v14+s18+$0x0], $0xffff  }
0x126: {  	v58 =	vmul.f32 v0, v22;
	v12 =	vsub.s32 $0x5F3759DF, v12;
	v52 =	vadd.f32 v3, v20;
	v3 =	vld [tilespmem:s8+$0xFFFFFFE0]  }
0x127: {  	v15 =	vadd.f32 v17, v15;
	v17 =	vadd.f32 v19, v18;
	v20 =	vld [tilespmem:$0x1FEE0];
	v18 =	vmul.f32 v12, v1  }
0x128: {  	v57 =	vmul.f32 v0, v23;
	v5 =	vadd.s32 v63, v5;
	v48 =	vadd.f32 v6, v7;
	v6 =	vld [tilespmem:s15+$0xFFFFFFE0]  }
0x129: {  	v55 =	vmul.f32 v0, v24;
	v49 =	vadd.f32 v17, v10;
	v10 =	vld [tilespmem:s8+$0xFFFFFFF0];
	v14 =	vmul.f32 v12, v18  }
0x12a: {  	v19 =	vmul.f32 v4, v4;
	v18 =	vadd.f32 $0.0e+00, v4;
	v50 =	vadd.f32 v15, v13;
	v13 =	vld.idx.msk [tilespmem:v16+s18+$0x0], $0xffff  }
0x12b: {  	v15 =	vmul.f32 v48, v48;
	v16 =	vld [tilespmem:s15+$0xFFFFFFF0];
	v7 =	vsub.f32 $1.500000000e+00, v14;
	v14 =	vmul.f32 v52, v52  }
0x12c: {  	[tilespmem:s22+$0x60] =	vst v2;
	v59 =	vmul.f32 v0, v20;
	v2 =	vadd.f32 v52, v18;
	v8 =	vadd.f32 v8, v11  }
0x12d: {  	v5 =	vld.idx.msk [tilespmem:v5+s18+$0x0], $0xffff;
	v18 =	vmul.f32 v49, v49;
	v3 =	vadd.f32 v6, v3;
	v11 =	vadd.f32 v14, v19  }
0x12e: {  	v2 =	vadd.f32 v48, v2;
	v14 =	vmul.f32 v50, v50;
	v7 =	vmul.f32 v12, v7  }
0x12f: {  	v47 =	vadd.f32 v8, v9;
	v19 =	vld [tilespmem:$0x1FEF0];
	v12 =	vmul.f32 s17, v56;
	v17, _, _ =	vpop (xrf2);
	v51 =	vadd.f32 v3, v13  }
0x130: {  	v9 =	vadd.f32 v16, v10;
	v8 =	vadd.f32 v15, v11;
	v1 =	vmul.f32 v7, v1;
	v6, _, _ =	vpop (xrf2)  }
0x131: {  	v3 =	vmul.f32 s17, v58;
	v16 =	vld [tilespmem:$0x1FF20];
	v2 =	vadd.f32 v50, v2;
	(v2sf) =	vpush v6, $0xF  }
0x132: {  	v53 =	vadd.f32 v9, v5;
	v1 =	vmul.f32 v1, v7;
	(v2sf) =	vpush v17, $0xF  }
0x133: {  	v10 =	vmul.f32 v51, v51;
	v2 =	vadd.f32 v49, v2;
	v8 =	vadd.f32 v14, v8;
	v14 =	vld [tilespmem:$0x1FF10]  }
0x134: {  	v5 =	vmul.f32 s17, v57;
	v61 =	vmul.f32 v0, v19;
	v1 =	vsub.f32 $1.500000000e+00, v1  }
0x135: {  	v0 =	vmul.f32 v47, v47;
	v2 =	vadd.f32 v47, v2;
	v8 =	vadd.f32 v18, v8  }
0x136: {  	v6 =	vmul.f32 s17, v54;
	v63 =	vsub.f32 v16, v3;
	v1 =	vmul.f32 v1, v7  }
0x137: {  	v2 =	vadd.f32 v51, v2;
	v0 =	vadd.f32 v0, v8;
	v7 =	vmul.f32 s17, v55  }
0x138: {  	v18 =	vld [tilespmem:$0x1FF30];
	v8 =	vmul.f32 v53, v53;
	v62 =	vsub.f32 v14, v6;
	v15 =	vmul.f32 v1, v21  }
0x139: {  	v0 =	vadd.f32 v10, v0;
	v6 =	vmul.f32 v1, v22;
	v11 =	vmul.f32 v1, v23;
	v23 =	vld [tilespmem:$0x1FF40]  }
0x13a: {  	v2 =	vadd.f32 v53, v2;
	v13 =	vmul.f32 v1, v60;
	v10 =	vmul.f32 v1, v24;
	v24 =	vld [tilespmem:$0x1FF50]  }
0x13b: {  	v9 =	vmul.f32 v1, v20;
	v3 =	vadd.f32 v8, v0;
	v8 =	vmul.f32 v1, v19  }
0x13c: {  	s14 =	sadd.s32 $0x2, s14;
	(xrf2) =	vadd.scan.msk.f32 $0xffff, v2;
	v2 =	vmul.f32 v1, v25;
	v21 =	vmul.f32 s9, v11  }
0x13d: {  	p1 =	slt.u32 s14, $0x3E;
	v0 =	vsub.f32 v18, v12;
	v22 =	vmul.f32 s9, v10;
	v19 =	vmul.f32 s9, v9  }
.Ltmp0:
0x13e: {  	(xrf2) =	vadd.scan.msk.f32 $0xffff, v3;
	v3 =	vmul.f32 s9, v15;
	v60 =	vsub.f32 v23, v5;
	v5 =	vmul.f32 s9, v6;
	(pc) =	sbr.rel @p1 .LBB2_3-.Ltmp0, $4  }
0x13f: {  	v20 =	vmul.f32 s9, v8;
	v1 =	vsub.f32 v24, v7;
	v7 =	vmul.f32 s9, v13  }
0x140: {  	v17 =	vmul.f32 s9, v2;
	v14 =	vsub.f32 v14, v3;
	v12 =	vsub.f32 v16, v5;
	s10 =	spop (v2sf)  }
0x141: {  	v3 =	vsub.f32 v18, v7;
	v18 =	vmul.f32 s17, v59;
	v16 =	vmul.f32 s17, v61;
	s11 =	spop (v2sf);
	s17 =	smul.f32 $7.812500000e-03, s10  }
0x142: {  	s22 =	smov.u32 s21;
	s8 =	sadd.s32 $0x100, s8;
	v15 =	vmul.f32 v15, v43;
	v43 =	vmovc v4;
	v7 =	vsub.f32 v23, v21;
	v5 =	vsub.f32 v24, v22;
	s9 =	smul.f32 $7.812500000e-03, s11  }
0x143: {  	_ =	sdelay $0x2  }
0x144: {  	v4, _, _ =	vpop (xrf2)  }
0x145: {  	(v2sf) =	vpush v4, $0xF;
	_ =	sdelay $0x1  }
0x146: {  	v4, _, _ =	vpop (xrf2)  }
0x147: {  	(v2sf) =	vpush v4, $0xF;
	_ =	sdelay $0x1  }
0x148: {  	s8 =	smul.f32 s17, s17;
	_ =	sdelay $0x1  }
0x149: {  	s8 =	ssub.f32 s9, s8;
	_ =	sdelay $0x1  }
0x14a: {  	s8 =	sadd.f32 $9.999999960e-13, s8;
	_ =	sdelay $0x1  }
0x14b: {  	v4 =	vmov s8  }
0x14c: {  	v21 =	vshrl.u32 v4, $0x1;
	v4 =	vmul.f32 $5.000000000e-01, v4  }
0x14d: {  	v21 =	vsub.s32 $0x5F3759DF, v21  }
0x14e: {  	v22 =	vmul.f32 v21, v4  }
0x14f: {  	s15 =	spop (v2sf)  }
0x150: {  	v22 =	vmul.f32 v21, v22;
	s8 =	smul.f32 $7.812500000e-03, s15;
	_ =	sdelay $0x1  }
0x151: {  	v22 =	vsub.f32 $1.500000000e+00, v22;
	s10 =	spop (v2sf);
	s16 =	smul.f32 s8, s8  }
0x152: {  	s10 =	smul.f32 $7.812500000e-03, s10  }
0x153: {  	v21 =	vmul.f32 v21, v22;
	v22 =	vld [tilespmem:$0x1FF60]  }
0x154: {  	s9 =	ssub.f32 s10, s16  }
0x155: {  	v25 =	vld [tilespmem:$0x1FF80]  }
0x156: {  	v24 =	vld [tilespmem:$0x1FE50];
	s9 =	sadd.f32 $9.999999960e-13, s9  }
0x157: {  	v6 =	vmul.f32 v6, v31;
	v14 =	vadd.f32 v14, v15  }
0x158: {  	v15 =	vld [tilespmem:$0x1FE60];
	v4 =	vmul.f32 v21, v4;
	v17 =	vsub.f32 v22, v17;
	v22 =	vmov s9  }
0x159: {  	v10 =	vmul.f32 v10, v32;
	v31 =	vshrl.u32 v22, $0x1;
	v22 =	vmul.f32 $5.000000000e-01, v22  }
0x15a: {  	v8 =	vmul.f32 v8, v38;
	v4 =	vmul.f32 v4, v21;
	v31 =	vsub.s32 $0x5F3759DF, v31  }
0x15b: {  	v23 =	vld [tilespmem:$0x1FF70];
	v20 =	vsub.f32 v25, v20;
	v24 =	vmul.f32 v54, v24;
	v38 =	vmul.f32 v31, v22  }
0x15c: {  	v16 =	vsub.f32 v25, v16;
	v54 =	vmovc v25;
	v25 =	vmul.f32 v55, v29;
	v55 =	vld [tilespmem:$0x1FEA0];
	v4 =	vsub.f32 $1.500000000e+00, v4  }
0x15d: {  	v15 =	vmul.f32 v56, v15;
	v56 =	vld [tilespmem:$0x1FE90];
	v32 =	vmul.f32 v31, v38  }
0x15e: {  	v4 =	vmul.f32 v4, v21;
	v21 =	vmul.f32 v57, v30;
	v57 =	vld [tilespmem:$0x1FEB0]  }
0x15f: {  	v13 =	vmul.f32 v13, v34;
	v6 =	vadd.f32 v12, v6;
	v30 =	vsub.f32 $1.500000000e+00, v32;
	v32 =	vld [tilespmem:$0x1FF00];
	[tilespmem:s21+$0xFFFFFF80] =	vst v14  }
0x160: {  	v11 =	vmul.f32 v11, v33;
	v33 =	vmul.f32 v58, v28;
	v58 =	vld [tilespmem:$0x1FEC0]  }
0x161: {  	v9 =	vmul.f32 v9, v36;
	v3 =	vadd.f32 v3, v13;
	v36 =	vld [tilespmem:$0x1FED0];
	[tilespmem:s21+$0xFFFFFF90] =	vst v6  }
0x162: {  	v12 =	vmul.f32 v59, v26;
	v7 =	vadd.f32 v7, v11;
	v19 =	vsub.f32 v23, v19;
	v59 =	vld [tilespmem:$0x1FEE0]  }
0x163: {  	v5 =	vadd.f32 v5, v10;
	v29 =	vmul.f32 v61, v27;
	v61 =	vld [tilespmem:$0x1FEF0];
	[tilespmem:s21+$0xFFFFFFA0] =	vst v3  }
0x164: {  	v2 =	vmul.f32 v2, v39;
	v9 =	vadd.f32 v19, v9;
	v13 =	vmul.f32 v31, v30;
	[tilespmem:s21+$0xFFFFFFB0] =	vst v7  }
0x165: {  	v8 =	vadd.f32 v20, v8;
	[tilespmem:s21+$0xFFFFFFC0] =	vst v5  }
0x166: {  	v2 =	vadd.f32 v17, v2;
	[tilespmem:s21+$0xFFFFFFD0] =	vst v9;
	v19 =	vmul.f32 v13, v22;
	v28 =	vmul.f32 v4, v32  }
0x167: {  	v20 =	vmul.f32 v4, v56;
	v14 =	vadd.f32 v62, v24;
	[tilespmem:s21+$0xFFFFFFE0] =	vst v8  }
0x168: {  	v3 =	vadd.f32 v63, v33;
	v19 =	vmul.f32 v19, v13;
	v11 =	vmul.f32 v28, v46;
	v46 =	vld [tilespmem:$0x1FF60];
	[tilespmem:s21+$0xFFFFFFF0] =	vst v2  }
0x169: {  	v0 =	vadd.f32 v0, v15;
	v17 =	vmul.f32 v4, v57;
	[tilespmem:s21+$0x0] =	vst v14  }
0x16a: {  	v26 =	vmul.f32 s17, v20;
	v5 =	vadd.f32 v60, v21;
	[tilespmem:s21+$0x10] =	vst v3;
	v19 =	vsub.f32 $1.500000000e+00, v19  }
0x16b: {  	v18 =	vsub.f32 v23, v18;
	v7 =	vmul.f32 s17, v17;
	v10 =	vmul.f32 s17, v28;
	[tilespmem:s21+$0x20] =	vst v0  }
0x16c: {  	v1 =	vadd.f32 v1, v25;
	v22 =	vmul.f32 v4, v55;
	v62 =	vld [tilespmem:$0x1FF10];
	[tilespmem:s21+$0x30] =	vst v5;
	v13 =	vmul.f32 v19, v13  }
0x16d: {  	v24 =	vmul.f32 v4, v58;
	v27 =	vmul.f32 v4, v36;
	v31 =	vld [tilespmem:$0x1FF20];
	v8 =	vsub.f32 v46, v10  }
0x16e: {  	v6 =	vmul.f32 v4, v59;
	v2 =	vadd.f32 v18, v12;
	v21 =	vmul.f32 v13, v55  }
0x16f: {  	v4 =	vmul.f32 v4, v61;
	v28 =	vmul.f32 s17, v22;
	[tilespmem:s21+$0x40] =	vst v1;
	v8 =	vadd.f32 v8, v11  }
0x170: {  	v3 =	vadd.f32 v16, v29;
	[tilespmem:s21+$0x50] =	vst v2;
	s21 =	sadd.s32 $0x100, s21;
	v9 =	vmul.f32 v13, v56;
	v16 =	vmul.f32 s8, v21  }
0x171: {  	v10 =	vmul.f32 v13, v57;
	v25 =	vmul.f32 v13, v58;
	[tilespmem:s21+$0x70] =	vst v8  }
0x172: {  	v14 =	vmul.f32 s8, v9;
	v5 =	vsub.f32 v31, v28;
	v2 =	vsub.f32 v31, v16;
	v31 =	vld [tilespmem:$0x1FF30]  }
0x173: {  	v12 =	vmul.f32 v13, v36;
	v18 =	vmul.f32 v13, v59  }
0x174: {  	v11 =	vmul.f32 v13, v61;
	v9 =	vmul.f32 v9, v43;
	v1 =	vsub.f32 v62, v14  }
0x175: {  	v0 =	vsub.f32 v62, v26;
	v13 =	vmul.f32 v13, v32;
	v26 =	vmul.f32 s8, v10;
	[tilespmem:s22+$0x60] =	vst v3  }
0x176: {  	v29 =	vmul.f32 s8, v25;
	v1 =	vadd.f32 v1, v9;
	v9 =	vmul.f32 v25, v50;
	v25 =	vld [tilespmem:$0x1FF50]  }
0x177: {  	v30 =	vmul.f32 s8, v18;
	v10 =	vmul.f32 v10, v48;
	v8 =	vsub.f32 v31, v26;
	v26 =	vld [tilespmem:$0x1FF40]  }
0x178: {  	v28 =	vmul.f32 s8, v12;
	v21 =	vmul.f32 v21, v52  }
0x179: {  	[tilespmem:s21+$0xFFFFFF80] =	vst v1;
	v1 =	vadd.f32 v8, v10;
	v8 =	vsub.f32 v23, v30;
	v10 =	vmul.f32 v18, v47  }
0x17a: {  	v19 =	vmul.f32 s17, v27;
	v16 =	vmul.f32 s8, v13;
	v2 =	vadd.f32 v2, v21  }
0x17b: {  	v21 =	vsub.f32 v25, v28;
	v8 =	vadd.f32 v8, v10;
	v10 =	vmul.f32 v22, v35  }
0x17c: {  	v14 =	vmul.f32 s8, v11;
	[tilespmem:s21+$0xFFFFFFA0] =	vst v1;
	v1 =	vsub.f32 v46, v16;
	v3 =	vsub.f32 v26, v29  }
0x17d: {  	v12 =	vmul.f32 v12, v49;
	[tilespmem:s21+$0xFFFFFFD0] =	vst v8;
	v8 =	vsub.f32 v25, v19;
	v5 =	vadd.f32 v5, v10  }
0x17e: {  	[tilespmem:s21+$0xFFFFFF90] =	vst v2;
	v2 =	vadd.f32 v3, v9;
	v3 =	vsub.f32 v54, v14;
	v9 =	vmul.f32 v11, v51  }
0x17f: {  	v10 =	vmul.f32 v27, v42;
	v11 =	vadd.f32 v21, v12;
	v12 =	vmul.f32 v13, v53;
	[tilespmem:s21+$0x10] =	vst v5  }
0x180: {  	[tilespmem:s21+$0xFFFFFFB0] =	vst v2;
	v2 =	vsub.f32 v31, v7;
	v7 =	vmul.f32 v20, v37;
	v3 =	vadd.f32 v3, v9  }
0x181: {  	v15 =	vmul.f32 s17, v24;
	v5 =	vadd.f32 v8, v10;
	[tilespmem:s21+$0xFFFFFFC0] =	vst v11;
	v1 =	vadd.f32 v1, v12  }
0x182: {  	v11 =	vmul.f32 v17, v40;
	v0 =	vadd.f32 v0, v7;
	[tilespmem:s21+$0xFFFFFFE0] =	vst v3;
	v3 =	vmul.f32 s17, v6  }
0x183: {  	v9 =	vsub.f32 v26, v15;
	v7 =	vmul.f32 v24, v41;
	[tilespmem:s21+$0xFFFFFFF0] =	vst v1;
	v1 =	vmul.f32 s17, v4  }
0x184: {  	v2 =	vadd.f32 v2, v11;
	[tilespmem:s21+$0x0] =	vst v0;
	v0 =	vsub.f32 v23, v3;
	v3 =	vmul.f32 v6, v44  }
0x185: {  	[tilespmem:s21+$0x40] =	vst v5;
	v4 =	vmul.f32 v4, v45;
	v6 =	vadd.f32 v9, v7;
	v1 =	vsub.f32 v54, v1  }
0x186: {  	s10 =	sshll.u32 s3, $0xE;
	[tilespmem:s21+$0x20] =	vst v2;
	v0 =	vadd.f32 v0, v3  }
0x187: {  	s8 =	sadd.s32 s12, s10;
	[tilespmem:s21+$0x30] =	vst v6;
	v1 =	vadd.f32 v1, v4  }
0x188: {  	s8 =	sshrl.u32 s8, $0x3;
	[tilespmem:s21+$0x50] =	vst v0  }
0x189: {  	p1 =	seq.s32 s3, $0x31;
	s8 =	sadd.s32 s6, s8;
	[tilespmem:s21+$0x60] =	vst v1  }
0x18a: {  	[hbm4b:s8+s7] =	stream.linear.scatter [tilespmem:s26], [sflag:$0x3], $0x2000, $0x38;
	[tilespmem:$0x1D480] =	vst v63  }
0x18b: {  	s8 =	sshll.u32 @!p1 s3, $0x7  }
0x18c: {  	s11 =	simm.s32 @!p1 $0x4B80;
	s10 =	simm.s32 @!p1 $0x40;
	s9 =	sadd.s32 @!p1 $0x80, s8  }
0x18d: {  	[tilespmem:s11], [sflag:$0x1] =	stream.indirect.gather @!p1 [hbm4b:s1+s10], $0x80, s9, s10, $0xb8;
	[tilespmem:$0x1D480] =	vst v63  }
0x18e: {  	s8 =	sadd.s32 @!p1 $0x1980, s8;
	s9 =	simm.s32 @!p1 $0x8B80  }
0x18f: {  	[tilespmem:s9], [sflag:$0x1] =	stream.indirect.gather @!p1 [hbm4b:s2+s10], $0x80, s8, s10, $0xb8;
	[tilespmem:$0x1D480] =	vst v63  }
0x190: {  	_ =	swait.ge [sflag:s23], $0x2000  }
0x191: {  	[sflag:s23] =	ssyncset.done $0x0  }
0x192: {  	[sflag:s23] =	ssyncadd.s32 $0xFFFFE000  }
0x193: {  	_ =	swait.ge [sflag:s23], $0x2000  }
0x194: {  	[sflag:s23] =	ssyncset.done $0x0  }
0x195: {  	s8 =	simm.s32 @!p0 $0x4;
	[sflag:s23] =	ssyncadd.s32 $0xFFFFE000  }
0x196: {  	_ =	swait.ge @!p0 [sflag:s8], $0x2000  }
0x197: {  	v24 =	vld [tilespmem:$0x1FFA0]  }
0x198: {  	v23 =	vld [tilespmem:$0x1FF90]  }
0x199: {  	v49 =	vld [tilespmem:$0x1FFE0]  }
0x19a: {  	v51 =	vmov v46;
	v46 =	vld [tilespmem:$0x1FFB0]  }
0x19b: {  	v48 =	vld [tilespmem:$0x1FFD0]  }
0x19c: {  	[sflag:s8] =	ssyncset.done @!p0 $0x0;
	v47 =	vld [tilespmem:$0x1FFC0]  }
0x19d: {  	s11 =	simm.s32 $0x6C70;
	v52 =	vld [tilespmem:$0x1FFF0];
	[sflag:s8] =	ssyncadd.s32 @!p0 $0xFFFFE000  }
0x19e: {  	v0 =	vld [tilespmem:s11+$0x0]  }
0x19f: {  	v1 =	vld.msk [tilespmem:s0+$0x0 ss:$0x0], $0xffff  }
0x1a0: {  	v2 =	vld [tilespmem:s11+$0xFFFFFFF0]  }
0x1a1: {  	v3 =	vld [tilespmem:s11+$0xFFFFFFE0]  }
0x1a2: {  	v4 =	vld [tilespmem:s11+$0xFFFFFFD0]  }
0x1a3: {  	v5 =	vld [tilespmem:s11+$0xFFFFFFC0]  }
0x1a4: {  	s14 =	simm.s32 $0xAC70;
	v6 =	vld [tilespmem:s11+$0xFFFFFFB0]  }
0x1a5: {  	v8 =	vld [tilespmem:s14+$0xFFFFFFB0]  }
0x1a6: {  	v45 =	vlaneseq.u32;
	v10 =	vld [tilespmem:s11+$0xFFFFFFA0];
	v7 =	vadd.s32 v24, v1  }
0x1a7: {  	v11 =	vld [tilespmem:s14+$0xFFFFFFA0];
	v9 =	vadd.s32 v45, v1  }
0x1a8: {  	v12 =	vld [tilespmem:s11+$0xFFFFFF90]  }
0x1a9: {  	v14 =	vld [tilespmem:s14+$0xFFFFFF90];
	v13 =	vadd.s32 v23, v1  }
0x1aa: {  	v16 =	vld [tilespmem:s14+$0xFFFFFFC0]  }
0x1ab: {  	v15 =	vadd.s32 v49, v1;
	v7 =	vld.idx.msk [tilespmem:v7+s18+$0x0], $0xffff  }
0x1ac: {  	v17 =	vadd.s32 v46, v1;
	v9 =	vld.idx.msk [tilespmem:v9+s18+$0x0], $0xffff  }
0x1ad: {  	v18 =	vld [tilespmem:s14+$0xFFFFFFD0]  }
0x1ae: {  	v19 =	vadd.s32 v48, v1;
	v12 =	vadd.f32 v14, v12;
	v13 =	vld.idx.msk [tilespmem:v13+s18+$0x0], $0xffff  }
0x1af: {  	v10 =	vadd.f32 v11, v10;
	v6 =	vadd.f32 v8, v6;
	v8 =	vld [tilespmem:s14+$0xFFFFFFE0]  }
0x1b0: {  	v14 =	vadd.s32 v47, v1;
	v11 =	vld.idx.msk [tilespmem:v15+s18+$0x0], $0xffff  }
0x1b1: {  	v1 =	vadd.s32 v52, v1;
	v15 =	vadd.f32 v12, v9;
	v20 =	vadd.f32 v10, v7;
	v7 =	vld.idx.msk [tilespmem:v17+s18+$0x0], $0xffff  }
0x1b2: {  	v9 =	vld [tilespmem:s14+$0xFFFFFFF0]  }
0x1b3: {  	v5 =	vadd.f32 v16, v5;
	v16 =	vadd.f32 v6, v13;
	v6 =	vld.idx.msk [tilespmem:v19+s18+$0x0], $0xffff;
	[tilespmem:$0x1FE20] =	vst v15  }
0x1b4: {  	v10 =	vmul.f32 v15, v15;
	v12 =	vmul.f32 v20, v20;
	v13 =	vadd.f32 $0.0e+00, v15;
	v15 =	vld [tilespmem:s14+$0x0]  }
0x1b5: {  	v4 =	vadd.f32 v18, v4;
	v3 =	vadd.f32 v8, v3  }
0x1b6: {  	v17 =	vadd.f32 v5, v11;
	v1 =	vld.idx.msk [tilespmem:v1+s18+$0x0], $0xffff;
	v10 =	vadd.f32 v12, v10;
	v12 =	vmul.f32 v16, v16  }
0x1b7: {  	v5 =	vld.idx.msk [tilespmem:v14+s18+$0x0], $0xffff;
	v8 =	vadd.f32 v20, v13;
	v2 =	vadd.f32 v9, v2  }
0x1b8: {  	v11 =	vmul.f32 v17, v17;
	v10 =	vadd.f32 v12, v10;
	v12 =	vadd.f32 v4, v7  }
0x1b9: {  	v4 =	vadd.f32 v16, v8;
	v0 =	vadd.f32 v15, v0  }
0x1ba: {  	v9 =	vadd.f32 v3, v6;
	v7 =	vadd.f32 v11, v10;
	v8 =	vmul.f32 v12, v12  }
0x1bb: {  	v3 =	vadd.f32 v17, v4;
	v0 =	vadd.f32 v0, v1;
	v1 =	vld.msk [tilespmem:s0+$0xFFFFFFFF ss:$0x0], $0xffff  }
0x1bc: {  	v6 =	vmul.f32 v9, v9;
	v4 =	vadd.f32 v8, v7;
	v7 =	vadd.f32 v2, v5  }
0x1bd: {  	v2 =	vadd.f32 v12, v3  }
0x1be: {  	v3 =	vadd.f32 v6, v4;
	v4 =	vmul.f32 v7, v7  }
0x1bf: {  	v5 =	vld [tilespmem:s11+$0xFFFFFF10];
	v2 =	vadd.f32 v9, v2;
	[tilespmem:$0x1FE30] =	vst v7  }
0x1c0: {  	v6 =	vld [tilespmem:s14+$0xFFFFFF10];
	v3 =	vadd.f32 v4, v3;
	v4 =	vmul.f32 v0, v0;
	v8 =	vadd.s32 v45, v1  }
0x1c1: {  	v26 =	vmov v9;
	v9 =	vld [tilespmem:s11+$0xFFFFFF30];
	v2 =	vadd.f32 v7, v2  }
0x1c2: {  	v10 =	vld [tilespmem:s11+$0xFFFFFF40];
	v3 =	vadd.f32 v4, v3  }
0x1c3: {  	v11 =	vld [tilespmem:s14+$0xFFFFFF40];
	v2 =	vadd.f32 v0, v2  }
0x1c4: {  	v30 =	vmov v12;
	v14 =	vld [tilespmem:s11+$0xFFFFFF50];
	v12 =	vadd.s32 v23, v1;
	(xrf2) =	vadd.scan.msk.f32 $0xffff, v3  }
0x1c5: {  	v3 =	vadd.s32 v24, v1;
	(xrf2) =	vadd.scan.msk.f32 $0xffff, v2;
	v8 =	vld.idx.msk [tilespmem:v8+s18+$0x0], $0xffff  }
0x1c6: {  	v7 =	vld [tilespmem:s14+$0xFFFFFF20]  }
0x1c7: {  	v2 =	vld [tilespmem:s14+$0xFFFFFF30]  }
0x1c8: {  	v13 =	vadd.s32 v49, v1;
	v4 =	vld [tilespmem:s11+$0xFFFFFF20];
	v5 =	vadd.f32 v6, v5  }
0x1c9: {  	v15 =	vadd.s32 v46, v1;
	v12 =	vld.idx.msk [tilespmem:v12+s18+$0x0], $0xffff  }
0x1ca: {  	v6 =	vld.idx.msk [tilespmem:v3+s18+$0x0], $0xffff;
	v3 =	vadd.f32 v5, v8  }
0x1cb: {  	v28 =	vmov v16;
	v16 =	vld [tilespmem:s14+$0xFFFFFF50]  }
0x1cc: {  	v18 =	vld [tilespmem:s11+$0xFFFFFF60];
	v2 =	vadd.f32 v2, v9;
	[tilespmem:$0x1FE40] =	vst v3  }
0x1cd: {  	v27 =	vmov v17;
	v17 =	vadd.s32 v48, v1;
	v4 =	vadd.f32 v7, v4;
	v7 =	vld.idx.msk [tilespmem:v13+s18+$0x0], $0xffff  }
0x1ce: {  	v9 =	vadd.s32 v47, v1;
	v33 =	vadd.f32 v2, v12;
	v5, _, _ =	vpop (xrf2);
	v13 =	vld.idx.msk [tilespmem:v15+s18+$0x0], $0xffff  }
0x1cf: {  	v15 =	vadd.f32 $0.0e+00, v3;
	v31 =	vadd.f32 v4, v6;
	v6 =	vld [tilespmem:s11+$0xFFFFFF70];
	v8, _, _ =	vpop (xrf2)  }
0x1d0: {  	v4 =	vadd.f32 v11, v10;
	(v2sf) =	vpush v8, $0xF;
	v8 =	vld [tilespmem:s14+$0xFFFFFF60]  }
0x1d1: {  	v1 =	vadd.s32 v52, v1;
	v12 =	vld [tilespmem:s14+$0xFFFFFF70];
	v2 =	vadd.f32 v31, v15;
	(v2sf) =	vpush v5, $0xF  }
0x1d2: {  	v10 =	vadd.f32 v16, v14;
	v11 =	vmul.f32 v3, v3;
	v14 =	vmul.f32 v31, v31;
	v5 =	vld.idx.msk [tilespmem:v17+s18+$0x0], $0xffff  }
0x1d3: {  	v2 =	vadd.f32 v33, v2;
	v34 =	vadd.f32 v4, v7;
	v4 =	vld.idx.msk [tilespmem:v9+s18+$0x0], $0xffff  }
0x1d4: {  	v60 =	vmov v32;
	v32 =	vadd.f32 v10, v13;
	v10 =	vadd.f32 v14, v11;
	v11 =	vld [tilespmem:s14+$0xFFFFFF80]  }
0x1d5: {  	v9 =	vmul.f32 v33, v33;
	v7 =	vadd.f32 v8, v18;
	v8 =	vld [tilespmem:s11+$0xFFFFFF80]  }
0x1d6: {  	v63 =	vmov v36;
	v6 =	vadd.f32 v12, v6;
	v2 =	vadd.f32 v34, v2  }
0x1d7: {  	v1 =	vld.idx.msk [tilespmem:v1+s18+$0x0], $0xffff;
	v36 =	vadd.f32 v7, v5;
	v5 =	vmul.f32 v34, v34;
	v7 =	vadd.f32 v9, v10  }
0x1d8: {  	v2 =	vadd.f32 v32, v2  }
0x1d9: {  	v9 =	vmul.f32 v32, v32;
	v37 =	vadd.f32 v6, v4;
	v5 =	vadd.f32 v5, v7  }
0x1da: {  	v2 =	vadd.f32 v36, v2;
	v4 =	vadd.f32 v11, v8  }
0x1db: {  	v5 =	vadd.f32 v9, v5  }
0x1dc: {  	v6 =	vmul.f32 v36, v36;
	v2 =	vadd.f32 v37, v2;
	v38 =	vadd.f32 v4, v1  }
0x1dd: {  	s9 =	simm.s32 $0x6D70  }
0x1de: {  	v15 =	vld [tilespmem:s9+$0xFFFFFFA0];
	v1 =	vmul.f32 v37, v37;
	v4 =	vadd.f32 v6, v5;
	v2 =	vadd.f32 v38, v2  }
0x1df: {  	v18 =	vld [tilespmem:s9+$0xFFFFFF90];
	s15 =	spop (v2sf)  }
0x1e0: {  	v7 =	vld [tilespmem:s9+$0xFFFFFFE0];
	v1 =	vadd.f32 v1, v4;
	v4 =	vmul.f32 v38, v38;
	s8 =	smul.f32 $7.812500000e-03, s15;
	s16 =	spop (v2sf);
	(xrf2) =	vadd.scan.msk.f32 $0xffff, v2  }
0x1e1: {  	v8 =	vld [tilespmem:s9+$0xFFFFFFC0];
	s10 =	smul.f32 $7.812500000e-03, s16;
	s16 =	sadd.s32 $0x2, s0  }
0x1e2: {  	v1 =	vadd.f32 v4, v1;
	s17 =	smul.f32 s8, s8;
	v2 =	vld.msk [tilespmem:s16+$0x0 ss:$0x0], $0xffff  }
0x1e3: {  	v9 =	vld [tilespmem:s9+$0xFFFFFFB0]  }
0x1e4: {  	v5 =	vld [tilespmem:s9+$0x0];
	s15 =	simm.s32 $0xAD70;
	(xrf2) =	vadd.scan.msk.f32 $0xffff, v1;
	s10 =	ssub.f32 s10, s17  }
0x1e5: {  	v6 =	vld [tilespmem:s15+$0x0]  }
0x1e6: {  	v4 =	vld [tilespmem:s9+$0xFFFFFFF0];
	s10 =	sadd.f32 $9.999999960e-13, s10  }
0x1e7: {  	v12 =	vld [tilespmem:s15+$0xFFFFFFB0];
	v11 =	vadd.s32 v24, v2  }
0x1e8: {  	v16 =	vld [tilespmem:s15+$0xFFFFFFA0];
	v14 =	vadd.s32 v45, v2;
	v10 =	vmov s10  }
0x1e9: {  	v21 =	vld [tilespmem:s15+$0xFFFFFF90];
	v13 =	vshrl.u32 v10, $0x1;
	v10 =	vmul.f32 $5.000000000e-01, v10  }
0x1ea: {  	v29 =	vmov v20;
	v53 =	vld [tilespmem:s15+$0xFFFFFFC0];
	v19 =	vadd.s32 v23, v2;
	v13 =	vsub.s32 $0x5F3759DF, v13;
	v20, _, _ =	vpop (xrf2)  }
0x1eb: {  	v1 =	vld [tilespmem:s9+$0xFFFFFFD0];
	v17 =	vmul.f32 v13, v10;
	(v2sf) =	vpush v20, $0xF;
	v20 =	vadd.s32 v49, v2  }
0x1ec: {  	v11 =	vld.idx.msk [tilespmem:v11+s18+$0x0], $0xffff  }
0x1ed: {  	v54 =	vadd.s32 v46, v2;
	v14 =	vld.idx.msk [tilespmem:v14+s18+$0x0], $0xffff;
	v17 =	vmul.f32 v13, v17  }
0x1ee: {  	v9 =	vadd.f32 v12, v9;
	v12 =	vld [tilespmem:s15+$0xFFFFFFE0];
	v22, _, _ =	vpop (xrf2)  }
0x1ef: {  	v19 =	vld.idx.msk [tilespmem:v19+s18+$0x0], $0xffff;
	(v2sf) =	vpush v22, $0xF;
	v22 =	vadd.s32 v48, v2;
	v17 =	vsub.f32 $1.500000000e+00, v17  }
0x1f0: {  	v18 =	vadd.f32 v21, v18;
	v15 =	vadd.f32 v16, v15;
	v16 =	vld.idx.msk [tilespmem:v20+s18+$0x0], $0xffff  }
0x1f1: {  	v8 =	vadd.f32 v53, v8;
	v20 =	vadd.s32 v47, v2;
	v13 =	vmul.f32 v13, v17;
	v17 =	vld [tilespmem:s15+$0xFFFFFFD0]  }
0x1f2: {  	v39 =	vadd.f32 v18, v14;
	v35 =	vadd.f32 v15, v11;
	v11 =	vld.idx.msk [tilespmem:v54+s18+$0x0], $0xffff  }
0x1f3: {  	v7 =	vadd.f32 v12, v7;
	v2 =	vadd.s32 v52, v2;
	v14 =	vld [tilespmem:s15+$0xFFFFFFF0];
	v10 =	vmul.f32 v13, v10  }
0x1f4: {  	v40 =	vadd.f32 v9, v19;
	v15 =	vmul.f32 v39, v39;
	v18 =	vmul.f32 v35, v35;
	v9 =	vld.idx.msk [tilespmem:v22+s18+$0x0], $0xffff  }
0x1f5: {  	v19 =	vld.msk [tilespmem:s16+$0xFFFFFFFF ss:$0x0], $0xffff;
	v10 =	vmul.f32 v10, v13;
	v41 =	vadd.f32 v8, v16;
	v16 =	vadd.f32 $0.0e+00, v39  }
0x1f6: {  	v15 =	vadd.f32 v18, v15;
	v8 =	vld.idx.msk [tilespmem:v20+s18+$0x0], $0xffff;
	v1 =	vadd.f32 v17, v1;
	v17 =	vmul.f32 v40, v40  }
0x1f7: {  	v18 =	vld [tilespmem:s9+$0xFFFFFF50];
	v10 =	vsub.f32 $1.500000000e+00, v10;
	v16 =	vadd.f32 v35, v16  }
0x1f8: {  	v20 =	vld [tilespmem:s15+$0xFFFFFF50];
	v12 =	vadd.f32 v17, v15;
	v15 =	vmul.f32 v41, v41;
	v42 =	vadd.f32 v1, v11  }
0x1f9: {  	v4 =	vadd.f32 v14, v4;
	v14 =	vld [tilespmem:s9+$0xFFFFFF20];
	v43 =	vadd.f32 v7, v9;
	v10 =	vmul.f32 v10, v13  }
0x1fa: {  	v1 =	vld.idx.msk [tilespmem:v2+s18+$0x0], $0xffff;
	v9 =	vadd.f32 v40, v16;
	v12 =	vadd.f32 v15, v12;
	v15 =	vmul.f32 v42, v42  }
0x1fb: {  	v5 =	vadd.f32 v6, v5;
	v11 =	vld [tilespmem:s15+$0xFFFFFF10];
	s21 =	spop (v2sf);
	v44 =	vadd.f32 v4, v8;
	v2 =	vmul.f32 v10, v60  }
0x1fc: {  	v7 =	vld [tilespmem:s15+$0xFFFFFF20];
	s14 =	smul.f32 $7.812500000e-03, s21;
	v8 =	vadd.f32 v41, v9;
	v12 =	vadd.f32 v15, v12;
	v15 =	vmul.f32 v43, v43  }
0x1fd: {  	v13 =	vld [tilespmem:s9+$0xFFFFFF10];
	v6 =	vmul.f32 s8, v2;
	v0 =	vmul.f32 v2, v0;
	v2 =	vadd.s32 v45, v19  }
0x1fe: {  	v16 =	vld [tilespmem:s9+$0xFFFFFF30];
	s10 =	smul.f32 s14, s14;
	s22 =	spop (v2sf);
	v8 =	vadd.f32 v42, v8;
	v12 =	vadd.f32 v15, v12;
	v15 =	vmul.f32 v44, v44  }
0x1ff: {  	v4 =	vld [tilespmem:s15+$0xFFFFFF30];
	v45 =	vadd.f32 v5, v1;
	v1 =	vadd.s32 v24, v19;
	s11 =	smul.f32 $7.812500000e-03, s22;
	v6 =	vsub.f32 v51, v6  }
0x200: {  	v17 =	vadd.s32 v49, v19;
	v9 =	vld [tilespmem:s9+$0xFFFFFF40];
	v8 =	vadd.f32 v43, v8;
	v12 =	vadd.f32 v15, v12  }
0x201: {  	v5 =	vld [tilespmem:s15+$0xFFFFFF40];
	s10 =	ssub.f32 s11, s10;
	v15 =	vmul.f32 v45, v45;
	v6 =	vadd.f32 v6, v0;
	v0 =	vadd.s32 v23, v19  }
0x202: {  	v11 =	vadd.f32 v11, v13;
	v13 =	vadd.s32 v46, v19;
	v2 =	vld.idx.msk [tilespmem:v2+s18+$0x0], $0xffff  }
0x203: {  	v54 =	vmul.f32 v10, v57;
	v8 =	vadd.f32 v44, v8;
	s10 =	sadd.f32 $9.999999960e-13, s10;
	v12 =	vadd.f32 v15, v12;
	v15 =	vld [tilespmem:s9+$0xFFFFFF60]  }
0x204: {  	v53 =	vmul.f32 v10, v63;
	v7 =	vadd.f32 v7, v14;
	v14 =	vadd.s32 v48, v19;
	v1 =	vld.idx.msk [tilespmem:v1+s18+$0x0], $0xffff  }
0x205: {  	v4 =	vadd.f32 v4, v16;
	v8 =	vadd.f32 v45, v8;
	v21 =	vmov s10;
	(xrf2) =	vadd.scan.msk.f32 $0xffff, v12;
	v12 =	vld.idx.msk [tilespmem:v17+s18+$0x0], $0xffff  }
0x206: {  	v16 =	vadd.s32 v47, v19;
	v22 =	vshrl.u32 v21, $0x1;
	v21 =	vmul.f32 $5.000000000e-01, v21;
	v0 =	vld.idx.msk [tilespmem:v0+s18+$0x0], $0xffff  }
0x207: {  	v23 =	vmovc v59;
	v59 =	vmul.f32 v10, v59;
	v13 =	vld.idx.msk [tilespmem:v13+s18+$0x0], $0xffff;
	(xrf2) =	vadd.scan.msk.f32 $0xffff, v8;
	v17 =	vsub.s32 $0x5F3759DF, v22  }
0x208: {  	v5 =	vadd.f32 v5, v9;
	v8 =	vmul.f32 v17, v21;
	v46 =	vadd.f32 v11, v2;
	v2 =	vld [tilespmem:s15+$0xFFFFFF60]  }
0x209: {  	v9 =	vadd.s32 v52, v19;
	v52 =	vmul.f32 v10, v56;
	v11 =	vadd.f32 v20, v18  }
0x20a: {  	v14 =	vld.idx.msk [tilespmem:v14+s18+$0x0], $0xffff;
	v22 =	vmovc v57;
	v57 =	vadd.f32 v7, v1;
	v8 =	vmul.f32 v17, v8;
	v18 =	vadd.f32 $0.0e+00, v46  }
0x20b: {  	v7 =	vld [tilespmem:s9+$0xFFFFFF70];
	v1 =	vmul.f32 v46, v46;
	v51 =	vadd.f32 v5, v12;
	v49 =	vadd.f32 v4, v0  }
0x20c: {  	v0 =	vsub.f32 $1.500000000e+00, v8;
	v4 =	vld [tilespmem:s15+$0xFFFFFF70];
	v8 =	vadd.f32 v57, v18;
	v18 =	vmul.f32 v57, v57  }
0x20d: {  	v3 =	vmovc v56;
	v56 =	vmul.f32 v10, v55;
	v50 =	vadd.f32 v11, v13;
	v2 =	vadd.f32 v2, v15  }
0x20e: {  	v11 =	vmul.f32 v49, v49;
	v1 =	vadd.f32 v18, v1;
	v0 =	vmul.f32 v17, v0  }
0x20f: {  	v19 =	vmov v55;
	v55 =	vmul.f32 v10, v58;
	v5 =	vld.idx.msk [tilespmem:v16+s18+$0x0], $0xffff;
	v13 =	vmul.f32 v51, v51  }
0x210: {  	v12 =	vld [tilespmem:s9+$0xFFFFFF80];
	v47 =	vadd.f32 v2, v14;
	v14, _, _ =	vpop (xrf2);
	v1 =	vadd.f32 v11, v1;
	v11 =	vmul.f32 v0, v21  }
0x211: {  	v15 =	vmul.f32 v50, v50;
	v8 =	vadd.f32 v49, v8;
	v2 =	vld [tilespmem:s15+$0xFFFFFF80];
	v4 =	vadd.f32 v4, v7;
	v7, _, _ =	vpop (xrf2)  }
0x212: {  	(v2sf) =	vpush v7, $0xF;
	v1 =	vadd.f32 v13, v1;
	v11 =	vmul.f32 v11, v0  }
0x213: {  	v9 =	vld.idx.msk [tilespmem:v9+s18+$0x0], $0xffff;
	v16 =	vmovc v61;
	v61 =	vmul.f32 v10, v61;
	v8 =	vadd.f32 v51, v8;
	(v2sf) =	vpush v14, $0xF  }
0x214: {  	v10 =	vmul.f32 v47, v47;
	v1 =	vadd.f32 v15, v1;
	v11 =	vsub.f32 $1.500000000e+00, v11  }
0x215: {  	v18 =	vld [tilespmem:$0x1FF20];
	v8 =	vadd.f32 v50, v8;
	v7 =	vmul.f32 s8, v52;
	v48 =	vadd.f32 v4, v5  }
0x216: {  	v2 =	vadd.f32 v2, v12;
	v1 =	vadd.f32 v10, v1;
	v10 =	vmul.f32 v11, v0  }
0x217: {  	v4 =	vmul.f32 s8, v56;
	v5 =	vmul.f32 s8, v54;
	v8 =	vadd.f32 v47, v8  }
0x218: {  	v20 =	vmovc v58;
	v14 =	vmul.f32 s8, v53;
	v58 =	vadd.f32 v2, v9;
	v17 =	vmul.f32 v10, v3;
	v3 =	vld [tilespmem:$0x1FF30]  }
0x219: {  	v24 =	vmovc v62;
	v62 =	vsub.f32 v62, v7;
	v12 =	vmul.f32 v48, v48;
	v8 =	vadd.f32 v48, v8  }
0x21a: {  	v2 =	vmul.f32 s8, v55;
	v0 =	vsub.f32 v18, v4;
	v9 =	vmul.f32 v58, v58  }
0x21b: {  	v7 =	vadd.f32 v12, v1;
	v1 =	vmul.f32 v10, v19;
	v13 =	vmul.f32 v10, v22  }
0x21c: {  	v15 =	vadd.f32 v58, v8;
	v12 =	vmul.f32 v10, v20;
	v11 =	vmul.f32 v10, v63  }
0x21d: {  	s21 =	simm.s32 $0xEC70;
	v21 =	vmul.f32 s14, v13;
	v63 =	vsub.f32 v3, v5;
	v5 =	vmul.f32 s14, v17  }
0x21e: {  	v8 =	vmul.f32 v10, v60;
	v4 =	vadd.f32 v9, v7;
	v7 =	vmul.f32 v10, v23;
	v23 =	vld [tilespmem:$0x1FF40];
	[tilespmem:s21+$0x0] =	vst v6  }
0x21f: {  	v9 =	vmul.f32 v10, v16;
	v16 =	vsub.f32 v24, v5;
	v5 =	vsub.f32 v3, v21;
	v3 =	vld [tilespmem:$0x1FE40]  }
0x220: {  	v10 =	vmul.f32 s14, v1;
	v22 =	vmul.f32 s14, v12  }
0x221: {  	v60 =	vsub.f32 v25, v14;
	(xrf2) =	vadd.scan.msk.f32 $0xffff, v15;
	v15 =	vmul.f32 s8, v61;
	v19 =	vmul.f32 s14, v7  }
0x222: {  	v14 =	vsub.f32 v18, v10;
	v20 =	vmul.f32 s14, v9;
	v24 =	vmul.f32 s14, v11;
	s17 =	spop (v2sf)  }
0x223: {  	v18 =	vmul.f32 s14, v8;
	v2 =	vsub.f32 v23, v2;
	s14 =	simm.s32 $0x2;
	v10 =	vsub.f32 v23, v22;
	s17 =	smul.f32 $7.812500000e-03, s17;
	s22 =	spop (v2sf)  }
0x224: {  	(xrf2) =	vadd.scan.msk.f32 $0xffff, v4;
	v6 =	vsub.f32 v25, v24;
	s9 =	smul.f32 $7.812500000e-03, s22;
	s22 =	simm.s32 $0xEC70;
	v21 =	vmul.f32 v17, v3;
	v17 =	vmul.f32 s8, v59;
	s8 =	simm.s32 $0x6E70  }
.LBB2_5:
0x225: {  	v4 =	vld [tilespmem:s8+$0x0]  }
0x226: {  	v3 =	vld [tilespmem:$0x1FF70]  }
0x227: {  	v25 =	vld [tilespmem:$0x1FF80]  }
0x228: {  	v24 =	vld [tilespmem:$0x1FF60]  }
0x229: {  	v13 =	vmul.f32 v13, v33;
	v33 =	vmov v49;
	v49 =	vld [tilespmem:s8+$0xFFFFFFC0]  }
0x22a: {  	v11 =	vmul.f32 v11, v32;
	v32 =	vmov v50;
	v50 =	vmul.f32 v53, v30;
	v53 =	vld [tilespmem:s8+$0xFFFFFFA0]  }
0x22b: {  	v9 =	vmul.f32 v9, v37;
	v37 =	vmov v48;
	v48 =	vld [tilespmem:$0x1FFB0]  }
0x22c: {  	s15 =	sadd.s32 $0x100, s15;
	v8 =	vmul.f32 v8, v38;
	v38 =	vmov v58;
	v58 =	vld [tilespmem:$0x1FFD0]  }
0x22d: {  	v22 =	vmul.f32 v1, v31;
	v31 =	vmov v57;
	s16 =	sadd.s32 $0x2, s16;
	v57 =	vld [tilespmem:s15+$0x0]  }
0x22e: {  	v23 =	vld.msk [tilespmem:s16+$0x0 ss:$0x0], $0xffff;
	v1, _, _ =	vpop (xrf2)  }
0x22f: {  	v12 =	vmul.f32 v12, v34;
	v30 =	vmovc v42;
	v42 =	vld [tilespmem:s15+$0xFFFFFFB0];
	v14 =	vadd.f32 v14, v22;
	(v2sf) =	vpush v1, $0xF  }
0x230: {  	s10 =	smul.f32 s17, s17;
	v22 =	vld [tilespmem:s8+$0xFFFFFFD0];
	v1 =	vsub.f32 v25, v15;
	v15 =	vadd.f32 v16, v21  }
0x231: {  	v10 =	vadd.f32 v10, v12;
	v12 =	vld [tilespmem:s8+$0xFFFFFF90]  }
0x232: {  	s9 =	ssub.f32 s9, s10;
	[tilespmem:s21+$0xFFFFFF10] =	vst v15;
	v15 =	vld [tilespmem:$0x1FE20]  }
0x233: {  	v5 =	vadd.f32 v5, v13;
	v6 =	vadd.f32 v6, v11;
	v11 =	vld [tilespmem:s15+$0xFFFFFF90]  }
0x234: {  	[tilespmem:s21+$0xFFFFFF20] =	vst v14;
	v19 =	vsub.f32 v3, v19;
	v17 =	vsub.f32 v3, v17;
	v3 =	vld [tilespmem:s8+$0xFFFFFFF0];
	v16 =	vmul.f32 v7, v36;
	s9 =	sadd.f32 $9.999999960e-13, s9  }
0x235: {  	[tilespmem:s21+$0xFFFFFF30] =	vst v5;
	v20 =	vsub.f32 v25, v20;
	v25 =	vmov v39;
	v39 =	vmul.f32 v55, v27;
	v55 =	vld [tilespmem:$0x1FF90]  }
0x236: {  	v14 =	vmul.f32 v54, v28;
	v28 =	vmovc v40;
	v7 =	vld [tilespmem:s8+$0xFFFFFFE0];
	[tilespmem:$0x1FE20] =	vst v25;
	v25 =	vmov s9;
	v5 =	vadd.f32 v19, v16  }
0x237: {  	v21, _, _ =	vpop (xrf2);
	v40 =	vmul.f32 $5.000000000e-01, v25;
	v15 =	vmul.f32 v52, v15;
	v52 =	vshrl.u32 v25, $0x1;
	v25 =	vld [tilespmem:$0x1FE30]  }
0x238: {  	(v2sf) =	vpush v21, $0xF;
	v21 =	vmul.f32 v56, v29;
	v56 =	vld [tilespmem:$0x1FFA0]  }
0x239: {  	v34 =	vmov v51;
	[tilespmem:s21+$0xFFFFFF60] =	vst v5;
	v5 =	vadd.f32 v63, v14;
	v14 =	vld [tilespmem:s15+$0xFFFFFFD0];
	v51 =	vsub.s32 $0x5F3759DF, v52  }
0x23a: {  	v29 =	vmov v35;
	v35 =	vld [tilespmem:s8+$0xFFFFFFB0];
	v13 =	vadd.s32 v55, v23;
	v54 =	vmul.f32 v51, v40  }
0x23b: {  	v63 =	vld [tilespmem:$0x1FFF0]  }
0x23c: {  	v36 =	vmov v47;
	v47 =	vmul.f32 v61, v25;
	v61 =	vmul.f32 v51, v54;
	v54 =	vld [tilespmem:$0x1FFE0]  }
0x23d: {  	[tilespmem:s21+$0xFFFFFF50] =	vst v6;
	v27 =	vmov v41;
	v41 =	vadd.s32 v56, v23;
	v6 =	vadd.f32 v62, v15;
	v15 =	vld [tilespmem:s15+$0xFFFFFFC0]  }
0x23e: {  	v52 =	vmul.f32 v59, v26;
	v59 =	vlaneseq.u32;
	v14 =	vadd.f32 v14, v22;
	v22 =	vld [tilespmem:$0x1FEA0]  }
0x23f: {  	v9 =	vadd.f32 v20, v9;
	v26 =	vmovc v43;
	v43 =	vadd.s32 v59, v23;
	v13 =	vld.idx.msk [tilespmem:v13+s18+$0x0], $0xffff;
	v20 =	vsub.f32 $1.500000000e+00, v61  }
0x240: {  	v25 =	vmov v44;
	v44 =	vld [tilespmem:s15+$0xFFFFFFA0]  }
0x241: {  	[tilespmem:s21+$0xFFFFFF40] =	vst v10;
	v18 =	vsub.f32 v24, v18;
	v61 =	vld [tilespmem:$0x1FFC0];
	v20 =	vmul.f32 v51, v20;
	v19 =	vadd.s32 v54, v23  }
0x242: {  	[tilespmem:s21+$0xFFFFFF70] =	vst v9;
	v16 =	vld.idx.msk [tilespmem:v41+s18+$0x0], $0xffff  }
0x243: {  	v8 =	vadd.f32 v18, v8;
	v9 =	vadd.f32 v60, v50;
	[tilespmem:$0x1FE30] =	vst v25;
	v25 =	vld [tilespmem:$0x1FF00];
	v60 =	vmul.f32 v20, v40  }
0x244: {  	v18 =	vadd.s32 v48, v23;
	v11 =	vadd.f32 v11, v12;
	v0 =	vadd.f32 v0, v21;
	v10 =	vld.idx.msk [tilespmem:v43+s18+$0x0], $0xffff  }
0x245: {  	v21 =	vadd.s32 v58, v23;
	v12 =	vadd.f32 v44, v53;
	v40 =	vmul.f32 v60, v20;
	v60 =	vld [tilespmem:$0x1FEC0]  }
0x246: {  	[tilespmem:s21+$0xFFFFFF80] =	vst v8;
	v8 =	vadd.f32 v17, v52;
	v62 =	vadd.s32 v61, v23;
	v17 =	vld.idx.msk [tilespmem:v19+s18+$0x0], $0xffff  }
0x247: {  	[tilespmem:s21+$0xFFFFFF90] =	vst v6;
	v6 =	vadd.f32 v42, v35;
	v35 =	vadd.f32 v12, v16;
	v12 =	vadd.s32 v63, v23;
	v23 =	vld [tilespmem:$0x1FEB0]  }
0x248: {  	v19 =	vld [tilespmem:s15+$0xFFFFFFE0];
	[tilespmem:s21+$0xFFFFFFA0] =	vst v0  }
0x249: {  	v2 =	vadd.f32 v2, v39;
	v39 =	vadd.f32 v11, v10;
	v10 =	vld.idx.msk [tilespmem:v18+s18+$0x0], $0xffff  }
0x24a: {  	v0 =	vsub.f32 $1.500000000e+00, v40;
	v40 =	vadd.f32 v6, v13;
	v13 =	vld.msk [tilespmem:s16+$0xFFFFFFFF ss:$0x0], $0xffff  }
0x24b: {  	[tilespmem:s21+$0xFFFFFFB0] =	vst v5;
	v18 =	vld [tilespmem:s8+$0xFFFFFF50]  }
0x24c: {  	v11 =	vld [tilespmem:s15+$0xFFFFFFF0];
	[tilespmem:s21+$0xFFFFFFC0] =	vst v2  }
0x24d: {  	v5 =	vadd.f32 v15, v49;
	v15 =	vmul.f32 v35, v35;
	v2 =	vmul.f32 v39, v39;
	v6 =	vld.idx.msk [tilespmem:v21+s18+$0x0], $0xffff  }
0x24e: {  	v4 =	vadd.f32 v57, v4;
	v0 =	vmul.f32 v0, v20;
	[tilespmem:s21+$0xFFFFFFD0] =	vst v9;
	v21 =	vld [tilespmem:$0x1FE90]  }
0x24f: {  	v9 =	vmul.f32 v40, v40;
	v2 =	vadd.f32 v15, v2;
	v41 =	vadd.f32 v5, v17;
	v5 =	vld.idx.msk [tilespmem:v62+s18+$0x0], $0xffff  }
0x250: {  	v16 =	vadd.f32 $0.0e+00, v39;
	v15 =	vld [tilespmem:s8+$0xFFFFFF10];
	v17 =	vmul.f32 v0, v25;
	v7 =	vadd.f32 v19, v7  }
0x251: {  	[tilespmem:s21+$0xFFFFFFE0] =	vst v8;
	v19 =	vld [tilespmem:s15+$0xFFFFFF50];
	v2 =	vadd.f32 v9, v2;
	v8 =	vmul.f32 v41, v41;
	v42 =	vadd.f32 v14, v10  }
0x252: {  	v9 =	vld.idx.msk [tilespmem:v12+s18+$0x0], $0xffff;
	v12 =	vadd.f32 v35, v16;
	v3 =	vadd.f32 v11, v3  }
0x253: {  	v10 =	vld [tilespmem:s15+$0xFFFFFF10];
	v11 =	vmul.f32 s17, v17;
	v2 =	vadd.f32 v8, v2;
	v8 =	vmul.f32 v42, v42  }
0x254: {  	v14 =	vld [tilespmem:s8+$0xFFFFFF20];
	v43 =	vadd.f32 v7, v6;
	v7 =	vadd.f32 v40, v12;
	v12 =	vmul.f32 v17, v45  }
0x255: {  	v6 =	vld [tilespmem:s15+$0xFFFFFF20];
	v11 =	vsub.f32 v24, v11;
	v44 =	vadd.f32 v3, v5;
	v3 =	vadd.s32 v59, v13  }
0x256: {  	v16 =	vld [tilespmem:s8+$0xFFFFFF30];
	v2 =	vadd.f32 v8, v2;
	v8 =	vmul.f32 v43, v43;
	v7 =	vadd.f32 v41, v7  }
0x257: {  	s10 =	spop (v2sf);
	v5 =	vld [tilespmem:s15+$0xFFFFFF30];
	v11 =	vadd.f32 v11, v12;
	v45 =	vadd.f32 v4, v9;
	v4 =	vadd.s32 v56, v13  }
0x258: {  	s9 =	smul.f32 $7.812500000e-03, s10;
	v17 =	vld [tilespmem:s15+$0xFFFFFF40];
	v9 =	vadd.s32 v55, v13;
	v10 =	vadd.f32 v10, v15;
	v15 =	vadd.s32 v48, v13  }
0x259: {  	s21 =	sadd.s32 $0x100, s21;
	v24 =	vld [tilespmem:$0x1FEE0];
	v2 =	vadd.f32 v8, v2;
	v8 =	vmul.f32 v44, v44;
	v7 =	vadd.f32 v42, v7  }
0x25a: {  	s10 =	smul.f32 s9, s9;
	s11 =	spop (v2sf);
	v12 =	vld [tilespmem:s8+$0xFFFFFF40];
	[tilespmem:s21+$0x0] =	vst v11;
	v11 =	vadd.s32 v54, v13;
	v6 =	vadd.f32 v6, v14;
	v14 =	vadd.s32 v58, v13  }
0x25b: {  	s11 =	smul.f32 $7.812500000e-03, s11;
	v2 =	vadd.f32 v8, v2;
	v8 =	vmul.f32 v45, v45;
	v7 =	vadd.f32 v43, v7;
	v3 =	vld.idx.msk [tilespmem:v3+s18+$0x0], $0xffff  }
0x25c: {  	v5 =	vadd.f32 v5, v16;
	v16 =	vadd.s32 v61, v13;
	v13 =	vadd.s32 v63, v13;
	v63 =	vld [tilespmem:$0x1FED0]  }
0x25d: {  	s10 =	ssub.f32 s11, s10;
	v2 =	vadd.f32 v8, v2;
	v8 =	vld [tilespmem:s8+$0xFFFFFF60]  }
0x25e: {  	v7 =	vadd.f32 v44, v7;
	v4 =	vld.idx.msk [tilespmem:v4+s18+$0x0], $0xffff  }
0x25f: {  	v1 =	vadd.f32 v1, v47;
	s10 =	sadd.f32 $9.999999960e-13, s10;
	v52 =	vmul.f32 v0, v21;
	v18 =	vadd.f32 v19, v18;
	v9 =	vld.idx.msk [tilespmem:v9+s18+$0x0], $0xffff  }
0x260: {  	v56 =	vmul.f32 v0, v22;
	v55 =	vmul.f32 v0, v60;
	v15 =	vld.idx.msk [tilespmem:v15+s18+$0x0], $0xffff;
	v7 =	vadd.f32 v45, v7  }
0x261: {  	v54 =	vmul.f32 v0, v23;
	v12 =	vadd.f32 v17, v12;
	(xrf2) =	vadd.scan.msk.f32 $0xffff, v2;
	v2 =	vmov s10;
	v11 =	vld.idx.msk [tilespmem:v11+s18+$0x0], $0xffff  }
0x262: {  	v17 =	vshrl.u32 v2, $0x1;
	v2 =	vmul.f32 $5.000000000e-01, v2;
	v3 =	vadd.f32 v10, v3;
	v10 =	vld [tilespmem:s15+$0xFFFFFF60];
	(xrf2) =	vadd.scan.msk.f32 $0xffff, v7  }
0x263: {  	v59 =	vmul.f32 v0, v24;
	v17 =	vsub.s32 $0x5F3759DF, v17;
	v57 =	vadd.f32 v6, v4;
	v4 =	vld [tilespmem:s8+$0xFFFFFF70]  }
0x264: {  	v7 =	vmul.f32 v17, v2;
	v19 =	vadd.f32 $0.0e+00, v3;
	v49 =	vadd.f32 v5, v9;
	v5 =	vld [tilespmem:s15+$0xFFFFFF70]  }
0x265: {  	[tilespmem:s22+$0xFFFFFFF0] =	vst v1;
	v14 =	vld.idx.msk [tilespmem:v14+s18+$0x0], $0xffff;
	v53 =	vmul.f32 v0, v63;
	v20 =	vmul.f32 v3, v3  }
0x266: {  	v9 =	vld.idx.msk [tilespmem:v16+s18+$0x0], $0xffff;
	v50 =	vadd.f32 v18, v15;
	v7 =	vmul.f32 v17, v7;
	v1 =	vadd.f32 v57, v19  }
0x267: {  	v15 =	vld [tilespmem:s15+$0xFFFFFF80];
	v51 =	vadd.f32 v12, v11;
	v11 =	vmul.f32 v49, v49;
	v8 =	vadd.f32 v10, v8  }
0x268: {  	v10 =	vld [tilespmem:s8+$0xFFFFFF80];
	v6 =	vsub.f32 $1.500000000e+00, v7;
	v7 =	vmul.f32 v57, v57;
	v1 =	vadd.f32 v49, v1  }
0x269: {  	v18 =	vmul.f32 v50, v50;
	v12 =	vmul.f32 v51, v51;
	v4 =	vadd.f32 v5, v4  }
0x26a: {  	v7 =	vadd.f32 v7, v20;
	v6 =	vmul.f32 v17, v6;
	v1 =	vadd.f32 v51, v1  }
0x26b: {  	v47 =	vadd.f32 v8, v14;
	v8 =	vld.idx.msk [tilespmem:v13+s18+$0x0], $0xffff;
	v14 =	vmul.f32 s17, v55;
	v16, _, _ =	vpop (xrf2);
	v48 =	vadd.f32 v4, v9  }
0x26c: {  	v17 =	vld [tilespmem:$0x1FEF0];
	v7 =	vadd.f32 v11, v7;
	v2 =	vmul.f32 v6, v2;
	v1 =	vadd.f32 v50, v1;
	v5, _, _ =	vpop (xrf2)  }
0x26d: {  	v4 =	vmul.f32 s17, v56;
	v9 =	vadd.f32 v15, v10;
	(v2sf) =	vpush v5, $0xF  }
0x26e: {  	v10 =	vmul.f32 s17, v54;
	v15 =	vld [tilespmem:$0x1FF10];
	v2 =	vmul.f32 v2, v6;
	(v2sf) =	vpush v16, $0xF  }
0x26f: {  	v11 =	vmul.f32 v48, v48;
	v7 =	vadd.f32 v12, v7;
	v1 =	vadd.f32 v47, v1  }
0x270: {  	v5 =	vmul.f32 s17, v52;
	v58 =	vadd.f32 v9, v8;
	v2 =	vsub.f32 $1.500000000e+00, v2  }
0x271: {  	v61 =	vmul.f32 v0, v17;
	v0 =	vmul.f32 v47, v47;
	v7 =	vadd.f32 v18, v7  }
0x272: {  	v1 =	vadd.f32 v48, v1;
	v8 =	vmul.f32 v58, v58;
	v18 =	vld [tilespmem:$0x1FF20];
	v2 =	vmul.f32 v2, v6  }
0x273: {  	v62 =	vsub.f32 v15, v5;
	v5 =	vmul.f32 s17, v53;
	v0 =	vadd.f32 v0, v7  }
0x274: {  	v7 =	vadd.f32 v58, v1;
	v21 =	vmul.f32 v2, v21;
	v1 =	vmul.f32 v2, v22;
	v22 =	vld [tilespmem:$0x1FF30]  }
0x275: {  	v13 =	vmul.f32 v2, v23;
	v12 =	vmul.f32 v2, v60;
	v23 =	vld [tilespmem:$0x1FF40]  }
0x276: {  	v6 =	vadd.f32 v11, v0;
	(xrf2) =	vadd.scan.msk.f32 $0xffff, v7;
	v11 =	vmul.f32 v2, v63;
	v7 =	vmul.f32 v2, v24;
	v24 =	vld [tilespmem:$0x1FF50]  }
0x277: {  	v9 =	vmul.f32 v2, v17;
	v17 =	vmul.f32 s17, v59;
	v0 =	vsub.f32 v18, v4  }
0x278: {  	s14 =	sadd.s32 $0x2, s14;
	v4 =	vadd.f32 v8, v6;
	v8 =	vmul.f32 v2, v25;
	v6 =	vmul.f32 s9, v1  }
0x279: {  	p0 =	slt.u32 s14, $0x3E;
	v19 =	vmul.f32 s9, v7;
	v20 =	vmul.f32 s9, v9  }
.Ltmp1:
0x27a: {  	(xrf2) =	vadd.scan.msk.f32 $0xffff, v4;
	v4 =	vmul.f32 s9, v21;
	v21 =	vmul.f32 v21, v46;
	v63 =	vsub.f32 v22, v10;
	(pc) =	sbr.rel @p0 .LBB2_5-.Ltmp1, $4  }
0x27b: {  	v2 =	vsub.f32 v23, v14;
	v60 =	vsub.f32 v24, v5;
	v5 =	vmul.f32 s9, v13  }
0x27c: {  	v10 =	vmul.f32 s9, v12;
	v16 =	vsub.f32 v15, v4;
	v4 =	vmul.f32 s9, v11;
	s10 =	spop (v2sf)  }
0x27d: {  	v14 =	vsub.f32 v18, v6;
	v15 =	vmul.f32 s17, v61;
	v5 =	vsub.f32 v22, v5;
	s11 =	spop (v2sf);
	s17 =	smul.f32 $7.812500000e-03, s10  }
0x27e: {  	s22 =	smov.u32 s21;
	s8 =	sadd.s32 $0x100, s8;
	v46 =	vmovc v3;
	v18 =	vmul.f32 s9, v8;
	v10 =	vsub.f32 v23, v10;
	v6 =	vsub.f32 v24, v4;
	s9 =	smul.f32 $7.812500000e-03, s11  }
0x27f: {  	_ =	sdelay $0x1  }
0x280: {  	v3, _, _ =	vpop (xrf2)  }
0x281: {  	(v2sf) =	vpush v3, $0xF;
	_ =	sdelay $0x1  }
0x282: {  	v3, _, _ =	vpop (xrf2)  }
0x283: {  	(v2sf) =	vpush v3, $0xF;
	_ =	sdelay $0x9  }
0x284: {  	s8 =	smul.f32 s17, s17;
	_ =	sdelay $0x1  }
0x285: {  	s9 =	ssub.f32 s9, s8;
	s15 =	spop (v2sf)  }
0x286: {  	s8 =	smul.f32 $7.812500000e-03, s15  }
0x287: {  	s9 =	sadd.f32 $9.999999960e-13, s9  }
0x288: {  	s10 =	smul.f32 s8, s8;
	s11 =	spop (v2sf)  }
0x289: {  	s11 =	smul.f32 $7.812500000e-03, s11  }
0x28a: {  	v3 =	vmov s9  }
0x28b: {  	v4 =	vshrl.u32 v3, $0x1;
	v3 =	vmul.f32 $5.000000000e-01, v3;
	s16 =	ssub.f32 s11, s10  }
0x28c: {  	v4 =	vsub.s32 $0x5F3759DF, v4  }
0x28d: {  	v22 =	vmul.f32 v4, v3;
	s9 =	sadd.f32 $9.999999960e-13, s16;
	_ =	sdelay $0x1  }
0x28e: {  	v22 =	vmul.f32 v4, v22;
	v23 =	vmov s9  }
0x28f: {  	v12 =	vmul.f32 v12, v34;
	v34 =	vshrl.u32 v23, $0x1;
	v23 =	vmul.f32 $5.000000000e-01, v23  }
0x290: {  	v1 =	vmul.f32 v1, v31;
	v22 =	vsub.f32 $1.500000000e+00, v22;
	v31 =	vsub.s32 $0x5F3759DF, v34  }
0x291: {  	v7 =	vmul.f32 v7, v36;
	v36 =	vmul.f32 v31, v23  }
0x292: {  	v4 =	vmul.f32 v4, v22;
	v22 =	vld [tilespmem:$0x1FE20]  }
0x293: {  	v24 =	vmul.f32 v31, v36  }
0x294: {  	v13 =	vmul.f32 v13, v33  }
0x295: {  	v9 =	vmul.f32 v9, v37;
	v8 =	vmul.f32 v8, v38;
	v24 =	vsub.f32 $1.500000000e+00, v24  }
0x296: {  	v16 =	vadd.f32 v16, v21;
	v21 =	vmul.f32 v56, v29;
	v38 =	vmul.f32 v53, v30;
	v30 =	vld [tilespmem:$0x1FF80]  }
0x297: {  	v29 =	vld [tilespmem:$0x1FF70];
	v22 =	vmul.f32 v52, v22;
	v52 =	vmul.f32 v31, v24  }
0x298: {  	v37 =	vmul.f32 v54, v28;
	v28 =	vld [tilespmem:$0x1FF60];
	v3 =	vmul.f32 v4, v3  }
0x299: {  	v1 =	vadd.f32 v14, v1;
	v56 =	vadd.f32 v62, v22;
	v62 =	vld [tilespmem:$0x1FE30];
	v23 =	vmul.f32 v52, v23  }
0x29a: {  	v25 =	vmul.f32 v55, v27;
	v5 =	vadd.f32 v5, v13;
	v3 =	vmul.f32 v3, v4;
	v24 =	vld [tilespmem:$0x1FF00];
	[tilespmem:s21+$0xFFFFFF10] =	vst v16  }
0x29b: {  	v10 =	vadd.f32 v10, v12;
	v20 =	vsub.f32 v30, v20;
	[tilespmem:s21+$0xFFFFFF20] =	vst v1;
	v55 =	vmul.f32 v23, v52  }
0x29c: {  	v11 =	vmul.f32 v11, v32;
	v19 =	vsub.f32 v29, v19;
	v3 =	vsub.f32 $1.500000000e+00, v3;
	v22 =	vld [tilespmem:$0x1FEA0]  }
0x29d: {  	v54 =	vadd.f32 v20, v9;
	v31 =	vld [tilespmem:$0x1FE90];
	[tilespmem:s21+$0xFFFFFF30] =	vst v5;
	v9 =	vsub.f32 $1.500000000e+00, v55  }
0x29e: {  	v6 =	vadd.f32 v6, v11;
	v3 =	vmul.f32 v3, v4;
	v23 =	vld [tilespmem:$0x1FEB0]  }
0x29f: {  	v7 =	vadd.f32 v19, v7;
	[tilespmem:s21+$0xFFFFFF40] =	vst v10;
	v9 =	vmul.f32 v9, v52  }
0x2a0: {  	v53 =	vmul.f32 v59, v26;
	v0 =	vadd.f32 v0, v21;
	[tilespmem:s21+$0xFFFFFF50] =	vst v6;
	v59 =	vmul.f32 v3, v24  }
0x2a1: {  	v18 =	vsub.f32 v28, v18;
	v14 =	vmul.f32 v3, v22;
	v34 =	vmul.f32 v9, v22;
	v22 =	vld [tilespmem:$0x1FEC0];
	[tilespmem:s21+$0xFFFFFF60] =	vst v7  }
0x2a2: {  	v17 =	vsub.f32 v29, v17;
	v20 =	vadd.f32 v63, v37;
	v63 =	vmul.f32 s17, v59;
	[tilespmem:s21+$0xFFFFFF70] =	vst v54  }
0x2a3: {  	v8 =	vadd.f32 v18, v8;
	v16 =	vmul.f32 v3, v23;
	v36 =	vmul.f32 v9, v23;
	v23 =	vld [tilespmem:$0x1FF10]  }
0x2a4: {  	v21 =	vmul.f32 v59, v45;
	v32 =	vsub.f32 v28, v63;
	v18 =	vmul.f32 v9, v31  }
0x2a5: {  	v2 =	vadd.f32 v2, v25  }
0x2a6: {  	v33 =	vadd.f32 v17, v53;
	v5 =	vadd.f32 v32, v21;
	[tilespmem:s21+$0xFFFFFF80] =	vst v8;
	v21 =	vmul.f32 s8, v18  }
0x2a7: {  	v19 =	vmul.f32 v61, v62;
	v1 =	vadd.f32 v60, v38;
	v12 =	vmul.f32 v3, v31;
	v25 =	vld [tilespmem:$0x1FF20]  }
0x2a8: {  	v38 =	vmul.f32 v18, v46;
	v45 =	vmul.f32 s8, v34;
	v53 =	vsub.f32 v23, v21;
	v21 =	vld [tilespmem:$0x1FED0];
	[tilespmem:s21+$0xFFFFFF90] =	vst v56  }
0x2a9: {  	v46 =	vmul.f32 v34, v57;
	v37 =	vmul.f32 v9, v22;
	v57 =	vld [tilespmem:$0x1FEE0]  }
0x2aa: {  	v52 =	vmul.f32 s8, v36;
	v54 =	vmul.f32 v36, v49;
	v26 =	vld [tilespmem:$0x1FF30];
	[tilespmem:s21+$0xFFFFFFA0] =	vst v0  }
0x2ab: {  	v36 =	vmul.f32 v3, v22;
	v61 =	vmul.f32 v37, v51;
	[tilespmem:s21+$0xFFFFFFB0] =	vst v20  }
0x2ac: {  	v18 =	vsub.f32 v25, v45;
	v6 =	vmul.f32 s8, v37;
	[tilespmem:s21+$0xFFFFFFC0] =	vst v2;
	v45 =	vmul.f32 v12, v39  }
0x2ad: {  	v12 =	vmul.f32 s17, v12;
	v10 =	vmul.f32 s17, v36;
	v63 =	vld [tilespmem:$0x1FEF0]  }
0x2ae: {  	v56 =	vadd.f32 v53, v38;
	v20 =	vld [tilespmem:$0x1FF40];
	v53 =	vmul.f32 s17, v14;
	v55 =	vmul.f32 v9, v21  }
0x2af: {  	v15 =	vsub.f32 v30, v15;
	v59 =	vmul.f32 v9, v57;
	v49 =	vmul.f32 v3, v57  }
0x2b0: {  	v13 =	vsub.f32 v26, v52;
	v52 =	vmul.f32 v14, v35;
	v57 =	vmul.f32 v36, v41  }
0x2b1: {  	v7 =	vadd.f32 v15, v19;
	[tilespmem:s21+$0xFFFFFFD0] =	vst v1;
	v62 =	vmul.f32 v55, v50;
	v17 =	vmul.f32 s8, v55  }
0x2b2: {  	v60 =	vadd.f32 v18, v46;
	v31 =	vmul.f32 v9, v63;
	v9 =	vmul.f32 v9, v24;
	v24 =	vld [tilespmem:$0x1FF50];
	[tilespmem:s21+$0xFFFFFFE0] =	vst v33;
	s21 =	sadd.s32 $0x100, s21  }
0x2b3: {  	v6 =	vsub.f32 v20, v6;
	v50 =	vsub.f32 v23, v12;
	v55 =	vmul.f32 v16, v40;
	[tilespmem:s21+$0x0] =	vst v5  }
0x2b4: {  	v8 =	vadd.f32 v13, v54;
	v32 =	vmul.f32 v59, v47;
	v15 =	vmul.f32 s8, v59;
	[tilespmem:s22+$0xFFFFFFF0] =	vst v7  }
0x2b5: {  	[tilespmem:s21+$0xFFFFFF10] =	vst v56;
	v47 =	vmul.f32 v3, v21;
	v56 =	vmul.f32 s17, v16;
	v7 =	vsub.f32 v25, v53  }
0x2b6: {  	[tilespmem:s21+$0xFFFFFF20] =	vst v60;
	v60 =	vmul.f32 s17, v49;
	v4 =	vadd.f32 v6, v61;
	v2 =	vmul.f32 s8, v31  }
0x2b7: {  	v38 =	vmul.f32 v9, v58;
	v54 =	vadd.f32 v50, v45;
	v37 =	vsub.f32 v29, v15;
	[tilespmem:s21+$0xFFFFFF30] =	vst v8  }
0x2b8: {  	v9 =	vmul.f32 s8, v9;
	v11 =	vsub.f32 v26, v56;
	v6 =	vadd.f32 v7, v52;
	[tilespmem:s21+$0xFFFFFF40] =	vst v4  }
0x2b9: {  	v33 =	vmul.f32 v31, v48;
	v2 =	vsub.f32 v30, v2;
	[tilespmem:s21+$0xFFFFFF90] =	vst v54;
	v1 =	vadd.f32 v37, v32  }
0x2ba: {  	v3 =	vmul.f32 v3, v63;
	v48 =	vsub.f32 v28, v9;
	v9 =	vadd.f32 v11, v55;
	[tilespmem:s21+$0xFFFFFFA0] =	vst v6  }
0x2bb: {  	v8 =	vmul.f32 v49, v43;
	v4 =	vsub.f32 v29, v60;
	v46 =	vadd.f32 v2, v33;
	[tilespmem:s21+$0xFFFFFF60] =	vst v1  }
0x2bc: {  	v61 =	vmul.f32 s17, v3;
	v17 =	vsub.f32 v24, v17;
	v51 =	vadd.f32 v48, v38;
	[tilespmem:s21+$0xFFFFFFB0] =	vst v9  }
0x2bd: {  	v59 =	vsub.f32 v20, v10;
	v2 =	vmul.f32 s17, v47;
	v4 =	vadd.f32 v4, v8;
	[tilespmem:s21+$0xFFFFFF70] =	vst v46  }
0x2be: {  	v3 =	vmul.f32 v3, v44;
	v34 =	vadd.f32 v17, v62;
	v62 =	vsub.f32 v30, v61;
	[tilespmem:s21+$0xFFFFFF80] =	vst v51  }
0x2bf: {  	v58 =	vmul.f32 v47, v42;
	v1 =	vadd.f32 v59, v57;
	v2 =	vsub.f32 v24, v2;
	[tilespmem:s21+$0xFFFFFFE0] =	vst v4  }
0x2c0: {  	[tilespmem:s21+$0xFFFFFF50] =	vst v34;
	v63 =	vadd.f32 v62, v3  }
0x2c1: {  	[tilespmem:s21+$0xFFFFFFC0] =	vst v1;
	v0 =	vadd.f32 v2, v58  }
0x2c2: {  	[tilespmem:s21+$0xFFFFFFF0] =	vst v63  }
0x2c3: {  	[tilespmem:s21+$0xFFFFFFD0] =	vst v0  }
0x2c4: {  	s3 =	sadd.s32 $0x1, s3;
	v22 =	vld [tilespmem:$0x1FFA0]  }
0x2c5: {  	p0 =	sne.s32 s3, $0x32;
	v23 =	vld [tilespmem:$0x1FF90]  }
.Ltmp2:
0x2c6: {  	s5 =	sshll.u32 s5, $0xD;
	v47 =	vld [tilespmem:$0x1FFE0];
	(pc) =	sbr.rel @p0 .LBB2_2-.Ltmp2, $4  }
0x2c7: {  	s5 =	sadd.s32 s12, s5;
	v25 =	vld [tilespmem:$0x1FFB0]  }
0x2c8: {  	s5 =	sshrl.u32 s5, $0x3;
	v48 =	vld [tilespmem:$0x1FFD0]  }
0x2c9: {  	s4 =	sadd.s32 $0x80, s4;
	s0 =	sadd.s32 $0x80, s0;
	s5 =	sadd.s32 s6, s5;
	v43 =	vld [tilespmem:$0x1FFC0]  }
0x2ca: {  	v46 =	vlaneseq.u32;
	[hbm4b:s5+s7] =	stream.linear.scatter [tilespmem:s28], [sflag:$0x4], $0x2000, $0x38;
	v49 =	vld [tilespmem:$0x1FFF0]  }
0x2cb: {  	s31 =	sadd.s32 $0x1, s31  }
0x2cc: {  	_ =	swait.ge [sflag:s29], $0x2000;
	p0 =	sne.s32 s31, s13  }
.Ltmp3:
0x2cd: {  	[sflag:s29] =	ssyncset.done $0x0;
	(pc) =	sbr.rel @p0 .LBB2_1-.Ltmp3, $4  }
0x2ce: {  	[sflag:s29] =	ssyncadd.s32 $0xFFFFE000  }
0x2cf: {  	_ =	swait.ge [sflag:s30], $0x2000  }
0x2d0: {  	[sflag:s30] =	ssyncset.done $0x0  }
0x2d1: {  	[sflag:s30] =	ssyncadd.s32 $0xFFFFE000  }
0x2d2: {  	_ =	sfence.sel $0x180000  }
0x2d3: {  	[bflag:$0x0] =	sbarrier.arrive $0xFFFF  }
0x2d4: {  	_ =	strace $0x90000047  }
0x2d5: {  	s0 =	stileid.u32;
	[bflag:$0x2] =	sbarrier.arrive $0xFFFF  }
0x2d6: {  	p0 =	sne.s32 s0, $0x0;
	s0 =	rddreg [dreg:$0x6]  }
0x2d7: {  	s0 =	sadd.s32 @!p0 $0x100000, s0  }
0x2d8: {  	[sflag:s0] =	ssyncadd.tile.s32 @!p0 $0x1;
	_ =	shalt  }
.Lfunc_end2:
_tile_overlayer_lowered:
.L_overlay_start_2:
0x2d9: {  	(tag) =	ssettag $0x2  }
0x2da: {  	s0 =	rddreg [dreg:$0x0];
	s2 =	stileid.u32  }
0x2db: {  	s1 =	rddreg [dreg:$0x1];
	p0 =	sne.s32 s2, $0x0  }
0x2dc: {  	s3 =	rddreg [dreg:$0x2];
	[bflag:$0x3] =	sbarrier.arrive $0xFFFF;
	s2 =	simm.s32 @!p0 $0x1C05  }
0x2dd: {  	[timem:s3], [sflag:s2] =	dma.local @!p0 [hbm:s0], s1  }
0x2de: {  	s0 =	simm.s32 @!p0 $0x5  }
0x2df: {  	_ =	swait.ge @!p0 [sflag:s0], s1  }
0x2e0: {  	s1 =	ssub.s32 @!p0 $0x0, s1;
	[sflag:s0] =	ssyncset.done @!p0 $0x0  }
0x2e1: {  	[sflag:s0] =	ssyncadd.s32 @!p0 s1  }
0x2e2: {  	[bflag:$0x3] =	sbarrier.arrive $0xFFFF  }
0x2e3: {  	_ =	shalt  }

</sc_bundles>
